<compile_context>
chip_gen: v7x
topology: tpu7x:2x2x1
jax: 0.10.2.dev20260603
libtpu: 0.0.44.dev20260713+nightly
codegen_flags: <defaults>
</compile_context>

<pallas_src>
import functools

import jax
import jax.numpy as jnp
from jax import lax
from jax.experimental import pallas as pl
from jax.experimental.pallas import tpu as pltpu
from jax.experimental.pallas import tpu_sc as plsc

N = 10000
E = 320000
D = 128

NC = 2
NS = 16
NW = NC * NS
CHUNK = E // NW
K = 80
NBLK = CHUNK // K
RPT0 = 624
NTAIL0 = NS * RPT0
NTAIL = N - NTAIL0
DW = 8


def _tiled_copy(src, dst, sid):
    r0 = pl.multiple_of(sid * RPT0, 8)
    pltpu.sync_copy(src.at[pl.ds(r0, RPT0)], dst.at[pl.ds(r0, RPT0)])

    @pl.when(sid == NS - 1)
    def _():
        pltpu.sync_copy(src.at[pl.ds(NTAIL0, NTAIL)], dst.at[pl.ds(NTAIL0, NTAIL)])


@functools.cache
def _deg_kernel():
    mesh = plsc.VectorSubcoreMesh(core_axis_name="c", subcore_axis_name="s")
    return functools.partial(
        pl.kernel,
        mesh=mesh,
        out_type=jax.ShapeDtypeStruct((NW * N,), jnp.float32),
        scratch_types=[
            pltpu.VMEM((CHUNK,), jnp.int32),
            pltpu.VMEM((N,), jnp.float32),
            pltpu.VMEM((16,), jnp.int32),
        ],
        compiler_params=pltpu.CompilerParams(needs_layout_passes=False),
    )(_deg_body)


def _deg_body(col_hbm, out_hbm, cols_v, hist_v, tmp_v):
    cid = lax.axis_index("c")
    sid = lax.axis_index("s")
    wid = sid * NC + cid
    pltpu.sync_copy(col_hbm.at[wid], cols_v)
    zeros16 = jnp.zeros((16,), jnp.float32)

    def zbody(i, carry):
        hist_v[pl.ds(i * 16, 16)] = zeros16
        return carry

    lax.fori_loop(0, N // 16, zbody, 0)

    iota = lax.iota(jnp.int32, 16)

    def body(i, carry):
        idx = cols_v[pl.ds(i * 16, 16)]
        s = lax.sort(idx)
        tmp_v[...] = s
        prev = plsc.load_gather(tmp_v, [jnp.maximum(iota - 1, 0)])
        nxt = plsc.load_gather(tmp_v, [jnp.minimum(iota + 1, 15)])
        isnew = (s != prev) | (iota == 0)
        islast = (s != nxt) | (iota == 15)
        start = plsc.cummax(jnp.where(isnew, iota, 0))
        cnt = (iota - start + 1).astype(jnp.float32)
        cur = plsc.load_gather(hist_v, [s])
        plsc.store_scatter(hist_v, [s], cur + cnt, mask=islast)
        return carry

    lax.fori_loop(0, CHUNK // 16, body, 0)
    pltpu.sync_copy(hist_v,
                    out_hbm.at[pl.ds(pl.multiple_of(wid * N, 8), N)])


@functools.cache
def _scatter_kernel():
    mesh = plsc.VectorSubcoreMesh(core_axis_name="c", subcore_axis_name="s")
    return functools.partial(
        pl.kernel,
        mesh=mesh,
        out_type=jax.ShapeDtypeStruct((NC, N, D), jnp.float32),
        scratch_types=[
            pltpu.VMEM((5, K), jnp.int32),
            pltpu.VMEM((5, K), jnp.int32),
            pltpu.VMEM((4, K, D), jnp.float32),
            pltpu.VMEM_SHARED((N, D), jnp.float32),
            pltpu.SemaphoreType.DMA,
            pltpu.SemaphoreType.DMA,
            pltpu.SemaphoreType.DMA,
        ],
    )(_scatter_body)


def _scatter_body(g_hbm, row_hbm, col_hbm, zeros_hbm, out_hbm,
                  rows_v, cols_v, buf_v, acc_sh, gsem, isem, ssem):
    cid = lax.axis_index("c")
    sid = lax.axis_index("s")
    wid = sid * NC + cid

    @pl.when(cid == 0)
    def _():
        _tiled_copy(g_hbm, acc_sh, sid)

    @pl.when(cid == 1)
    def _():
        _tiled_copy(zeros_hbm, acc_sh, sid)

    plsc.subcore_barrier()

    pltpu.sync_copy(row_hbm.at[wid].at[0], rows_v.at[0])
    pltpu.sync_copy(col_hbm.at[wid].at[0], cols_v.at[0])
    pltpu.sync_copy(row_hbm.at[wid].at[1], rows_v.at[1])
    pltpu.sync_copy(col_hbm.at[wid].at[1], cols_v.at[1])
    pltpu.sync_copy(row_hbm.at[wid].at[2], rows_v.at[2])
    pltpu.sync_copy(col_hbm.at[wid].at[2], cols_v.at[2])
    pltpu.async_copy(g_hbm.at[rows_v.at[0]], buf_v.at[0], gsem)
    pltpu.async_copy(g_hbm.at[rows_v.at[1]], buf_v.at[1], gsem)
    pltpu.async_copy(g_hbm.at[rows_v.at[2]], buf_v.at[2], gsem)
    pltpu.async_copy(row_hbm.at[wid].at[3], rows_v.at[3], isem)
    pltpu.async_copy(col_hbm.at[wid].at[3], cols_v.at[3], isem)

    def _drain_scatter():
        pltpu.make_async_copy(g_hbm.at[rows_v.at[0]], buf_v.at[0],
                              ssem).wait()

    def body(j, carry):
        slot = lax.rem(j, 4)
        islot = lax.rem(j, 6)
        pltpu.make_async_copy(g_hbm.at[rows_v.at[islot]], buf_v.at[slot],
                              gsem).wait()

        @pl.when(j >= 1)
        def _():
            _drain_scatter()

        pltpu.async_copy(buf_v.at[slot], acc_sh.at[cols_v.at[islot]], ssem,
                         add=True)

        @pl.when(j + 3 < NBLK)
        def _():
            ns = lax.rem(j + 3, 6)
            pltpu.make_async_copy(row_hbm.at[wid].at[j + 3], rows_v.at[ns],
                                  isem).wait()
            pltpu.make_async_copy(col_hbm.at[wid].at[j + 3], cols_v.at[ns],
                                  isem).wait()
            pltpu.async_copy(g_hbm.at[rows_v.at[ns]], buf_v.at[lax.rem(j + 3, 4)],
                             gsem)

        @pl.when(j + 4 < NBLK)
        def _():
            ps = lax.rem(j + 4, 6)
            pltpu.async_copy(row_hbm.at[wid].at[j + 4], rows_v.at[ps], isem)
            pltpu.async_copy(col_hbm.at[wid].at[j + 4], cols_v.at[ps], isem)

        return carry

    lax.fori_loop(0, NBLK, body, 0)
    _drain_scatter()
    plsc.subcore_barrier()
    _tiled_copy(acc_sh, out_hbm.at[cid], sid)



_RB = 1000


def _scale_body(dp_ref, x_ref, w_ref, dis_ref, g_ref):
    deg = jnp.sum(dp_ref[...], axis=1, keepdims=True) + 1.0
    dis = lax.rsqrt(deg)
    dis_ref[...] = jnp.broadcast_to(dis, (_RB, DW))
    h = jnp.dot(x_ref[...], w_ref[...], preferred_element_type=jnp.float32)
    g_ref[...] = h * dis


def _scale(dp, x, w):
    return pl.pallas_call(
        _scale_body,
        grid=(N // _RB,),
        in_specs=[
            pl.BlockSpec((_RB, NW), lambda i: (i, 0)),
            pl.BlockSpec((_RB, D), lambda i: (i, 0)),
            pl.BlockSpec((D, D), lambda i: (0, 0)),
        ],
        out_specs=[
            pl.BlockSpec((_RB, DW), lambda i: (i, 0)),
            pl.BlockSpec((_RB, D), lambda i: (i, 0)),
        ],
        out_shape=[
            jax.ShapeDtypeStruct((N, DW), jnp.float32),
            jax.ShapeDtypeStruct((N, D), jnp.float32),
        ],
    )(dp, x, w)


def _mid_body(p_ref, dis_ref, w_ref, b_ref, g_ref):
    dis = dis_ref[...][:, 0:1]
    o1 = dis * (p_ref[0] + p_ref[1]) + b_ref[...]
    o1 = jnp.maximum(o1, 0.0)
    g_ref[...] = jnp.dot(o1, w_ref[...],
                         preferred_element_type=jnp.float32) * dis


def _mid(p, dis, w, b):
    return pl.pallas_call(
        _mid_body,
        grid=(N // _RB,),
        in_specs=[
            pl.BlockSpec((NC, _RB, D), lambda i: (0, i, 0)),
            pl.BlockSpec((_RB, DW), lambda i: (i, 0)),
            pl.BlockSpec((D, D), lambda i: (0, 0)),
            pl.BlockSpec((1, D), lambda i: (0, 0)),
        ],
        out_specs=pl.BlockSpec((_RB, D), lambda i: (i, 0)),
        out_shape=jax.ShapeDtypeStruct((N, D), jnp.float32),
    )(p, dis, w, b)


def _fin_body(p_ref, dis_ref, b_ref, o_ref):
    dis = dis_ref[...][:, 0:1]
    o_ref[...] = dis * (p_ref[0] + p_ref[1]) + b_ref[...]


def _fin(p, dis, b):
    return pl.pallas_call(
        _fin_body,
        grid=(N // _RB,),
        in_specs=[
            pl.BlockSpec((NC, _RB, D), lambda i: (0, i, 0)),
            pl.BlockSpec((_RB, DW), lambda i: (i, 0)),
            pl.BlockSpec((1, D), lambda i: (0, 0)),
        ],
        out_specs=pl.BlockSpec((_RB, D), lambda i: (i, 0)),
        out_shape=jax.ShapeDtypeStruct((N, D), jnp.float32),
    )(p, dis, b)



@jax.jit
def kernel(x, edge_index, W1, b1, W2, b2):
    row = edge_index[0].reshape(NW, NBLK, K)
    col = edge_index[1].reshape(NW, NBLK, K)
    col2 = edge_index[1].reshape(NW, CHUNK)
    zeros2d = jnp.zeros((N, D), jnp.float32)

    dp = _deg_kernel()(col2).reshape(NW, N).T
    dis, g1 = _scale(dp, x, W1)
    p1 = _scatter_kernel()(g1, row, col, zeros2d)
    g2 = _mid(p1, dis, W2, b1.reshape(1, D))
    p2 = _scatter_kernel()(g2, row, col, zeros2d)
    return _fin(p2, dis, b2.reshape(1, D))

# --- scband reference (transcript-rebuilt; emitter-appended) ---
"""Pipeline reference for scband-gcn-51694226374712 (READ-ONLY COPY).

The authoritative reference and input builder live on the scoring server;
editing this copy changes nothing except your own understanding.
"""

import jax, jax.numpy as jnp
import numpy as np

N = 10000
E = 320000
D_IN = 128
D_H = 128
D_OUT = 128


def setup_inputs(seed: int = 0) -> dict:
    key = jax.random.key(seed)
    k1, k2, k3, k4, k5, k6 = jax.random.split(key, 6)
    x = jax.random.normal(k1, (N, D_IN), dtype=jnp.float32)
    edge_index = jax.random.randint(k2, (2, E), 0, N, dtype=jnp.int32)
    # GCNConv layer parameters (glorot-ish init)
    W1 = jax.random.normal(k3, (D_IN, D_H), dtype=jnp.float32) * (1.0 / np.sqrt(D_IN))
    b1 = jnp.zeros((D_H,), dtype=jnp.float32)
    W2 = jax.random.normal(k4, (D_H, D_OUT), dtype=jnp.float32) * (1.0 / np.sqrt(D_H))
    b2 = jnp.zeros((D_OUT,), dtype=jnp.float32)
    return {"x": x, "edge_index": edge_index, "W1": W1, "b1": b1, "W2": W2, "b2": b2}


def _gcn_conv(x, edge_index, W, b):
    # Faithful PyG GCNConv: add self-loops, symmetric normalization, linear, scatter-add aggregate
    n = x.shape[0]
    row = edge_index[0]
    col = edge_index[1]
    ew = jnp.ones((row.shape[0],), dtype=x.dtype)
    loop = jnp.arange(n, dtype=row.dtype)
    row = jnp.concatenate([row, loop])
    col = jnp.concatenate([col, loop])
    ew = jnp.concatenate([ew, jnp.ones((n,), dtype=x.dtype)])
    deg = jax.ops.segment_sum(ew, col, num_segments=n)
    deg_inv_sqrt = jnp.where(deg > 0, jax.lax.rsqrt(jnp.where(deg > 0, deg, 1.0)), 0.0)
    norm = deg_inv_sqrt[row] * ew * deg_inv_sqrt[col]
    h = x @ W
    msg = h[row] * norm[:, None]
    out = jax.ops.segment_sum(msg, col, num_segments=n)
    return out + b


def reference(x, edge_index, W1, b1, W2, b2):
    # dropout p=0.0 (eval) is identity
    h = jax.nn.relu(_gcn_conv(x, edge_index, W1, b1))
    out = _gcn_conv(h, edge_index, W2, b2)
    return out

if __name__ == "__main__":
    import jax
    _d = setup_inputs()
    print(jax.jit(kernel)(*tuple(_d.values())))

</pallas_src>

<mosaic_0001>
#map = affine_map<(d0, d1) -> (0, 0)>
#map1 = affine_map<(d0, d1) -> (0)>
module attributes {stable_mosaic.version = 14 : i64} {
  func.func @_deg_body(%arg0: i32, %arg1: i32, %arg2: memref<32x10000xi32, #tpu.memory_space<hbm>>, %arg3: memref<320000xf32, #tpu.memory_space<hbm>>, %arg4: memref<10000xi32, #tpu.memory_space<vmem>>, %arg5: memref<10000xf32, #tpu.memory_space<vmem>>, %arg6: memref<16xi32, #tpu.memory_space<vmem>>) attributes {dimension_semantics = [#tpu.dimension_semantics<core_parallel>, #tpu.dimension_semantics<subcore_parallel>], iteration_bounds = array<i64: 2, 16>, scalar_prefetch = 0 : i64, scratch_operands = 3 : i64, tpu.core_type = #tpu.core_type<sc_vector_subcore>, window_params = [{transform_indices = #map}, {transform_indices = #map1}]} {
    %mul3A = arith.constant 2 : i32
    %mul3A_0 = arith.muli %arg1, %mul3A : i32
    %add3A = arith.addi %mul3A_0, %arg0 : i32
    "tpu.region"() ({
      %run_scoped3A = tpu.sem_alloc : memref<!tpu.dma_semaphore, #tpu.memory_space<semaphore_mem>>
      %dma_start3A = arith.constant 0 : i32
      %dma_start3A_15 = tpu.memref_slice %arg2[%add3A, %dma_start3A] : memref<32x10000xi32, #tpu.memory_space<hbm>> -> memref<1x10000xi32, #tpu.memory_space<hbm>>
      %dma_start3A_16 = tpu.memref_squeeze %dma_start3A_15 : memref<1x10000xi32, #tpu.memory_space<hbm>> -> memref<10000xi32, #tpu.memory_space<hbm>>
      %dma_start3A_17 = arith.constant 0 : i32
      %dma_start3A_18 = tpu.memref_slice %arg2[%add3A, %dma_start3A_17] : memref<32x10000xi32, #tpu.memory_space<hbm>> -> memref<1x10000xi32, #tpu.memory_space<hbm>>
      %dma_start3A_19 = tpu.memref_squeeze %dma_start3A_18 : memref<1x10000xi32, #tpu.memory_space<hbm>> -> memref<10000xi32, #tpu.memory_space<hbm>>
      tpu.enqueue_dma source(%dma_start3A_19 : memref<10000xi32, #tpu.memory_space<hbm>>) target(%arg4 : memref<10000xi32, #tpu.memory_space<vmem>>) target_semaphore(%run_scoped3A : memref<!tpu.dma_semaphore, #tpu.memory_space<semaphore_mem>>)
      %dma_wait3A = arith.constant 0 : i32
      %dma_wait3A_20 = tpu.memref_slice %arg2[%add3A, %dma_wait3A] : memref<32x10000xi32, #tpu.memory_space<hbm>> -> memref<1x10000xi32, #tpu.memory_space<hbm>>
      %dma_wait3A_21 = tpu.memref_squeeze %dma_wait3A_20 : memref<1x10000xi32, #tpu.memory_space<hbm>> -> memref<10000xi32, #tpu.memory_space<hbm>>
      %dma_wait3A_22 = arith.constant 0 : i32
      %dma_wait3A_23 = tpu.memref_slice %arg2[%add3A, %dma_wait3A_22] : memref<32x10000xi32, #tpu.memory_space<hbm>> -> memref<1x10000xi32, #tpu.memory_space<hbm>>
      %dma_wait3A_24 = tpu.memref_squeeze %dma_wait3A_23 : memref<1x10000xi32, #tpu.memory_space<hbm>> -> memref<10000xi32, #tpu.memory_space<hbm>>
      tpu.wait_dma2 semaphore(%run_scoped3A : memref<!tpu.dma_semaphore, #tpu.memory_space<semaphore_mem>>) src(%dma_wait3A_24 : memref<10000xi32, #tpu.memory_space<hbm>>) dst(%arg4 : memref<10000xi32, #tpu.memory_space<vmem>>)
      tpu.yield
    }) : () -> ()
    %broadcast_in_dim3A = arith.constant 0.000000e+00 : f32
    %broadcast_in_dim3A_1 = vector.broadcast %broadcast_in_dim3A : f32 to vector<16xf32>
    %scan3A = arith.constant 0 : i32
    %scan3A_2 = arith.constant 0 : i32
    %scan3A_3 = arith.constant 625 : i32
    %scan3A_4 = arith.addi %scan3A_2, %scan3A_3 : i32
    %scan3A_5 = arith.constant 1 : i32
    scf.for %scan3A_15 = %scan3A_2 to %scan3A_4 step %scan3A_5  : i32 {
      %mul3A_16 = arith.constant 16 : i32
      %mul3A_17 = arith.muli %scan3A_15, %mul3A_16 : i32
      %swap3A = arith.index_cast %mul3A_17 : i32 to index
      %swap3A_18 = tpu.vector_load %arg5[%swap3A] {strides = array<i32>} : memref<10000xf32, #tpu.memory_space<vmem>>, vector<16xf32>,
      tpu.vector_store %arg5[%swap3A], %broadcast_in_dim3A_1 {strides = array<i32>} : memref<10000xf32, #tpu.memory_space<vmem>>, vector<16xf32>,
    }
    %scan3A_6 = arith.constant 625 : i32
    %iota3A = tpu.iota {dimensions = array<i32: 0>} : vector<16xi32>
    %scan3A_7 = arith.constant 0 : i32
    %scan3A_8 = arith.constant 0 : i32
    %scan3A_9 = arith.constant 625 : i32
    %scan3A_10 = arith.addi %scan3A_8, %scan3A_9 : i32
    %scan3A_11 = arith.constant 1 : i32
    scf.for %scan3A_15 = %scan3A_8 to %scan3A_10 step %scan3A_11  : i32 {
      %mul3A_16 = arith.constant 16 : i32
      %mul3A_17 = arith.muli %scan3A_15, %mul3A_16 : i32
      %get3A = arith.index_cast %mul3A_17 : i32 to index
      %get3A_18 = tpu.vector_load %arg4[%get3A] {strides = array<i32>} : memref<10000xi32, #tpu.memory_space<vmem>>, vector<16xi32>,
      %sort3A = arith.constant dense<true> : vector<16xi1>
      %sort3A_19, %sort3A_20, %sort3A_21 = tpu.sort %get3A_18, %get3A_18 masked %sort3A : (vector<16xi32>, vector<16xi32>, vector<16xi1>) -> (vector<16xi1>, vector<16xi32>, vector<16xi32>)
      %swap3A = arith.constant 0 : index
      %swap3A_22 = tpu.vector_load %arg6[%swap3A] {strides = array<i32>} : memref<16xi32, #tpu.memory_space<vmem>>, vector<16xi32>,
      tpu.vector_store %arg6[%swap3A], %sort3A_20 {strides = array<i32>} : memref<16xi32, #tpu.memory_space<vmem>>, vector<16xi32>,
      %sub3A = arith.constant 1 : i32
      %sub3A_23 = vector.broadcast %sub3A : i32 to vector<16xi32>
      %sub3A_24 = arith.subi %iota3A, %sub3A_23 : vector<16xi32>
      %max3A = arith.constant 0 : i32
      %max3A_25 = vector.broadcast %max3A : i32 to vector<16xi32>
      %max3A_26 = arith.maxsi %sub3A_24, %max3A_25 : vector<16xi32>
      %gather3A = tpu.vector_load_idx %arg6[%max3A_26] : memref<16xi32, #tpu.memory_space<vmem>>[vector<16xi32>], vector<16xi32>,
      %add3A_27 = arith.constant 1 : i32
      %add3A_28 = vector.broadcast %add3A_27 : i32 to vector<16xi32>
      %add3A_29 = arith.addi %iota3A, %add3A_28 : vector<16xi32>
      %min3A = arith.constant 15 : i32
      %min3A_30 = vector.broadcast %min3A : i32 to vector<16xi32>
      %min3A_31 = arith.minsi %add3A_29, %min3A_30 : vector<16xi32>
      %gather3A_32 = tpu.vector_load_idx %arg6[%min3A_31] : memref<16xi32, #tpu.memory_space<vmem>>[vector<16xi32>], vector<16xi32>,
      %ne3A = arith.cmpi ne, %sort3A_20, %gather3A : vector<16xi32>
      %eq3A = arith.constant 0 : i32
      %eq3A_33 = vector.broadcast %eq3A : i32 to vector<16xi32>
      %eq3A_34 = arith.cmpi eq, %iota3A, %eq3A_33 : vector<16xi32>
      %or3A = arith.ori %ne3A, %eq3A_34 : vector<16xi1>
      %ne3A_35 = arith.cmpi ne, %sort3A_20, %gather3A_32 : vector<16xi32>
      %eq3A_36 = arith.constant 15 : i32
      %eq3A_37 = vector.broadcast %eq3A_36 : i32 to vector<16xi32>
      %eq3A_38 = arith.cmpi eq, %iota3A, %eq3A_37 : vector<16xi32>
      %or3A_39 = arith.ori %ne3A_35, %eq3A_38 : vector<16xi1>
      %jit3A = arith.constant 0 : i32
      %broadcast_in_dim3A_40 = vector.broadcast %jit3A : i32 to vector<16xi32>
      %select_n3A = arith.select %or3A, %iota3A, %broadcast_in_dim3A_40 : vector<16xi1>, vector<16xi32>
      %broadcast_in_dim3A_41 = arith.constant true
      %broadcast_in_dim3A_42 = vector.broadcast %broadcast_in_dim3A_41 : i1 to vector<16xi1>
      %masked_cummax3A = arith.constant -2147483648 : i32
      %masked_cummax3A_43 = vector.broadcast %masked_cummax3A : i32 to vector<16xi32>
      %masked_cummax3A_44 = arith.xori %select_n3A, %masked_cummax3A_43 : vector<16xi32>
      %masked_cummax3A_45 = tpu.scan <max>, %masked_cummax3A_44 masked %broadcast_in_dim3A_42 : vector<16xi32>, vector<16xi1> -> vector<16xi32>
      %masked_cummax3A_46 = arith.xori %masked_cummax3A_45, %masked_cummax3A_43 : vector<16xi32>
      %sub3A_47 = arith.subi %iota3A, %masked_cummax3A_46 : vector<16xi32>
      %add3A_48 = arith.constant 1 : i32
      %add3A_49 = vector.broadcast %add3A_48 : i32 to vector<16xi32>
      %add3A_50 = arith.addi %sub3A_47, %add3A_49 : vector<16xi32>
      %convert_element_type3A = arith.sitofp %add3A_50 : vector<16xi32> to vector<16xf32>
      %gather3A_51 = tpu.vector_load_idx %arg5[%sort3A_20] : memref<10000xf32, #tpu.memory_space<vmem>>[vector<16xi32>], vector<16xf32>,
      %add3A_52 = arith.addf %gather3A_51, %convert_element_type3A : vector<16xf32>
      tpu.vector_store_idx %arg5[%sort3A_20], %add3A_52 masked %or3A_39 : memref<10000xf32, #tpu.memory_space<vmem>>[vector<16xi32>], vector<16xf32>, vector<16xi1>
    }
    %scan3A_12 = arith.constant 625 : i32
    %mul3A_13 = arith.constant 10000 : i32
    %mul3A_14 = arith.muli %add3A, %mul3A_13 : i32
    %multiple_of3A = tpu.assume_multiple %mul3A_14, 8 : i32
    "tpu.region"() ({
      %run_scoped3A = tpu.sem_alloc : memref<!tpu.dma_semaphore, #tpu.memory_space<semaphore_mem>>
      %dma_start3A = tpu.memref_slice %arg3[%multiple_of3A] : memref<320000xf32, #tpu.memory_space<hbm>> -> memref<10000xf32, #tpu.memory_space<hbm>>
      %dma_start3A_15 = tpu.memref_slice %arg3[%multiple_of3A] : memref<320000xf32, #tpu.memory_space<hbm>> -> memref<10000xf32, #tpu.memory_space<hbm>>
      tpu.enqueue_dma source(%arg5 : memref<10000xf32, #tpu.memory_space<vmem>>) target(%dma_start3A_15 : memref<10000xf32, #tpu.memory_space<hbm>>) target_semaphore(%run_scoped3A : memref<!tpu.dma_semaphore, #tpu.memory_space<semaphore_mem>>)
      %dma_wait3A = tpu.memref_slice %arg3[%multiple_of3A] : memref<320000xf32, #tpu.memory_space<hbm>> -> memref<10000xf32, #tpu.memory_space<hbm>>
      %dma_wait3A_16 = tpu.memref_slice %arg3[%multiple_of3A] : memref<320000xf32, #tpu.memory_space<hbm>> -> memref<10000xf32, #tpu.memory_space<hbm>>
      tpu.wait_dma2 semaphore(%run_scoped3A : memref<!tpu.dma_semaphore, #tpu.memory_space<semaphore_mem>>) src(%arg5 : memref<10000xf32, #tpu.memory_space<vmem>>) dst(%dma_wait3A_16 : memref<10000xf32, #tpu.memory_space<hbm>>)
      tpu.yield
    }) : () -> ()
    return
  }
}

#map = affine_map<(d0, d1) -> (0, 0)>
#map1 = affine_map<(d0, d1) -> (0, 0, 0)>
module attributes {stable_mosaic.version = 14 : i64} {
  func.func @_scatter_body(%arg0: i32, %arg1: i32, %arg2: memref<10000x128xf32, #tpu.memory_space<hbm>>, %arg3: memref<32x125x80xi32, #tpu.memory_space<hbm>>, %arg4: memref<32x125x80xi32, #tpu.memory_space<hbm>>, %arg5: memref<10000x128xf32, #tpu.memory_space<hbm>>, %arg6: memref<2x10000x128xf32, #tpu.memory_space<hbm>>, %arg7: memref<5x80xi32, #tpu.memory_space<vmem>>, %arg8: memref<5x80xi32, #tpu.memory_space<vmem>>, %arg9: memref<4x80x128xf32, #tpu.memory_space<vmem>>, %arg10: memref<10000x128xf32, #tpu.memory_space<vmem_shared>>, %arg11: memref<!tpu.dma_semaphore, #tpu.memory_space<semaphore_mem>>, %arg12: memref<!tpu.dma_semaphore, #tpu.memory_space<semaphore_mem>>, %arg13: memref<!tpu.dma_semaphore, #tpu.memory_space<semaphore_mem>>) attributes {dimension_semantics = [#tpu.dimension_semantics<core_parallel>, #tpu.dimension_semantics<subcore_parallel>], iteration_bounds = array<i64: 2, 16>, scalar_prefetch = 0 : i64, scratch_operands = 7 : i64, tpu.core_type = #tpu.core_type<sc_vector_subcore>, window_params = [{transform_indices = #map}, {transform_indices = #map1}, {transform_indices = #map1}, {transform_indices = #map}, {transform_indices = #map1}]} {
    %mul3A = arith.constant 2 : i32
    %mul3A_0 = arith.muli %arg1, %mul3A : i32
    %add3A = arith.addi %mul3A_0, %arg0 : i32
    %eq3A = arith.constant 0 : i32
    %eq3A_1 = arith.cmpi eq, %arg0, %eq3A : i32
    %convert_element_type3A = arith.extui %eq3A_1 : i1 to i32
    %cond3A = arith.constant 0 : i32
    %cond3A_2 = arith.cmpi ne, %convert_element_type3A, %cond3A : i32
    scf.if %cond3A_2 {
      %mul3A_122 = arith.constant 624 : i32
      %mul3A_123 = arith.muli %arg1, %mul3A_122 : i32
      %multiple_of3A_124 = tpu.assume_multiple %mul3A_123, 8 : i32
      "tpu.region"() ({
        %run_scoped3A_130 = tpu.sem_alloc : memref<!tpu.dma_semaphore, #tpu.memory_space<semaphore_mem>>
        %dma_start3A_131 = arith.constant 0 : i32
        %dma_start3A_132 = tpu.memref_slice %arg10[%multiple_of3A_124, %dma_start3A_131] : memref<10000x128xf32, #tpu.memory_space<vmem_shared>> -> memref<624x128xf32, #tpu.memory_space<vmem_shared>>
        %dma_start3A_133 = arith.constant 0 : i32
        %dma_start3A_134 = tpu.memref_slice %arg2[%multiple_of3A_124, %dma_start3A_133] : memref<10000x128xf32, #tpu.memory_space<hbm>> -> memref<624x128xf32, #tpu.memory_space<hbm>>
        tpu.enqueue_dma source(%dma_start3A_134 : memref<624x128xf32, #tpu.memory_space<hbm>>) target(%dma_start3A_132 : memref<624x128xf32, #tpu.memory_space<vmem_shared>>) target_semaphore(%run_scoped3A_130 : memref<!tpu.dma_semaphore, #tpu.memory_space<semaphore_mem>>)
        %dma_wait3A_135 = arith.constant 0 : i32
        %dma_wait3A_136 = tpu.memref_slice %arg10[%multiple_of3A_124, %dma_wait3A_135] : memref<10000x128xf32, #tpu.memory_space<vmem_shared>> -> memref<624x128xf32, #tpu.memory_space<vmem_shared>>
        %dma_wait3A_137 = arith.constant 0 : i32
        %dma_wait3A_138 = tpu.memref_slice %arg2[%multiple_of3A_124, %dma_wait3A_137] : memref<10000x128xf32, #tpu.memory_space<hbm>> -> memref<624x128xf32, #tpu.memory_space<hbm>>
        tpu.wait_dma2 semaphore(%run_scoped3A_130 : memref<!tpu.dma_semaphore, #tpu.memory_space<semaphore_mem>>) src(%dma_wait3A_138 : memref<624x128xf32, #tpu.memory_space<hbm>>) dst(%dma_wait3A_136 : memref<624x128xf32, #tpu.memory_space<vmem_shared>>)
        tpu.yield
      }) : () -> ()
      %eq3A_125 = arith.constant 15 : i32
      %eq3A_126 = arith.cmpi eq, %arg1, %eq3A_125 : i32
      %convert_element_type3A_127 = arith.extui %eq3A_126 : i1 to i32
      %cond3A_128 = arith.constant 0 : i32
      %cond3A_129 = arith.cmpi ne, %convert_element_type3A_127, %cond3A_128 : i32
      scf.if %cond3A_129 {
        "tpu.region"() ({
          %run_scoped3A_130 = tpu.sem_alloc : memref<!tpu.dma_semaphore, #tpu.memory_space<semaphore_mem>>
          %dma_start3A_131 = arith.constant 9984 : i32
          %dma_start3A_132 = arith.constant 0 : i32
          %dma_start3A_133 = tpu.memref_slice %arg10[%dma_start3A_131, %dma_start3A_132] : memref<10000x128xf32, #tpu.memory_space<vmem_shared>> -> memref<16x128xf32, #tpu.memory_space<vmem_shared>>
          %dma_start3A_134 = arith.constant 9984 : i32
          %dma_start3A_135 = arith.constant 0 : i32
          %dma_start3A_136 = tpu.memref_slice %arg2[%dma_start3A_134, %dma_start3A_135] : memref<10000x128xf32, #tpu.memory_space<hbm>> -> memref<16x128xf32, #tpu.memory_space<hbm>>
          tpu.enqueue_dma source(%dma_start3A_136 : memref<16x128xf32, #tpu.memory_space<hbm>>) target(%dma_start3A_133 : memref<16x128xf32, #tpu.memory_space<vmem_shared>>) target_semaphore(%run_scoped3A_130 : memref<!tpu.dma_semaphore, #tpu.memory_space<semaphore_mem>>)
          %dma_wait3A_137 = arith.constant 9984 : i32
          %dma_wait3A_138 = arith.constant 0 : i32
          %dma_wait3A_139 = tpu.memref_slice %arg10[%dma_wait3A_137, %dma_wait3A_138] : memref<10000x128xf32, #tpu.memory_space<vmem_shared>> -> memref<16x128xf32, #tpu.memory_space<vmem_shared>>
          %dma_wait3A_140 = arith.constant 9984 : i32
          %dma_wait3A_141 = arith.constant 0 : i32
          %dma_wait3A_142 = tpu.memref_slice %arg2[%dma_wait3A_140, %dma_wait3A_141] : memref<10000x128xf32, #tpu.memory_space<hbm>> -> memref<16x128xf32, #tpu.memory_space<hbm>>
          tpu.wait_dma2 semaphore(%run_scoped3A_130 : memref<!tpu.dma_semaphore, #tpu.memory_space<semaphore_mem>>) src(%dma_wait3A_142 : memref<16x128xf32, #tpu.memory_space<hbm>>) dst(%dma_wait3A_139 : memref<16x128xf32, #tpu.memory_space<vmem_shared>>)
          tpu.yield
        }) : () -> ()
      } else {
      }
    } else {
    }
    %eq3A_3 = arith.constant 1 : i32
    %eq3A_4 = arith.cmpi eq, %arg0, %eq3A_3 : i32
    %convert_element_type3A_5 = arith.extui %eq3A_4 : i1 to i32
    %cond3A_6 = arith.constant 0 : i32
    %cond3A_7 = arith.cmpi ne, %convert_element_type3A_5, %cond3A_6 : i32
    scf.if %cond3A_7 {
      %mul3A_122 = arith.constant 624 : i32
      %mul3A_123 = arith.muli %arg1, %mul3A_122 : i32
      %multiple_of3A_124 = tpu.assume_multiple %mul3A_123, 8 : i32
      "tpu.region"() ({
        %run_scoped3A_130 = tpu.sem_alloc : memref<!tpu.dma_semaphore, #tpu.memory_space<semaphore_mem>>
        %dma_start3A_131 = arith.constant 0 : i32
        %dma_start3A_132 = tpu.memref_slice %arg10[%multiple_of3A_124, %dma_start3A_131] : memref<10000x128xf32, #tpu.memory_space<vmem_shared>> -> memref<624x128xf32, #tpu.memory_space<vmem_shared>>
        %dma_start3A_133 = arith.constant 0 : i32
        %dma_start3A_134 = tpu.memref_slice %arg5[%multiple_of3A_124, %dma_start3A_133] : memref<10000x128xf32, #tpu.memory_space<hbm>> -> memref<624x128xf32, #tpu.memory_space<hbm>>
        tpu.enqueue_dma source(%dma_start3A_134 : memref<624x128xf32, #tpu.memory_space<hbm>>) target(%dma_start3A_132 : memref<624x128xf32, #tpu.memory_space<vmem_shared>>) target_semaphore(%run_scoped3A_130 : memref<!tpu.dma_semaphore, #tpu.memory_space<semaphore_mem>>)
        %dma_wait3A_135 = arith.constant 0 : i32
        %dma_wait3A_136 = tpu.memref_slice %arg10[%multiple_of3A_124, %dma_wait3A_135] : memref<10000x128xf32, #tpu.memory_space<vmem_shared>> -> memref<624x128xf32, #tpu.memory_space<vmem_shared>>
        %dma_wait3A_137 = arith.constant 0 : i32
        %dma_wait3A_138 = tpu.memref_slice %arg5[%multiple_of3A_124, %dma_wait3A_137] : memref<10000x128xf32, #tpu.memory_space<hbm>> -> memref<624x128xf32, #tpu.memory_space<hbm>>
        tpu.wait_dma2 semaphore(%run_scoped3A_130 : memref<!tpu.dma_semaphore, #tpu.memory_space<semaphore_mem>>) src(%dma_wait3A_138 : memref<624x128xf32, #tpu.memory_space<hbm>>) dst(%dma_wait3A_136 : memref<624x128xf32, #tpu.memory_space<vmem_shared>>)
        tpu.yield
      }) : () -> ()
      %eq3A_125 = arith.constant 15 : i32
      %eq3A_126 = arith.cmpi eq, %arg1, %eq3A_125 : i32
      %convert_element_type3A_127 = arith.extui %eq3A_126 : i1 to i32
      %cond3A_128 = arith.constant 0 : i32
      %cond3A_129 = arith.cmpi ne, %convert_element_type3A_127, %cond3A_128 : i32
      scf.if %cond3A_129 {
        "tpu.region"() ({
          %run_scoped3A_130 = tpu.sem_alloc : memref<!tpu.dma_semaphore, #tpu.memory_space<semaphore_mem>>
          %dma_start3A_131 = arith.constant 9984 : i32
          %dma_start3A_132 = arith.constant 0 : i32
          %dma_start3A_133 = tpu.memref_slice %arg10[%dma_start3A_131, %dma_start3A_132] : memref<10000x128xf32, #tpu.memory_space<vmem_shared>> -> memref<16x128xf32, #tpu.memory_space<vmem_shared>>
          %dma_start3A_134 = arith.constant 9984 : i32
          %dma_start3A_135 = arith.constant 0 : i32
          %dma_start3A_136 = tpu.memref_slice %arg5[%dma_start3A_134, %dma_start3A_135] : memref<10000x128xf32, #tpu.memory_space<hbm>> -> memref<16x128xf32, #tpu.memory_space<hbm>>
          tpu.enqueue_dma source(%dma_start3A_136 : memref<16x128xf32, #tpu.memory_space<hbm>>) target(%dma_start3A_133 : memref<16x128xf32, #tpu.memory_space<vmem_shared>>) target_semaphore(%run_scoped3A_130 : memref<!tpu.dma_semaphore, #tpu.memory_space<semaphore_mem>>)
          %dma_wait3A_137 = arith.constant 9984 : i32
          %dma_wait3A_138 = arith.constant 0 : i32
          %dma_wait3A_139 = tpu.memref_slice %arg10[%dma_wait3A_137, %dma_wait3A_138] : memref<10000x128xf32, #tpu.memory_space<vmem_shared>> -> memref<16x128xf32, #tpu.memory_space<vmem_shared>>
          %dma_wait3A_140 = arith.constant 9984 : i32
          %dma_wait3A_141 = arith.constant 0 : i32
          %dma_wait3A_142 = tpu.memref_slice %arg5[%dma_wait3A_140, %dma_wait3A_141] : memref<10000x128xf32, #tpu.memory_space<hbm>> -> memref<16x128xf32, #tpu.memory_space<hbm>>
          tpu.wait_dma2 semaphore(%run_scoped3A_130 : memref<!tpu.dma_semaphore, #tpu.memory_space<semaphore_mem>>) src(%dma_wait3A_142 : memref<16x128xf32, #tpu.memory_space<hbm>>) dst(%dma_wait3A_139 : memref<16x128xf32, #tpu.memory_space<vmem_shared>>)
          tpu.yield
        }) : () -> ()
      } else {
      }
    } else {
    }
    %barrier3A = arith.constant 0 : index
    tpu.barrier barrier_id(%barrier3A)
    %run_scoped3A = arith.constant 0 : i32
    %run_scoped3A_8 = arith.constant 0 : i32
    "tpu.region"() ({
      %run_scoped3A_122 = tpu.sem_alloc : memref<!tpu.dma_semaphore, #tpu.memory_space<semaphore_mem>>
      %dma_start3A_123 = arith.constant 0 : i32
      %dma_start3A_124 = tpu.memref_slice %arg7[%run_scoped3A_8, %dma_start3A_123] : memref<5x80xi32, #tpu.memory_space<vmem>> -> memref<1x80xi32, #tpu.memory_space<vmem>>
      %dma_start3A_125 = tpu.memref_squeeze %dma_start3A_124 : memref<1x80xi32, #tpu.memory_space<vmem>> -> memref<80xi32, #tpu.memory_space<vmem>>
      %dma_start3A_126 = arith.constant 0 : i32
      %dma_start3A_127 = arith.constant 0 : i32
      %dma_start3A_128 = tpu.memref_slice %arg3[%add3A, %dma_start3A_126, %dma_start3A_127] : memref<32x125x80xi32, #tpu.memory_space<hbm>> -> memref<1x125x80xi32, #tpu.memory_space<hbm>>
      %dma_start3A_129 = tpu.memref_squeeze %dma_start3A_128 : memref<1x125x80xi32, #tpu.memory_space<hbm>> -> memref<125x80xi32, #tpu.memory_space<hbm>>
      %dma_start3A_130 = arith.constant 0 : i32
      %dma_start3A_131 = tpu.memref_slice %dma_start3A_129[%run_scoped3A, %dma_start3A_130] : memref<125x80xi32, #tpu.memory_space<hbm>> -> memref<1x80xi32, #tpu.memory_space<hbm>>
      %dma_start3A_132 = tpu.memref_squeeze %dma_start3A_131 : memref<1x80xi32, #tpu.memory_space<hbm>> -> memref<80xi32, #tpu.memory_space<hbm>>
      %dma_start3A_133 = arith.constant 0 : i32
      %dma_start3A_134 = tpu.memref_slice %arg7[%run_scoped3A_8, %dma_start3A_133] : memref<5x80xi32, #tpu.memory_space<vmem>> -> memref<1x80xi32, #tpu.memory_space<vmem>>
      %dma_start3A_135 = tpu.memref_squeeze %dma_start3A_134 : memref<1x80xi32, #tpu.memory_space<vmem>> -> memref<80xi32, #tpu.memory_space<vmem>>
      %dma_start3A_136 = arith.constant 0 : i32
      %dma_start3A_137 = arith.constant 0 : i32
      %dma_start3A_138 = tpu.memref_slice %arg3[%add3A, %dma_start3A_136, %dma_start3A_137] : memref<32x125x80xi32, #tpu.memory_space<hbm>> -> memref<1x125x80xi32, #tpu.memory_space<hbm>>
      %dma_start3A_139 = tpu.memref_squeeze %dma_start3A_138 : memref<1x125x80xi32, #tpu.memory_space<hbm>> -> memref<125x80xi32, #tpu.memory_space<hbm>>
      %dma_start3A_140 = arith.constant 0 : i32
      %dma_start3A_141 = tpu.memref_slice %dma_start3A_139[%run_scoped3A, %dma_start3A_140] : memref<125x80xi32, #tpu.memory_space<hbm>> -> memref<1x80xi32, #tpu.memory_space<hbm>>
      %dma_start3A_142 = tpu.memref_squeeze %dma_start3A_141 : memref<1x80xi32, #tpu.memory_space<hbm>> -> memref<80xi32, #tpu.memory_space<hbm>>
      tpu.enqueue_dma source(%dma_start3A_142 : memref<80xi32, #tpu.memory_space<hbm>>) target(%dma_start3A_135 : memref<80xi32, #tpu.memory_space<vmem>>) target_semaphore(%run_scoped3A_122 : memref<!tpu.dma_semaphore, #tpu.memory_space<semaphore_mem>>)
      %dma_wait3A_143 = arith.constant 0 : i32
      %dma_wait3A_144 = tpu.memref_slice %arg7[%run_scoped3A_8, %dma_wait3A_143] : memref<5x80xi32, #tpu.memory_space<vmem>> -> memref<1x80xi32, #tpu.memory_space<vmem>>
      %dma_wait3A_145 = tpu.memref_squeeze %dma_wait3A_144 : memref<1x80xi32, #tpu.memory_space<vmem>> -> memref<80xi32, #tpu.memory_space<vmem>>
      %dma_wait3A_146 = arith.constant 0 : i32
      %dma_wait3A_147 = arith.constant 0 : i32
      %dma_wait3A_148 = tpu.memref_slice %arg3[%add3A, %dma_wait3A_146, %dma_wait3A_147] : memref<32x125x80xi32, #tpu.memory_space<hbm>> -> memref<1x125x80xi32, #tpu.memory_space<hbm>>
      %dma_wait3A_149 = tpu.memref_squeeze %dma_wait3A_148 : memref<1x125x80xi32, #tpu.memory_space<hbm>> -> memref<125x80xi32, #tpu.memory_space<hbm>>
      %dma_wait3A_150 = arith.constant 0 : i32
      %dma_wait3A_151 = tpu.memref_slice %dma_wait3A_149[%run_scoped3A, %dma_wait3A_150] : memref<125x80xi32, #tpu.memory_space<hbm>> -> memref<1x80xi32, #tpu.memory_space<hbm>>
      %dma_wait3A_152 = tpu.memref_squeeze %dma_wait3A_151 : memref<1x80xi32, #tpu.memory_space<hbm>> -> memref<80xi32, #tpu.memory_space<hbm>>
      %dma_wait3A_153 = arith.constant 0 : i32
      %dma_wait3A_154 = tpu.memref_slice %arg7[%run_scoped3A_8, %dma_wait3A_153] : memref<5x80xi32, #tpu.memory_space<vmem>> -> memref<1x80xi32, #tpu.memory_space<vmem>>
      %dma_wait3A_155 = tpu.memref_squeeze %dma_wait3A_154 : memref<1x80xi32, #tpu.memory_space<vmem>> -> memref<80xi32, #tpu.memory_space<vmem>>
      %dma_wait3A_156 = arith.constant 0 : i32
      %dma_wait3A_157 = arith.constant 0 : i32
      %dma_wait3A_158 = tpu.memref_slice %arg3[%add3A, %dma_wait3A_156, %dma_wait3A_157] : memref<32x125x80xi32, #tpu.memory_space<hbm>> -> memref<1x125x80xi32, #tpu.memory_space<hbm>>
      %dma_wait3A_159 = tpu.memref_squeeze %dma_wait3A_158 : memref<1x125x80xi32, #tpu.memory_space<hbm>> -> memref<125x80xi32, #tpu.memory_space<hbm>>
      %dma_wait3A_160 = arith.constant 0 : i32
      %dma_wait3A_161 = tpu.memref_slice %dma_wait3A_159[%run_scoped3A, %dma_wait3A_160] : memref<125x80xi32, #tpu.memory_space<hbm>> -> memref<1x80xi32, #tpu.memory_space<hbm>>
      %dma_wait3A_162 = tpu.memref_squeeze %dma_wait3A_161 : memref<1x80xi32, #tpu.memory_space<hbm>> -> memref<80xi32, #tpu.memory_space<hbm>>
      tpu.wait_dma2 semaphore(%run_scoped3A_122 : memref<!tpu.dma_semaphore, #tpu.memory_space<semaphore_mem>>) src(%dma_wait3A_162 : memref<80xi32, #tpu.memory_space<hbm>>) dst(%dma_wait3A_155 : memref<80xi32, #tpu.memory_space<vmem>>)
      tpu.yield
    }) : () -> ()
    %run_scoped3A_9 = arith.constant 0 : i32
    %run_scoped3A_10 = arith.constant 0 : i32
    "tpu.region"() ({
      %run_scoped3A_122 = tpu.sem_alloc : memref<!tpu.dma_semaphore, #tpu.memory_space<semaphore_mem>>
      %dma_start3A_123 = arith.constant 0 : i32
      %dma_start3A_124 = tpu.memref_slice %arg8[%run_scoped3A_10, %dma_start3A_123] : memref<5x80xi32, #tpu.memory_space<vmem>> -> memref<1x80xi32, #tpu.memory_space<vmem>>
      %dma_start3A_125 = tpu.memref_squeeze %dma_start3A_124 : memref<1x80xi32, #tpu.memory_space<vmem>> -> memref<80xi32, #tpu.memory_space<vmem>>
      %dma_start3A_126 = arith.constant 0 : i32
      %dma_start3A_127 = arith.constant 0 : i32
      %dma_start3A_128 = tpu.memref_slice %arg4[%add3A, %dma_start3A_126, %dma_start3A_127] : memref<32x125x80xi32, #tpu.memory_space<hbm>> -> memref<1x125x80xi32, #tpu.memory_space<hbm>>
      %dma_start3A_129 = tpu.memref_squeeze %dma_start3A_128 : memref<1x125x80xi32, #tpu.memory_space<hbm>> -> memref<125x80xi32, #tpu.memory_space<hbm>>
      %dma_start3A_130 = arith.constant 0 : i32
      %dma_start3A_131 = tpu.memref_slice %dma_start3A_129[%run_scoped3A_9, %dma_start3A_130] : memref<125x80xi32, #tpu.memory_space<hbm>> -> memref<1x80xi32, #tpu.memory_space<hbm>>
      %dma_start3A_132 = tpu.memref_squeeze %dma_start3A_131 : memref<1x80xi32, #tpu.memory_space<hbm>> -> memref<80xi32, #tpu.memory_space<hbm>>
      %dma_start3A_133 = arith.constant 0 : i32
      %dma_start3A_134 = tpu.memref_slice %arg8[%run_scoped3A_10, %dma_start3A_133] : memref<5x80xi32, #tpu.memory_space<vmem>> -> memref<1x80xi32, #tpu.memory_space<vmem>>
      %dma_start3A_135 = tpu.memref_squeeze %dma_start3A_134 : memref<1x80xi32, #tpu.memory_space<vmem>> -> memref<80xi32, #tpu.memory_space<vmem>>
      %dma_start3A_136 = arith.constant 0 : i32
      %dma_start3A_137 = arith.constant 0 : i32
      %dma_start3A_138 = tpu.memref_slice %arg4[%add3A, %dma_start3A_136, %dma_start3A_137] : memref<32x125x80xi32, #tpu.memory_space<hbm>> -> memref<1x125x80xi32, #tpu.memory_space<hbm>>
      %dma_start3A_139 = tpu.memref_squeeze %dma_start3A_138 : memref<1x125x80xi32, #tpu.memory_space<hbm>> -> memref<125x80xi32, #tpu.memory_space<hbm>>
      %dma_start3A_140 = arith.constant 0 : i32
      %dma_start3A_141 = tpu.memref_slice %dma_start3A_139[%run_scoped3A_9, %dma_start3A_140] : memref<125x80xi32, #tpu.memory_space<hbm>> -> memref<1x80xi32, #tpu.memory_space<hbm>>
      %dma_start3A_142 = tpu.memref_squeeze %dma_start3A_141 : memref<1x80xi32, #tpu.memory_space<hbm>> -> memref<80xi32, #tpu.memory_space<hbm>>
      tpu.enqueue_dma source(%dma_start3A_142 : memref<80xi32, #tpu.memory_space<hbm>>) target(%dma_start3A_135 : memref<80xi32, #tpu.memory_space<vmem>>) target_semaphore(%run_scoped3A_122 : memref<!tpu.dma_semaphore, #tpu.memory_space<semaphore_mem>>)
      %dma_wait3A_143 = arith.constant 0 : i32
      %dma_wait3A_144 = tpu.memref_slice %arg8[%run_scoped3A_10, %dma_wait3A_143] : memref<5x80xi32, #tpu.memory_space<vmem>> -> memref<1x80xi32, #tpu.memory_space<vmem>>
      %dma_wait3A_145 = tpu.memref_squeeze %dma_wait3A_144 : memref<1x80xi32, #tpu.memory_space<vmem>> -> memref<80xi32, #tpu.memory_space<vmem>>
      %dma_wait3A_146 = arith.constant 0 : i32
      %dma_wait3A_147 = arith.constant 0 : i32
      %dma_wait3A_148 = tpu.memref_slice %arg4[%add3A, %dma_wait3A_146, %dma_wait3A_147] : memref<32x125x80xi32, #tpu.memory_space<hbm>> -> memref<1x125x80xi32, #tpu.memory_space<hbm>>
      %dma_wait3A_149 = tpu.memref_squeeze %dma_wait3A_148 : memref<1x125x80xi32, #tpu.memory_space<hbm>> -> memref<125x80xi32, #tpu.memory_space<hbm>>
      %dma_wait3A_150 = arith.constant 0 : i32
      %dma_wait3A_151 = tpu.memref_slice %dma_wait3A_149[%run_scoped3A_9, %dma_wait3A_150] : memref<125x80xi32, #tpu.memory_space<hbm>> -> memref<1x80xi32, #tpu.memory_space<hbm>>
      %dma_wait3A_152 = tpu.memref_squeeze %dma_wait3A_151 : memref<1x80xi32, #tpu.memory_space<hbm>> -> memref<80xi32, #tpu.memory_space<hbm>>
      %dma_wait3A_153 = arith.constant 0 : i32
      %dma_wait3A_154 = tpu.memref_slice %arg8[%run_scoped3A_10, %dma_wait3A_153] : memref<5x80xi32, #tpu.memory_space<vmem>> -> memref<1x80xi32, #tpu.memory_space<vmem>>
      %dma_wait3A_155 = tpu.memref_squeeze %dma_wait3A_154 : memref<1x80xi32, #tpu.memory_space<vmem>> -> memref<80xi32, #tpu.memory_space<vmem>>
      %dma_wait3A_156 = arith.constant 0 : i32
      %dma_wait3A_157 = arith.constant 0 : i32
      %dma_wait3A_158 = tpu.memref_slice %arg4[%add3A, %dma_wait3A_156, %dma_wait3A_157] : memref<32x125x80xi32, #tpu.memory_space<hbm>> -> memref<1x125x80xi32, #tpu.memory_space<hbm>>
      %dma_wait3A_159 = tpu.memref_squeeze %dma_wait3A_158 : memref<1x125x80xi32, #tpu.memory_space<hbm>> -> memref<125x80xi32, #tpu.memory_space<hbm>>
      %dma_wait3A_160 = arith.constant 0 : i32
      %dma_wait3A_161 = tpu.memref_slice %dma_wait3A_159[%run_scoped3A_9, %dma_wait3A_160] : memref<125x80xi32, #tpu.memory_space<hbm>> -> memref<1x80xi32, #tpu.memory_space<hbm>>
      %dma_wait3A_162 = tpu.memref_squeeze %dma_wait3A_161 : memref<1x80xi32, #tpu.memory_space<hbm>> -> memref<80xi32, #tpu.memory_space<hbm>>
      tpu.wait_dma2 semaphore(%run_scoped3A_122 : memref<!tpu.dma_semaphore, #tpu.memory_space<semaphore_mem>>) src(%dma_wait3A_162 : memref<80xi32, #tpu.memory_space<hbm>>) dst(%dma_wait3A_155 : memref<80xi32, #tpu.memory_space<vmem>>)
      tpu.yield
    }) : () -> ()
    %run_scoped3A_11 = arith.constant 1 : i32
    %run_scoped3A_12 = arith.constant 1 : i32
    "tpu.region"() ({
      %run_scoped3A_122 = tpu.sem_alloc : memref<!tpu.dma_semaphore, #tpu.memory_space<semaphore_mem>>
      %dma_start3A_123 = arith.constant 0 : i32
      %dma_start3A_124 = tpu.memref_slice %arg7[%run_scoped3A_12, %dma_start3A_123] : memref<5x80xi32, #tpu.memory_space<vmem>> -> memref<1x80xi32, #tpu.memory_space<vmem>>
      %dma_start3A_125 = tpu.memref_squeeze %dma_start3A_124 : memref<1x80xi32, #tpu.memory_space<vmem>> -> memref<80xi32, #tpu.memory_space<vmem>>
      %dma_start3A_126 = arith.constant 0 : i32
      %dma_start3A_127 = arith.constant 0 : i32
      %dma_start3A_128 = tpu.memref_slice %arg3[%add3A, %dma_start3A_126, %dma_start3A_127] : memref<32x125x80xi32, #tpu.memory_space<hbm>> -> memref<1x125x80xi32, #tpu.memory_space<hbm>>
      %dma_start3A_129 = tpu.memref_squeeze %dma_start3A_128 : memref<1x125x80xi32, #tpu.memory_space<hbm>> -> memref<125x80xi32, #tpu.memory_space<hbm>>
      %dma_start3A_130 = arith.constant 0 : i32
      %dma_start3A_131 = tpu.memref_slice %dma_start3A_129[%run_scoped3A_11, %dma_start3A_130] : memref<125x80xi32, #tpu.memory_space<hbm>> -> memref<1x80xi32, #tpu.memory_space<hbm>>
      %dma_start3A_132 = tpu.memref_squeeze %dma_start3A_131 : memref<1x80xi32, #tpu.memory_space<hbm>> -> memref<80xi32, #tpu.memory_space<hbm>>
      %dma_start3A_133 = arith.constant 0 : i32
      %dma_start3A_134 = tpu.memref_slice %arg7[%run_scoped3A_12, %dma_start3A_133] : memref<5x80xi32, #tpu.memory_space<vmem>> -> memref<1x80xi32, #tpu.memory_space<vmem>>
      %dma_start3A_135 = tpu.memref_squeeze %dma_start3A_134 : memref<1x80xi32, #tpu.memory_space<vmem>> -> memref<80xi32, #tpu.memory_space<vmem>>
      %dma_start3A_136 = arith.constant 0 : i32
      %dma_start3A_137 = arith.constant 0 : i32
      %dma_start3A_138 = tpu.memref_slice %arg3[%add3A, %dma_start3A_136, %dma_start3A_137] : memref<32x125x80xi32, #tpu.memory_space<hbm>> -> memref<1x125x80xi32, #tpu.memory_space<hbm>>
      %dma_start3A_139 = tpu.memref_squeeze %dma_start3A_138 : memref<1x125x80xi32, #tpu.memory_space<hbm>> -> memref<125x80xi32, #tpu.memory_space<hbm>>
      %dma_start3A_140 = arith.constant 0 : i32
      %dma_start3A_141 = tpu.memref_slice %dma_start3A_139[%run_scoped3A_11, %dma_start3A_140] : memref<125x80xi32, #tpu.memory_space<hbm>> -> memref<1x80xi32, #tpu.memory_space<hbm>>
      %dma_start3A_142 = tpu.memref_squeeze %dma_start3A_141 : memref<1x80xi32, #tpu.memory_space<hbm>> -> memref<80xi32, #tpu.memory_space<hbm>>
      tpu.enqueue_dma source(%dma_start3A_142 : memref<80xi32, #tpu.memory_space<hbm>>) target(%dma_start3A_135 : memref<80xi32, #tpu.memory_space<vmem>>) target_semaphore(%run_scoped3A_122 : memref<!tpu.dma_semaphore, #tpu.memory_space<semaphore_mem>>)
      %dma_wait3A_143 = arith.constant 0 : i32
      %dma_wait3A_144 = tpu.memref_slice %arg7[%run_scoped3A_12, %dma_wait3A_143] : memref<5x80xi32, #tpu.memory_space<vmem>> -> memref<1x80xi32, #tpu.memory_space<vmem>>
      %dma_wait3A_145 = tpu.memref_squeeze %dma_wait3A_144 : memref<1x80xi32, #tpu.memory_space<vmem>> -> memref<80xi32, #tpu.memory_space<vmem>>
      %dma_wait3A_146 = arith.constant 0 : i32
      %dma_wait3A_147 = arith.constant 0 : i32
      %dma_wait3A_148 = tpu.memref_slice %arg3[%add3A, %dma_wait3A_146, %dma_wait3A_147] : memref<32x125x80xi32, #tpu.memory_space<hbm>> -> memref<1x125x80xi32, #tpu.memory_space<hbm>>
      %dma_wait3A_149 = tpu.memref_squeeze %dma_wait3A_148 : memref<1x125x80xi32, #tpu.memory_space<hbm>> -> memref<125x80xi32, #tpu.memory_space<hbm>>
      %dma_wait3A_150 = arith.constant 0 : i32
      %dma_wait3A_151 = tpu.memref_slice %dma_wait3A_149[%run_scoped3A_11, %dma_wait3A_150] : memref<125x80xi32, #tpu.memory_space<hbm>> -> memref<1x80xi32, #tpu.memory_space<hbm>>
      %dma_wait3A_152 = tpu.memref_squeeze %dma_wait3A_151 : memref<1x80xi32, #tpu.memory_space<hbm>> -> memref<80xi32, #tpu.memory_space<hbm>>
      %dma_wait3A_153 = arith.constant 0 : i32
      %dma_wait3A_154 = tpu.memref_slice %arg7[%run_scoped3A_12, %dma_wait3A_153] : memref<5x80xi32, #tpu.memory_space<vmem>> -> memref<1x80xi32, #tpu.memory_space<vmem>>
      %dma_wait3A_155 = tpu.memref_squeeze %dma_wait3A_154 : memref<1x80xi32, #tpu.memory_space<vmem>> -> memref<80xi32, #tpu.memory_space<vmem>>
      %dma_wait3A_156 = arith.constant 0 : i32
      %dma_wait3A_157 = arith.constant 0 : i32
      %dma_wait3A_158 = tpu.memref_slice %arg3[%add3A, %dma_wait3A_156, %dma_wait3A_157] : memref<32x125x80xi32, #tpu.memory_space<hbm>> -> memref<1x125x80xi32, #tpu.memory_space<hbm>>
      %dma_wait3A_159 = tpu.memref_squeeze %dma_wait3A_158 : memref<1x125x80xi32, #tpu.memory_space<hbm>> -> memref<125x80xi32, #tpu.memory_space<hbm>>
      %dma_wait3A_160 = arith.constant 0 : i32
      %dma_wait3A_161 = tpu.memref_slice %dma_wait3A_159[%run_scoped3A_11, %dma_wait3A_160] : memref<125x80xi32, #tpu.memory_space<hbm>> -> memref<1x80xi32, #tpu.memory_space<hbm>>
      %dma_wait3A_162 = tpu.memref_squeeze %dma_wait3A_161 : memref<1x80xi32, #tpu.memory_space<hbm>> -> memref<80xi32, #tpu.memory_space<hbm>>
      tpu.wait_dma2 semaphore(%run_scoped3A_122 : memref<!tpu.dma_semaphore, #tpu.memory_space<semaphore_mem>>) src(%dma_wait3A_162 : memref<80xi32, #tpu.memory_space<hbm>>) dst(%dma_wait3A_155 : memref<80xi32, #tpu.memory_space<vmem>>)
      tpu.yield
    }) : () -> ()
    %run_scoped3A_13 = arith.constant 1 : i32
    %run_scoped3A_14 = arith.constant 1 : i32
    "tpu.region"() ({
      %run_scoped3A_122 = tpu.sem_alloc : memref<!tpu.dma_semaphore, #tpu.memory_space<semaphore_mem>>
      %dma_start3A_123 = arith.constant 0 : i32
      %dma_start3A_124 = tpu.memref_slice %arg8[%run_scoped3A_14, %dma_start3A_123] : memref<5x80xi32, #tpu.memory_space<vmem>> -> memref<1x80xi32, #tpu.memory_space<vmem>>
      %dma_start3A_125 = tpu.memref_squeeze %dma_start3A_124 : memref<1x80xi32, #tpu.memory_space<vmem>> -> memref<80xi32, #tpu.memory_space<vmem>>
      %dma_start3A_126 = arith.constant 0 : i32
      %dma_start3A_127 = arith.constant 0 : i32
      %dma_start3A_128 = tpu.memref_slice %arg4[%add3A, %dma_start3A_126, %dma_start3A_127] : memref<32x125x80xi32, #tpu.memory_space<hbm>> -> memref<1x125x80xi32, #tpu.memory_space<hbm>>
      %dma_start3A_129 = tpu.memref_squeeze %dma_start3A_128 : memref<1x125x80xi32, #tpu.memory_space<hbm>> -> memref<125x80xi32, #tpu.memory_space<hbm>>
      %dma_start3A_130 = arith.constant 0 : i32
      %dma_start3A_131 = tpu.memref_slice %dma_start3A_129[%run_scoped3A_13, %dma_start3A_130] : memref<125x80xi32, #tpu.memory_space<hbm>> -> memref<1x80xi32, #tpu.memory_space<hbm>>
      %dma_start3A_132 = tpu.memref_squeeze %dma_start3A_131 : memref<1x80xi32, #tpu.memory_space<hbm>> -> memref<80xi32, #tpu.memory_space<hbm>>
      %dma_start3A_133 = arith.constant 0 : i32
      %dma_start3A_134 = tpu.memref_slice %arg8[%run_scoped3A_14, %dma_start3A_133] : memref<5x80xi32, #tpu.memory_space<vmem>> -> memref<1x80xi32, #tpu.memory_space<vmem>>
      %dma_start3A_135 = tpu.memref_squeeze %dma_start3A_134 : memref<1x80xi32, #tpu.memory_space<vmem>> -> memref<80xi32, #tpu.memory_space<vmem>>
      %dma_start3A_136 = arith.constant 0 : i32
      %dma_start3A_137 = arith.constant 0 : i32
      %dma_start3A_138 = tpu.memref_slice %arg4[%add3A, %dma_start3A_136, %dma_start3A_137] : memref<32x125x80xi32, #tpu.memory_space<hbm>> -> memref<1x125x80xi32, #tpu.memory_space<hbm>>
      %dma_start3A_139 = tpu.memref_squeeze %dma_start3A_138 : memref<1x125x80xi32, #tpu.memory_space<hbm>> -> memref<125x80xi32, #tpu.memory_space<hbm>>
      %dma_start3A_140 = arith.constant 0 : i32
      %dma_start3A_141 = tpu.memref_slice %dma_start3A_139[%run_scoped3A_13, %dma_start3A_140] : memref<125x80xi32, #tpu.memory_space<hbm>> -> memref<1x80xi32, #tpu.memory_space<hbm>>
      %dma_start3A_142 = tpu.memref_squeeze %dma_start3A_141 : memref<1x80xi32, #tpu.memory_space<hbm>> -> memref<80xi32, #tpu.memory_space<hbm>>
      tpu.enqueue_dma source(%dma_start3A_142 : memref<80xi32, #tpu.memory_space<hbm>>) target(%dma_start3A_135 : memref<80xi32, #tpu.memory_space<vmem>>) target_semaphore(%run_scoped3A_122 : memref<!tpu.dma_semaphore, #tpu.memory_space<semaphore_mem>>)
      %dma_wait3A_143 = arith.constant 0 : i32
      %dma_wait3A_144 = tpu.memref_slice %arg8[%run_scoped3A_14, %dma_wait3A_143] : memref<5x80xi32, #tpu.memory_space<vmem>> -> memref<1x80xi32, #tpu.memory_space<vmem>>
      %dma_wait3A_145 = tpu.memref_squeeze %dma_wait3A_144 : memref<1x80xi32, #tpu.memory_space<vmem>> -> memref<80xi32, #tpu.memory_space<vmem>>
      %dma_wait3A_146 = arith.constant 0 : i32
      %dma_wait3A_147 = arith.constant 0 : i32
      %dma_wait3A_148 = tpu.memref_slice %arg4[%add3A, %dma_wait3A_146, %dma_wait3A_147] : memref<32x125x80xi32, #tpu.memory_space<hbm>> -> memref<1x125x80xi32, #tpu.memory_space<hbm>>
      %dma_wait3A_149 = tpu.memref_squeeze %dma_wait3A_148 : memref<1x125x80xi32, #tpu.memory_space<hbm>> -> memref<125x80xi32, #tpu.memory_space<hbm>>
      %dma_wait3A_150 = arith.constant 0 : i32
      %dma_wait3A_151 = tpu.memref_slice %dma_wait3A_149[%run_scoped3A_13, %dma_wait3A_150] : memref<125x80xi32, #tpu.memory_space<hbm>> -> memref<1x80xi32, #tpu.memory_space<hbm>>
      %dma_wait3A_152 = tpu.memref_squeeze %dma_wait3A_151 : memref<1x80xi32, #tpu.memory_space<hbm>> -> memref<80xi32, #tpu.memory_space<hbm>>
      %dma_wait3A_153 = arith.constant 0 : i32
      %dma_wait3A_154 = tpu.memref_slice %arg8[%run_scoped3A_14, %dma_wait3A_153] : memref<5x80xi32, #tpu.memory_space<vmem>> -> memref<1x80xi32, #tpu.memory_space<vmem>>
      %dma_wait3A_155 = tpu.memref_squeeze %dma_wait3A_154 : memref<1x80xi32, #tpu.memory_space<vmem>> -> memref<80xi32, #tpu.memory_space<vmem>>
      %dma_wait3A_156 = arith.constant 0 : i32
      %dma_wait3A_157 = arith.constant 0 : i32
      %dma_wait3A_158 = tpu.memref_slice %arg4[%add3A, %dma_wait3A_156, %dma_wait3A_157] : memref<32x125x80xi32, #tpu.memory_space<hbm>> -> memref<1x125x80xi32, #tpu.memory_space<hbm>>
      %dma_wait3A_159 = tpu.memref_squeeze %dma_wait3A_158 : memref<1x125x80xi32, #tpu.memory_space<hbm>> -> memref<125x80xi32, #tpu.memory_space<hbm>>
      %dma_wait3A_160 = arith.constant 0 : i32
      %dma_wait3A_161 = tpu.memref_slice %dma_wait3A_159[%run_scoped3A_13, %dma_wait3A_160] : memref<125x80xi32, #tpu.memory_space<hbm>> -> memref<1x80xi32, #tpu.memory_space<hbm>>
      %dma_wait3A_162 = tpu.memref_squeeze %dma_wait3A_161 : memref<1x80xi32, #tpu.memory_space<hbm>> -> memref<80xi32, #tpu.memory_space<hbm>>
      tpu.wait_dma2 semaphore(%run_scoped3A_122 : memref<!tpu.dma_semaphore, #tpu.memory_space<semaphore_mem>>) src(%dma_wait3A_162 : memref<80xi32, #tpu.memory_space<hbm>>) dst(%dma_wait3A_155 : memref<80xi32, #tpu.memory_space<vmem>>)
      tpu.yield
    }) : () -> ()
    %run_scoped3A_15 = arith.constant 2 : i32
    %run_scoped3A_16 = arith.constant 2 : i32
    "tpu.region"() ({
      %run_scoped3A_122 = tpu.sem_alloc : memref<!tpu.dma_semaphore, #tpu.memory_space<semaphore_mem>>
      %dma_start3A_123 = arith.constant 0 : i32
      %dma_start3A_124 = tpu.memref_slice %arg7[%run_scoped3A_16, %dma_start3A_123] : memref<5x80xi32, #tpu.memory_space<vmem>> -> memref<1x80xi32, #tpu.memory_space<vmem>>
      %dma_start3A_125 = tpu.memref_squeeze %dma_start3A_124 : memref<1x80xi32, #tpu.memory_space<vmem>> -> memref<80xi32, #tpu.memory_space<vmem>>
      %dma_start3A_126 = arith.constant 0 : i32
      %dma_start3A_127 = arith.constant 0 : i32
      %dma_start3A_128 = tpu.memref_slice %arg3[%add3A, %dma_start3A_126, %dma_start3A_127] : memref<32x125x80xi32, #tpu.memory_space<hbm>> -> memref<1x125x80xi32, #tpu.memory_space<hbm>>
      %dma_start3A_129 = tpu.memref_squeeze %dma_start3A_128 : memref<1x125x80xi32, #tpu.memory_space<hbm>> -> memref<125x80xi32, #tpu.memory_space<hbm>>
      %dma_start3A_130 = arith.constant 0 : i32
      %dma_start3A_131 = tpu.memref_slice %dma_start3A_129[%run_scoped3A_15, %dma_start3A_130] : memref<125x80xi32, #tpu.memory_space<hbm>> -> memref<1x80xi32, #tpu.memory_space<hbm>>
      %dma_start3A_132 = tpu.memref_squeeze %dma_start3A_131 : memref<1x80xi32, #tpu.memory_space<hbm>> -> memref<80xi32, #tpu.memory_space<hbm>>
      %dma_start3A_133 = arith.constant 0 : i32
      %dma_start3A_134 = tpu.memref_slice %arg7[%run_scoped3A_16, %dma_start3A_133] : memref<5x80xi32, #tpu.memory_space<vmem>> -> memref<1x80xi32, #tpu.memory_space<vmem>>
      %dma_start3A_135 = tpu.memref_squeeze %dma_start3A_134 : memref<1x80xi32, #tpu.memory_space<vmem>> -> memref<80xi32, #tpu.memory_space<vmem>>
      %dma_start3A_136 = arith.constant 0 : i32
      %dma_start3A_137 = arith.constant 0 : i32
      %dma_start3A_138 = tpu.memref_slice %arg3[%add3A, %dma_start3A_136, %dma_start3A_137] : memref<32x125x80xi32, #tpu.memory_space<hbm>> -> memref<1x125x80xi32, #tpu.memory_space<hbm>>
      %dma_start3A_139 = tpu.memref_squeeze %dma_start3A_138 : memref<1x125x80xi32, #tpu.memory_space<hbm>> -> memref<125x80xi32, #tpu.memory_space<hbm>>
      %dma_start3A_140 = arith.constant 0 : i32
      %dma_start3A_141 = tpu.memref_slice %dma_start3A_139[%run_scoped3A_15, %dma_start3A_140] : memref<125x80xi32, #tpu.memory_space<hbm>> -> memref<1x80xi32, #tpu.memory_space<hbm>>
      %dma_start3A_142 = tpu.memref_squeeze %dma_start3A_141 : memref<1x80xi32, #tpu.memory_space<hbm>> -> memref<80xi32, #tpu.memory_space<hbm>>
      tpu.enqueue_dma source(%dma_start3A_142 : memref<80xi32, #tpu.memory_space<hbm>>) target(%dma_start3A_135 : memref<80xi32, #tpu.memory_space<vmem>>) target_semaphore(%run_scoped3A_122 : memref<!tpu.dma_semaphore, #tpu.memory_space<semaphore_mem>>)
      %dma_wait3A_143 = arith.constant 0 : i32
      %dma_wait3A_144 = tpu.memref_slice %arg7[%run_scoped3A_16, %dma_wait3A_143] : memref<5x80xi32, #tpu.memory_space<vmem>> -> memref<1x80xi32, #tpu.memory_space<vmem>>
      %dma_wait3A_145 = tpu.memref_squeeze %dma_wait3A_144 : memref<1x80xi32, #tpu.memory_space<vmem>> -> memref<80xi32, #tpu.memory_space<vmem>>
      %dma_wait3A_146 = arith.constant 0 : i32
      %dma_wait3A_147 = arith.constant 0 : i32
      %dma_wait3A_148 = tpu.memref_slice %arg3[%add3A, %dma_wait3A_146, %dma_wait3A_147] : memref<32x125x80xi32, #tpu.memory_space<hbm>> -> memref<1x125x80xi32, #tpu.memory_space<hbm>>
      %dma_wait3A_149 = tpu.memref_squeeze %dma_wait3A_148 : memref<1x125x80xi32, #tpu.memory_space<hbm>> -> memref<125x80xi32, #tpu.memory_space<hbm>>
      %dma_wait3A_150 = arith.constant 0 : i32
      %dma_wait3A_151 = tpu.memref_slice %dma_wait3A_149[%run_scoped3A_15, %dma_wait3A_150] : memref<125x80xi32, #tpu.memory_space<hbm>> -> memref<1x80xi32, #tpu.memory_space<hbm>>
      %dma_wait3A_152 = tpu.memref_squeeze %dma_wait3A_151 : memref<1x80xi32, #tpu.memory_space<hbm>> -> memref<80xi32, #tpu.memory_space<hbm>>
      %dma_wait3A_153 = arith.constant 0 : i32
      %dma_wait3A_154 = tpu.memref_slice %arg7[%run_scoped3A_16, %dma_wait3A_153] : memref<5x80xi32, #tpu.memory_space<vmem>> -> memref<1x80xi32, #tpu.memory_space<vmem>>
      %dma_wait3A_155 = tpu.memref_squeeze %dma_wait3A_154 : memref<1x80xi32, #tpu.memory_space<vmem>> -> memref<80xi32, #tpu.memory_space<vmem>>
      %dma_wait3A_156 = arith.constant 0 : i32
      %dma_wait3A_157 = arith.constant 0 : i32
      %dma_wait3A_158 = tpu.memref_slice %arg3[%add3A, %dma_wait3A_156, %dma_wait3A_157] : memref<32x125x80xi32, #tpu.memory_space<hbm>> -> memref<1x125x80xi32, #tpu.memory_space<hbm>>
      %dma_wait3A_159 = tpu.memref_squeeze %dma_wait3A_158 : memref<1x125x80xi32, #tpu.memory_space<hbm>> -> memref<125x80xi32, #tpu.memory_space<hbm>>
      %dma_wait3A_160 = arith.constant 0 : i32
      %dma_wait3A_161 = tpu.memref_slice %dma_wait3A_159[%run_scoped3A_15, %dma_wait3A_160] : memref<125x80xi32, #tpu.memory_space<hbm>> -> memref<1x80xi32, #tpu.memory_space<hbm>>
      %dma_wait3A_162 = tpu.memref_squeeze %dma_wait3A_161 : memref<1x80xi32, #tpu.memory_space<hbm>> -> memref<80xi32, #tpu.memory_space<hbm>>
      tpu.wait_dma2 semaphore(%run_scoped3A_122 : memref<!tpu.dma_semaphore, #tpu.memory_space<semaphore_mem>>) src(%dma_wait3A_162 : memref<80xi32, #tpu.memory_space<hbm>>) dst(%dma_wait3A_155 : memref<80xi32, #tpu.memory_space<vmem>>)
      tpu.yield
    }) : () -> ()
    %run_scoped3A_17 = arith.constant 2 : i32
    %run_scoped3A_18 = arith.constant 2 : i32
    "tpu.region"() ({
      %run_scoped3A_122 = tpu.sem_alloc : memref<!tpu.dma_semaphore, #tpu.memory_space<semaphore_mem>>
      %dma_start3A_123 = arith.constant 0 : i32
      %dma_start3A_124 = tpu.memref_slice %arg8[%run_scoped3A_18, %dma_start3A_123] : memref<5x80xi32, #tpu.memory_space<vmem>> -> memref<1x80xi32, #tpu.memory_space<vmem>>
      %dma_start3A_125 = tpu.memref_squeeze %dma_start3A_124 : memref<1x80xi32, #tpu.memory_space<vmem>> -> memref<80xi32, #tpu.memory_space<vmem>>
      %dma_start3A_126 = arith.constant 0 : i32
      %dma_start3A_127 = arith.constant 0 : i32
      %dma_start3A_128 = tpu.memref_slice %arg4[%add3A, %dma_start3A_126, %dma_start3A_127] : memref<32x125x80xi32, #tpu.memory_space<hbm>> -> memref<1x125x80xi32, #tpu.memory_space<hbm>>
      %dma_start3A_129 = tpu.memref_squeeze %dma_start3A_128 : memref<1x125x80xi32, #tpu.memory_space<hbm>> -> memref<125x80xi32, #tpu.memory_space<hbm>>
      %dma_start3A_130 = arith.constant 0 : i32
      %dma_start3A_131 = tpu.memref_slice %dma_start3A_129[%run_scoped3A_17, %dma_start3A_130] : memref<125x80xi32, #tpu.memory_space<hbm>> -> memref<1x80xi32, #tpu.memory_space<hbm>>
      %dma_start3A_132 = tpu.memref_squeeze %dma_start3A_131 : memref<1x80xi32, #tpu.memory_space<hbm>> -> memref<80xi32, #tpu.memory_space<hbm>>
      %dma_start3A_133 = arith.constant 0 : i32
      %dma_start3A_134 = tpu.memref_slice %arg8[%run_scoped3A_18, %dma_start3A_133] : memref<5x80xi32, #tpu.memory_space<vmem>> -> memref<1x80xi32, #tpu.memory_space<vmem>>
      %dma_start3A_135 = tpu.memref_squeeze %dma_start3A_134 : memref<1x80xi32, #tpu.memory_space<vmem>> -> memref<80xi32, #tpu.memory_space<vmem>>
      %dma_start3A_136 = arith.constant 0 : i32
      %dma_start3A_137 = arith.constant 0 : i32
      %dma_start3A_138 = tpu.memref_slice %arg4[%add3A, %dma_start3A_136, %dma_start3A_137] : memref<32x125x80xi32, #tpu.memory_space<hbm>> -> memref<1x125x80xi32, #tpu.memory_space<hbm>>
      %dma_start3A_139 = tpu.memref_squeeze %dma_start3A_138 : memref<1x125x80xi32, #tpu.memory_space<hbm>> -> memref<125x80xi32, #tpu.memory_space<hbm>>
      %dma_start3A_140 = arith.constant 0 : i32
      %dma_start3A_141 = tpu.memref_slice %dma_start3A_139[%run_scoped3A_17, %dma_start3A_140] : memref<125x80xi32, #tpu.memory_space<hbm>> -> memref<1x80xi32, #tpu.memory_space<hbm>>
      %dma_start3A_142 = tpu.memref_squeeze %dma_start3A_141 : memref<1x80xi32, #tpu.memory_space<hbm>> -> memref<80xi32, #tpu.memory_space<hbm>>
      tpu.enqueue_dma source(%dma_start3A_142 : memref<80xi32, #tpu.memory_space<hbm>>) target(%dma_start3A_135 : memref<80xi32, #tpu.memory_space<vmem>>) target_semaphore(%run_scoped3A_122 : memref<!tpu.dma_semaphore, #tpu.memory_space<semaphore_mem>>)
      %dma_wait3A_143 = arith.constant 0 : i32
      %dma_wait3A_144 = tpu.memref_slice %arg8[%run_scoped3A_18, %dma_wait3A_143] : memref<5x80xi32, #tpu.memory_space<vmem>> -> memref<1x80xi32, #tpu.memory_space<vmem>>
      %dma_wait3A_145 = tpu.memref_squeeze %dma_wait3A_144 : memref<1x80xi32, #tpu.memory_space<vmem>> -> memref<80xi32, #tpu.memory_space<vmem>>
      %dma_wait3A_146 = arith.constant 0 : i32
      %dma_wait3A_147 = arith.constant 0 : i32
      %dma_wait3A_148 = tpu.memref_slice %arg4[%add3A, %dma_wait3A_146, %dma_wait3A_147] : memref<32x125x80xi32, #tpu.memory_space<hbm>> -> memref<1x125x80xi32, #tpu.memory_space<hbm>>
      %dma_wait3A_149 = tpu.memref_squeeze %dma_wait3A_148 : memref<1x125x80xi32, #tpu.memory_space<hbm>> -> memref<125x80xi32, #tpu.memory_space<hbm>>
      %dma_wait3A_150 = arith.constant 0 : i32
      %dma_wait3A_151 = tpu.memref_slice %dma_wait3A_149[%run_scoped3A_17, %dma_wait3A_150] : memref<125x80xi32, #tpu.memory_space<hbm>> -> memref<1x80xi32, #tpu.memory_space<hbm>>
      %dma_wait3A_152 = tpu.memref_squeeze %dma_wait3A_151 : memref<1x80xi32, #tpu.memory_space<hbm>> -> memref<80xi32, #tpu.memory_space<hbm>>
      %dma_wait3A_153 = arith.constant 0 : i32
      %dma_wait3A_154 = tpu.memref_slice %arg8[%run_scoped3A_18, %dma_wait3A_153] : memref<5x80xi32, #tpu.memory_space<vmem>> -> memref<1x80xi32, #tpu.memory_space<vmem>>
      %dma_wait3A_155 = tpu.memref_squeeze %dma_wait3A_154 : memref<1x80xi32, #tpu.memory_space<vmem>> -> memref<80xi32, #tpu.memory_space<vmem>>
      %dma_wait3A_156 = arith.constant 0 : i32
      %dma_wait3A_157 = arith.constant 0 : i32
      %dma_wait3A_158 = tpu.memref_slice %arg4[%add3A, %dma_wait3A_156, %dma_wait3A_157] : memref<32x125x80xi32, #tpu.memory_space<hbm>> -> memref<1x125x80xi32, #tpu.memory_space<hbm>>
      %dma_wait3A_159 = tpu.memref_squeeze %dma_wait3A_158 : memref<1x125x80xi32, #tpu.memory_space<hbm>> -> memref<125x80xi32, #tpu.memory_space<hbm>>
      %dma_wait3A_160 = arith.constant 0 : i32
      %dma_wait3A_161 = tpu.memref_slice %dma_wait3A_159[%run_scoped3A_17, %dma_wait3A_160] : memref<125x80xi32, #tpu.memory_space<hbm>> -> memref<1x80xi32, #tpu.memory_space<hbm>>
      %dma_wait3A_162 = tpu.memref_squeeze %dma_wait3A_161 : memref<1x80xi32, #tpu.memory_space<hbm>> -> memref<80xi32, #tpu.memory_space<hbm>>
      tpu.wait_dma2 semaphore(%run_scoped3A_122 : memref<!tpu.dma_semaphore, #tpu.memory_space<semaphore_mem>>) src(%dma_wait3A_162 : memref<80xi32, #tpu.memory_space<hbm>>) dst(%dma_wait3A_155 : memref<80xi32, #tpu.memory_space<vmem>>)
      tpu.yield
    }) : () -> ()
    %dma_start3A = arith.constant 0 : i32
    %dma_start3A_19 = arith.constant 0 : i32
    %dma_start3A_20 = arith.constant 0 : i32
    %dma_start3A_21 = arith.constant 0 : i32
    %dma_start3A_22 = tpu.memref_slice %arg9[%dma_start3A_19, %dma_start3A_20, %dma_start3A_21] : memref<4x80x128xf32, #tpu.memory_space<vmem>> -> memref<1x80x128xf32, #tpu.memory_space<vmem>>
    %dma_start3A_23 = tpu.memref_squeeze %dma_start3A_22 : memref<1x80x128xf32, #tpu.memory_space<vmem>> -> memref<80x128xf32, #tpu.memory_space<vmem>>
    %dma_start3A_24 = arith.constant 0 : i32
    %dma_start3A_25 = tpu.memref_slice %arg7[%dma_start3A, %dma_start3A_24] : memref<5x80xi32, #tpu.memory_space<vmem>> -> memref<1x80xi32, #tpu.memory_space<vmem>>
    %dma_start3A_26 = tpu.memref_squeeze %dma_start3A_25 : memref<1x80xi32, #tpu.memory_space<vmem>> -> memref<80xi32, #tpu.memory_space<vmem>>
    %dma_start3A_27 = arith.constant 0 : i32
    %dma_start3A_28 = arith.constant 0 : i32
    %dma_start3A_29 = tpu.memref_slice %arg2[%dma_start3A_27, %dma_start3A_28] : memref<10000x128xf32, #tpu.memory_space<hbm>> -> memref<10000x128xf32, #tpu.memory_space<hbm>>
    tpu.enqueue_indirect_dma source(%dma_start3A_29 : memref<10000x128xf32, #tpu.memory_space<hbm>>) target(%dma_start3A_23 : memref<80x128xf32, #tpu.memory_space<vmem>>) offsets(%dma_start3A_26 : memref<80xi32, #tpu.memory_space<vmem>>) semaphore(%arg11 : memref<!tpu.dma_semaphore, #tpu.memory_space<semaphore_mem>>)
    %dma_start3A_30 = arith.constant 1 : i32
    %dma_start3A_31 = arith.constant 1 : i32
    %dma_start3A_32 = arith.constant 0 : i32
    %dma_start3A_33 = arith.constant 0 : i32
    %dma_start3A_34 = tpu.memref_slice %arg9[%dma_start3A_31, %dma_start3A_32, %dma_start3A_33] : memref<4x80x128xf32, #tpu.memory_space<vmem>> -> memref<1x80x128xf32, #tpu.memory_space<vmem>>
    %dma_start3A_35 = tpu.memref_squeeze %dma_start3A_34 : memref<1x80x128xf32, #tpu.memory_space<vmem>> -> memref<80x128xf32, #tpu.memory_space<vmem>>
    %dma_start3A_36 = arith.constant 0 : i32
    %dma_start3A_37 = tpu.memref_slice %arg7[%dma_start3A_30, %dma_start3A_36] : memref<5x80xi32, #tpu.memory_space<vmem>> -> memref<1x80xi32, #tpu.memory_space<vmem>>
    %dma_start3A_38 = tpu.memref_squeeze %dma_start3A_37 : memref<1x80xi32, #tpu.memory_space<vmem>> -> memref<80xi32, #tpu.memory_space<vmem>>
    %dma_start3A_39 = arith.constant 0 : i32
    %dma_start3A_40 = arith.constant 0 : i32
    %dma_start3A_41 = tpu.memref_slice %arg2[%dma_start3A_39, %dma_start3A_40] : memref<10000x128xf32, #tpu.memory_space<hbm>> -> memref<10000x128xf32, #tpu.memory_space<hbm>>
    tpu.enqueue_indirect_dma source(%dma_start3A_41 : memref<10000x128xf32, #tpu.memory_space<hbm>>) target(%dma_start3A_35 : memref<80x128xf32, #tpu.memory_space<vmem>>) offsets(%dma_start3A_38 : memref<80xi32, #tpu.memory_space<vmem>>) semaphore(%arg11 : memref<!tpu.dma_semaphore, #tpu.memory_space<semaphore_mem>>)
    %dma_start3A_42 = arith.constant 2 : i32
    %dma_start3A_43 = arith.constant 2 : i32
    %dma_start3A_44 = arith.constant 0 : i32
    %dma_start3A_45 = arith.constant 0 : i32
    %dma_start3A_46 = tpu.memref_slice %arg9[%dma_start3A_43, %dma_start3A_44, %dma_start3A_45] : memref<4x80x128xf32, #tpu.memory_space<vmem>> -> memref<1x80x128xf32, #tpu.memory_space<vmem>>
    %dma_start3A_47 = tpu.memref_squeeze %dma_start3A_46 : memref<1x80x128xf32, #tpu.memory_space<vmem>> -> memref<80x128xf32, #tpu.memory_space<vmem>>
    %dma_start3A_48 = arith.constant 0 : i32
    %dma_start3A_49 = tpu.memref_slice %arg7[%dma_start3A_42, %dma_start3A_48] : memref<5x80xi32, #tpu.memory_space<vmem>> -> memref<1x80xi32, #tpu.memory_space<vmem>>
    %dma_start3A_50 = tpu.memref_squeeze %dma_start3A_49 : memref<1x80xi32, #tpu.memory_space<vmem>> -> memref<80xi32, #tpu.memory_space<vmem>>
    %dma_start3A_51 = arith.constant 0 : i32
    %dma_start3A_52 = arith.constant 0 : i32
    %dma_start3A_53 = tpu.memref_slice %arg2[%dma_start3A_51, %dma_start3A_52] : memref<10000x128xf32, #tpu.memory_space<hbm>> -> memref<10000x128xf32, #tpu.memory_space<hbm>>
    tpu.enqueue_indirect_dma source(%dma_start3A_53 : memref<10000x128xf32, #tpu.memory_space<hbm>>) target(%dma_start3A_47 : memref<80x128xf32, #tpu.memory_space<vmem>>) offsets(%dma_start3A_50 : memref<80xi32, #tpu.memory_space<vmem>>) semaphore(%arg11 : memref<!tpu.dma_semaphore, #tpu.memory_space<semaphore_mem>>)
    %dma_start3A_54 = arith.constant 3 : i32
    %dma_start3A_55 = arith.constant 3 : i32
    %dma_start3A_56 = arith.constant 0 : i32
    %dma_start3A_57 = tpu.memref_slice %arg7[%dma_start3A_55, %dma_start3A_56] : memref<5x80xi32, #tpu.memory_space<vmem>> -> memref<1x80xi32, #tpu.memory_space<vmem>>
    %dma_start3A_58 = tpu.memref_squeeze %dma_start3A_57 : memref<1x80xi32, #tpu.memory_space<vmem>> -> memref<80xi32, #tpu.memory_space<vmem>>
    %dma_start3A_59 = arith.constant 0 : i32
    %dma_start3A_60 = arith.constant 0 : i32
    %dma_start3A_61 = tpu.memref_slice %arg3[%add3A, %dma_start3A_59, %dma_start3A_60] : memref<32x125x80xi32, #tpu.memory_space<hbm>> -> memref<1x125x80xi32, #tpu.memory_space<hbm>>
    %dma_start3A_62 = tpu.memref_squeeze %dma_start3A_61 : memref<1x125x80xi32, #tpu.memory_space<hbm>> -> memref<125x80xi32, #tpu.memory_space<hbm>>
    %dma_start3A_63 = arith.constant 0 : i32
    %dma_start3A_64 = tpu.memref_slice %dma_start3A_62[%dma_start3A_54, %dma_start3A_63] : memref<125x80xi32, #tpu.memory_space<hbm>> -> memref<1x80xi32, #tpu.memory_space<hbm>>
    %dma_start3A_65 = tpu.memref_squeeze %dma_start3A_64 : memref<1x80xi32, #tpu.memory_space<hbm>> -> memref<80xi32, #tpu.memory_space<hbm>>
    %dma_start3A_66 = arith.constant 0 : i32
    %dma_start3A_67 = tpu.memref_slice %arg7[%dma_start3A_55, %dma_start3A_66] : memref<5x80xi32, #tpu.memory_space<vmem>> -> memref<1x80xi32, #tpu.memory_space<vmem>>
    %dma_start3A_68 = tpu.memref_squeeze %dma_start3A_67 : memref<1x80xi32, #tpu.memory_space<vmem>> -> memref<80xi32, #tpu.memory_space<vmem>>
    %dma_start3A_69 = arith.constant 0 : i32
    %dma_start3A_70 = arith.constant 0 : i32
    %dma_start3A_71 = tpu.memref_slice %arg3[%add3A, %dma_start3A_69, %dma_start3A_70] : memref<32x125x80xi32, #tpu.memory_space<hbm>> -> memref<1x125x80xi32, #tpu.memory_space<hbm>>
    %dma_start3A_72 = tpu.memref_squeeze %dma_start3A_71 : memref<1x125x80xi32, #tpu.memory_space<hbm>> -> memref<125x80xi32, #tpu.memory_space<hbm>>
    %dma_start3A_73 = arith.constant 0 : i32
    %dma_start3A_74 = tpu.memref_slice %dma_start3A_72[%dma_start3A_54, %dma_start3A_73] : memref<125x80xi32, #tpu.memory_space<hbm>> -> memref<1x80xi32, #tpu.memory_space<hbm>>
    %dma_start3A_75 = tpu.memref_squeeze %dma_start3A_74 : memref<1x80xi32, #tpu.memory_space<hbm>> -> memref<80xi32, #tpu.memory_space<hbm>>
    tpu.enqueue_dma source(%dma_start3A_75 : memref<80xi32, #tpu.memory_space<hbm>>) target(%dma_start3A_68 : memref<80xi32, #tpu.memory_space<vmem>>) target_semaphore(%arg12 : memref<!tpu.dma_semaphore, #tpu.memory_space<semaphore_mem>>)
    %dma_start3A_76 = arith.constant 3 : i32
    %dma_start3A_77 = arith.constant 3 : i32
    %dma_start3A_78 = arith.constant 0 : i32
    %dma_start3A_79 = tpu.memref_slice %arg8[%dma_start3A_77, %dma_start3A_78] : memref<5x80xi32, #tpu.memory_space<vmem>> -> memref<1x80xi32, #tpu.memory_space<vmem>>
    %dma_start3A_80 = tpu.memref_squeeze %dma_start3A_79 : memref<1x80xi32, #tpu.memory_space<vmem>> -> memref<80xi32, #tpu.memory_space<vmem>>
    %dma_start3A_81 = arith.constant 0 : i32
    %dma_start3A_82 = arith.constant 0 : i32
    %dma_start3A_83 = tpu.memref_slice %arg4[%add3A, %dma_start3A_81, %dma_start3A_82] : memref<32x125x80xi32, #tpu.memory_space<hbm>> -> memref<1x125x80xi32, #tpu.memory_space<hbm>>
    %dma_start3A_84 = tpu.memref_squeeze %dma_start3A_83 : memref<1x125x80xi32, #tpu.memory_space<hbm>> -> memref<125x80xi32, #tpu.memory_space<hbm>>
    %dma_start3A_85 = arith.constant 0 : i32
    %dma_start3A_86 = tpu.memref_slice %dma_start3A_84[%dma_start3A_76, %dma_start3A_85] : memref<125x80xi32, #tpu.memory_space<hbm>> -> memref<1x80xi32, #tpu.memory_space<hbm>>
    %dma_start3A_87 = tpu.memref_squeeze %dma_start3A_86 : memref<1x80xi32, #tpu.memory_space<hbm>> -> memref<80xi32, #tpu.memory_space<hbm>>
    %dma_start3A_88 = arith.constant 0 : i32
    %dma_start3A_89 = tpu.memref_slice %arg8[%dma_start3A_77, %dma_start3A_88] : memref<5x80xi32, #tpu.memory_space<vmem>> -> memref<1x80xi32, #tpu.memory_space<vmem>>
    %dma_start3A_90 = tpu.memref_squeeze %dma_start3A_89 : memref<1x80xi32, #tpu.memory_space<vmem>> -> memref<80xi32, #tpu.memory_space<vmem>>
    %dma_start3A_91 = arith.constant 0 : i32
    %dma_start3A_92 = arith.constant 0 : i32
    %dma_start3A_93 = tpu.memref_slice %arg4[%add3A, %dma_start3A_91, %dma_start3A_92] : memref<32x125x80xi32, #tpu.memory_space<hbm>> -> memref<1x125x80xi32, #tpu.memory_space<hbm>>
    %dma_start3A_94 = tpu.memref_squeeze %dma_start3A_93 : memref<1x125x80xi32, #tpu.memory_space<hbm>> -> memref<125x80xi32, #tpu.memory_space<hbm>>
    %dma_start3A_95 = arith.constant 0 : i32
    %dma_start3A_96 = tpu.memref_slice %dma_start3A_94[%dma_start3A_76, %dma_start3A_95] : memref<125x80xi32, #tpu.memory_space<hbm>> -> memref<1x80xi32, #tpu.memory_space<hbm>>
    %dma_start3A_97 = tpu.memref_squeeze %dma_start3A_96 : memref<1x80xi32, #tpu.memory_space<hbm>> -> memref<80xi32, #tpu.memory_space<hbm>>
    tpu.enqueue_dma source(%dma_start3A_97 : memref<80xi32, #tpu.memory_space<hbm>>) target(%dma_start3A_90 : memref<80xi32, #tpu.memory_space<vmem>>) target_semaphore(%arg12 : memref<!tpu.dma_semaphore, #tpu.memory_space<semaphore_mem>>)
    %scan3A = arith.constant 0 : i32
    %scan3A_98 = arith.constant 0 : i32
    %scan3A_99 = arith.constant 125 : i32
    %scan3A_100 = arith.addi %scan3A_98, %scan3A_99 : i32
    %scan3A_101 = arith.constant 1 : i32
    scf.for %scan3A_122 = %scan3A_98 to %scan3A_100 step %scan3A_101  : i32 {
      %rem3A = arith.constant 4 : i32
      %rem3A_123 = arith.remsi %scan3A_122, %rem3A : i32
      %rem3A_124 = arith.constant 6 : i32
      %rem3A_125 = arith.remsi %scan3A_122, %rem3A_124 : i32
      %dma_wait3A_126 = arith.constant 0 : i32
      %dma_wait3A_127 = arith.constant 0 : i32
      %dma_wait3A_128 = tpu.memref_slice %arg9[%rem3A_123, %dma_wait3A_126, %dma_wait3A_127] : memref<4x80x128xf32, #tpu.memory_space<vmem>> -> memref<1x80x128xf32, #tpu.memory_space<vmem>>
      %dma_wait3A_129 = tpu.memref_squeeze %dma_wait3A_128 : memref<1x80x128xf32, #tpu.memory_space<vmem>> -> memref<80x128xf32, #tpu.memory_space<vmem>>
      %dma_wait3A_130 = arith.constant 0 : i32
      %dma_wait3A_131 = tpu.memref_slice %arg7[%rem3A_125, %dma_wait3A_130] : memref<5x80xi32, #tpu.memory_space<vmem>> -> memref<1x80xi32, #tpu.memory_space<vmem>>
      %dma_wait3A_132 = tpu.memref_squeeze %dma_wait3A_131 : memref<1x80xi32, #tpu.memory_space<vmem>> -> memref<80xi32, #tpu.memory_space<vmem>>
      %dma_wait3A_133 = arith.constant 0 : i32
      %dma_wait3A_134 = arith.constant 0 : i32
      %dma_wait3A_135 = tpu.memref_slice %arg2[%dma_wait3A_133, %dma_wait3A_134] : memref<10000x128xf32, #tpu.memory_space<hbm>> -> memref<10000x128xf32, #tpu.memory_space<hbm>>
      tpu.wait_indirect_dma semaphore(%arg11 : memref<!tpu.dma_semaphore, #tpu.memory_space<semaphore_mem>>) src(%dma_wait3A_135 : memref<10000x128xf32, #tpu.memory_space<hbm>>) dst(%dma_wait3A_129 : memref<80x128xf32, #tpu.memory_space<vmem>>)
      %ge3A = arith.constant 1 : i32
      %ge3A_136 = arith.cmpi sge, %scan3A_122, %ge3A : i32
      %convert_element_type3A_137 = arith.extui %ge3A_136 : i1 to i32
      %cond3A_138 = arith.constant 0 : i32
      %cond3A_139 = arith.cmpi ne, %convert_element_type3A_137, %cond3A_138 : i32
      scf.if %cond3A_139 {
        %dma_wait3A_163 = arith.constant 0 : i32
        %dma_wait3A_164 = arith.constant 0 : i32
        %dma_wait3A_165 = arith.constant 0 : i32
        %dma_wait3A_166 = arith.constant 0 : i32
        %dma_wait3A_167 = tpu.memref_slice %arg9[%dma_wait3A_164, %dma_wait3A_165, %dma_wait3A_166] : memref<4x80x128xf32, #tpu.memory_space<vmem>> -> memref<1x80x128xf32, #tpu.memory_space<vmem>>
        %dma_wait3A_168 = tpu.memref_squeeze %dma_wait3A_167 : memref<1x80x128xf32, #tpu.memory_space<vmem>> -> memref<80x128xf32, #tpu.memory_space<vmem>>
        %dma_wait3A_169 = arith.constant 0 : i32
        %dma_wait3A_170 = tpu.memref_slice %arg7[%dma_wait3A_163, %dma_wait3A_169] : memref<5x80xi32, #tpu.memory_space<vmem>> -> memref<1x80xi32, #tpu.memory_space<vmem>>
        %dma_wait3A_171 = tpu.memref_squeeze %dma_wait3A_170 : memref<1x80xi32, #tpu.memory_space<vmem>> -> memref<80xi32, #tpu.memory_space<vmem>>
        %dma_wait3A_172 = arith.constant 0 : i32
        %dma_wait3A_173 = arith.constant 0 : i32
        %dma_wait3A_174 = tpu.memref_slice %arg2[%dma_wait3A_172, %dma_wait3A_173] : memref<10000x128xf32, #tpu.memory_space<hbm>> -> memref<10000x128xf32, #tpu.memory_space<hbm>>
        tpu.wait_indirect_dma semaphore(%arg13 : memref<!tpu.dma_semaphore, #tpu.memory_space<semaphore_mem>>) src(%dma_wait3A_174 : memref<10000x128xf32, #tpu.memory_space<hbm>>) dst(%dma_wait3A_168 : memref<80x128xf32, #tpu.memory_space<vmem>>)
      } else {
      }
      %dma_start3A_140 = arith.constant 0 : i32
      %dma_start3A_141 = arith.constant 0 : i32
      %dma_start3A_142 = tpu.memref_slice %arg9[%rem3A_123, %dma_start3A_140, %dma_start3A_141] : memref<4x80x128xf32, #tpu.memory_space<vmem>> -> memref<1x80x128xf32, #tpu.memory_space<vmem>>
      %dma_start3A_143 = tpu.memref_squeeze %dma_start3A_142 : memref<1x80x128xf32, #tpu.memory_space<vmem>> -> memref<80x128xf32, #tpu.memory_space<vmem>>
      %dma_start3A_144 = arith.constant 0 : i32
      %dma_start3A_145 = tpu.memref_slice %arg8[%rem3A_125, %dma_start3A_144] : memref<5x80xi32, #tpu.memory_space<vmem>> -> memref<1x80xi32, #tpu.memory_space<vmem>>
      %dma_start3A_146 = tpu.memref_squeeze %dma_start3A_145 : memref<1x80xi32, #tpu.memory_space<vmem>> -> memref<80xi32, #tpu.memory_space<vmem>>
      %dma_start3A_147 = arith.constant 0 : i32
      %dma_start3A_148 = arith.constant 0 : i32
      %dma_start3A_149 = tpu.memref_slice %arg10[%dma_start3A_147, %dma_start3A_148] : memref<10000x128xf32, #tpu.memory_space<vmem_shared>> -> memref<10000x128xf32, #tpu.memory_space<vmem_shared>>
      tpu.enqueue_indirect_dma source(%dma_start3A_143 : memref<80x128xf32, #tpu.memory_space<vmem>>) target(%dma_start3A_149 : memref<10000x128xf32, #tpu.memory_space<vmem_shared>>) offsets(%dma_start3A_146 : memref<80xi32, #tpu.memory_space<vmem>>) semaphore(%arg13 : memref<!tpu.dma_semaphore, #tpu.memory_space<semaphore_mem>>) {add = true}
      %add3A_150 = arith.constant 3 : i32
      %add3A_151 = arith.addi %scan3A_122, %add3A_150 : i32
      %lt3A = arith.constant 125 : i32
      %lt3A_152 = arith.cmpi slt, %add3A_151, %lt3A : i32
      %convert_element_type3A_153 = arith.extui %lt3A_152 : i1 to i32
      %cond3A_154 = arith.constant 0 : i32
      %cond3A_155 = arith.cmpi ne, %convert_element_type3A_153, %cond3A_154 : i32
      scf.if %cond3A_155 {
        %add3A_163 = arith.constant 3 : i32
        %add3A_164 = arith.addi %scan3A_122, %add3A_163 : i32
        %rem3A_165 = arith.constant 6 : i32
        %rem3A_166 = arith.remsi %add3A_164, %rem3A_165 : i32
        %add3A_167 = arith.constant 3 : i32
        %add3A_168 = arith.addi %scan3A_122, %add3A_167 : i32
        %dma_wait3A_169 = arith.constant 0 : i32
        %dma_wait3A_170 = tpu.memref_slice %arg7[%rem3A_166, %dma_wait3A_169] : memref<5x80xi32, #tpu.memory_space<vmem>> -> memref<1x80xi32, #tpu.memory_space<vmem>>
        %dma_wait3A_171 = tpu.memref_squeeze %dma_wait3A_170 : memref<1x80xi32, #tpu.memory_space<vmem>> -> memref<80xi32, #tpu.memory_space<vmem>>
        %dma_wait3A_172 = arith.constant 0 : i32
        %dma_wait3A_173 = arith.constant 0 : i32
        %dma_wait3A_174 = tpu.memref_slice %arg3[%add3A, %dma_wait3A_172, %dma_wait3A_173] : memref<32x125x80xi32, #tpu.memory_space<hbm>> -> memref<1x125x80xi32, #tpu.memory_space<hbm>>
        %dma_wait3A_175 = tpu.memref_squeeze %dma_wait3A_174 : memref<1x125x80xi32, #tpu.memory_space<hbm>> -> memref<125x80xi32, #tpu.memory_space<hbm>>
        %dma_wait3A_176 = arith.constant 0 : i32
        %dma_wait3A_177 = tpu.memref_slice %dma_wait3A_175[%add3A_168, %dma_wait3A_176] : memref<125x80xi32, #tpu.memory_space<hbm>> -> memref<1x80xi32, #tpu.memory_space<hbm>>
        %dma_wait3A_178 = tpu.memref_squeeze %dma_wait3A_177 : memref<1x80xi32, #tpu.memory_space<hbm>> -> memref<80xi32, #tpu.memory_space<hbm>>
        %dma_wait3A_179 = arith.constant 0 : i32
        %dma_wait3A_180 = tpu.memref_slice %arg7[%rem3A_166, %dma_wait3A_179] : memref<5x80xi32, #tpu.memory_space<vmem>> -> memref<1x80xi32, #tpu.memory_space<vmem>>
        %dma_wait3A_181 = tpu.memref_squeeze %dma_wait3A_180 : memref<1x80xi32, #tpu.memory_space<vmem>> -> memref<80xi32, #tpu.memory_space<vmem>>
        %dma_wait3A_182 = arith.constant 0 : i32
        %dma_wait3A_183 = arith.constant 0 : i32
        %dma_wait3A_184 = tpu.memref_slice %arg3[%add3A, %dma_wait3A_182, %dma_wait3A_183] : memref<32x125x80xi32, #tpu.memory_space<hbm>> -> memref<1x125x80xi32, #tpu.memory_space<hbm>>
        %dma_wait3A_185 = tpu.memref_squeeze %dma_wait3A_184 : memref<1x125x80xi32, #tpu.memory_space<hbm>> -> memref<125x80xi32, #tpu.memory_space<hbm>>
        %dma_wait3A_186 = arith.constant 0 : i32
        %dma_wait3A_187 = tpu.memref_slice %dma_wait3A_185[%add3A_168, %dma_wait3A_186] : memref<125x80xi32, #tpu.memory_space<hbm>> -> memref<1x80xi32, #tpu.memory_space<hbm>>
        %dma_wait3A_188 = tpu.memref_squeeze %dma_wait3A_187 : memref<1x80xi32, #tpu.memory_space<hbm>> -> memref<80xi32, #tpu.memory_space<hbm>>
        tpu.wait_dma2 semaphore(%arg12 : memref<!tpu.dma_semaphore, #tpu.memory_space<semaphore_mem>>) src(%dma_wait3A_188 : memref<80xi32, #tpu.memory_space<hbm>>) dst(%dma_wait3A_181 : memref<80xi32, #tpu.memory_space<vmem>>)
        %add3A_189 = arith.constant 3 : i32
        %add3A_190 = arith.addi %scan3A_122, %add3A_189 : i32
        %dma_wait3A_191 = arith.constant 0 : i32
        %dma_wait3A_192 = tpu.memref_slice %arg8[%rem3A_166, %dma_wait3A_191] : memref<5x80xi32, #tpu.memory_space<vmem>> -> memref<1x80xi32, #tpu.memory_space<vmem>>
        %dma_wait3A_193 = tpu.memref_squeeze %dma_wait3A_192 : memref<1x80xi32, #tpu.memory_space<vmem>> -> memref<80xi32, #tpu.memory_space<vmem>>
        %dma_wait3A_194 = arith.constant 0 : i32
        %dma_wait3A_195 = arith.constant 0 : i32
        %dma_wait3A_196 = tpu.memref_slice %arg4[%add3A, %dma_wait3A_194, %dma_wait3A_195] : memref<32x125x80xi32, #tpu.memory_space<hbm>> -> memref<1x125x80xi32, #tpu.memory_space<hbm>>
        %dma_wait3A_197 = tpu.memref_squeeze %dma_wait3A_196 : memref<1x125x80xi32, #tpu.memory_space<hbm>> -> memref<125x80xi32, #tpu.memory_space<hbm>>
        %dma_wait3A_198 = arith.constant 0 : i32
        %dma_wait3A_199 = tpu.memref_slice %dma_wait3A_197[%add3A_190, %dma_wait3A_198] : memref<125x80xi32, #tpu.memory_space<hbm>> -> memref<1x80xi32, #tpu.memory_space<hbm>>
        %dma_wait3A_200 = tpu.memref_squeeze %dma_wait3A_199 : memref<1x80xi32, #tpu.memory_space<hbm>> -> memref<80xi32, #tpu.memory_space<hbm>>
        %dma_wait3A_201 = arith.constant 0 : i32
        %dma_wait3A_202 = tpu.memref_slice %arg8[%rem3A_166, %dma_wait3A_201] : memref<5x80xi32, #tpu.memory_space<vmem>> -> memref<1x80xi32, #tpu.memory_space<vmem>>
        %dma_wait3A_203 = tpu.memref_squeeze %dma_wait3A_202 : memref<1x80xi32, #tpu.memory_space<vmem>> -> memref<80xi32, #tpu.memory_space<vmem>>
        %dma_wait3A_204 = arith.constant 0 : i32
        %dma_wait3A_205 = arith.constant 0 : i32
        %dma_wait3A_206 = tpu.memref_slice %arg4[%add3A, %dma_wait3A_204, %dma_wait3A_205] : memref<32x125x80xi32, #tpu.memory_space<hbm>> -> memref<1x125x80xi32, #tpu.memory_space<hbm>>
        %dma_wait3A_207 = tpu.memref_squeeze %dma_wait3A_206 : memref<1x125x80xi32, #tpu.memory_space<hbm>> -> memref<125x80xi32, #tpu.memory_space<hbm>>
        %dma_wait3A_208 = arith.constant 0 : i32
        %dma_wait3A_209 = tpu.memref_slice %dma_wait3A_207[%add3A_190, %dma_wait3A_208] : memref<125x80xi32, #tpu.memory_space<hbm>> -> memref<1x80xi32, #tpu.memory_space<hbm>>
        %dma_wait3A_210 = tpu.memref_squeeze %dma_wait3A_209 : memref<1x80xi32, #tpu.memory_space<hbm>> -> memref<80xi32, #tpu.memory_space<hbm>>
        tpu.wait_dma2 semaphore(%arg12 : memref<!tpu.dma_semaphore, #tpu.memory_space<semaphore_mem>>) src(%dma_wait3A_210 : memref<80xi32, #tpu.memory_space<hbm>>) dst(%dma_wait3A_203 : memref<80xi32, #tpu.memory_space<vmem>>)
        %add3A_211 = arith.constant 3 : i32
        %add3A_212 = arith.addi %scan3A_122, %add3A_211 : i32
        %rem3A_213 = arith.constant 4 : i32
        %rem3A_214 = arith.remsi %add3A_212, %rem3A_213 : i32
        %dma_start3A_215 = arith.constant 0 : i32
        %dma_start3A_216 = arith.constant 0 : i32
        %dma_start3A_217 = tpu.memref_slice %arg9[%rem3A_214, %dma_start3A_215, %dma_start3A_216] : memref<4x80x128xf32, #tpu.memory_space<vmem>> -> memref<1x80x128xf32, #tpu.memory_space<vmem>>
        %dma_start3A_218 = tpu.memref_squeeze %dma_start3A_217 : memref<1x80x128xf32, #tpu.memory_space<vmem>> -> memref<80x128xf32, #tpu.memory_space<vmem>>
        %dma_start3A_219 = arith.constant 0 : i32
        %dma_start3A_220 = tpu.memref_slice %arg7[%rem3A_166, %dma_start3A_219] : memref<5x80xi32, #tpu.memory_space<vmem>> -> memref<1x80xi32, #tpu.memory_space<vmem>>
        %dma_start3A_221 = tpu.memref_squeeze %dma_start3A_220 : memref<1x80xi32, #tpu.memory_space<vmem>> -> memref<80xi32, #tpu.memory_space<vmem>>
        %dma_start3A_222 = arith.constant 0 : i32
        %dma_start3A_223 = arith.constant 0 : i32
        %dma_start3A_224 = tpu.memref_slice %arg2[%dma_start3A_222, %dma_start3A_223] : memref<10000x128xf32, #tpu.memory_space<hbm>> -> memref<10000x128xf32, #tpu.memory_space<hbm>>
        tpu.enqueue_indirect_dma source(%dma_start3A_224 : memref<10000x128xf32, #tpu.memory_space<hbm>>) target(%dma_start3A_218 : memref<80x128xf32, #tpu.memory_space<vmem>>) offsets(%dma_start3A_221 : memref<80xi32, #tpu.memory_space<vmem>>) semaphore(%arg11 : memref<!tpu.dma_semaphore, #tpu.memory_space<semaphore_mem>>)
      } else {
      }
      %add3A_156 = arith.constant 4 : i32
      %add3A_157 = arith.addi %scan3A_122, %add3A_156 : i32
      %lt3A_158 = arith.constant 125 : i32
      %lt3A_159 = arith.cmpi slt, %add3A_157, %lt3A_158 : i32
      %convert_element_type3A_160 = arith.extui %lt3A_159 : i1 to i32
      %cond3A_161 = arith.constant 0 : i32
      %cond3A_162 = arith.cmpi ne, %convert_element_type3A_160, %cond3A_161 : i32
      scf.if %cond3A_162 {
        %add3A_163 = arith.constant 4 : i32
        %add3A_164 = arith.addi %scan3A_122, %add3A_163 : i32
        %rem3A_165 = arith.constant 6 : i32
        %rem3A_166 = arith.remsi %add3A_164, %rem3A_165 : i32
        %add3A_167 = arith.constant 4 : i32
        %add3A_168 = arith.addi %scan3A_122, %add3A_167 : i32
        %dma_start3A_169 = arith.constant 0 : i32
        %dma_start3A_170 = tpu.memref_slice %arg7[%rem3A_166, %dma_start3A_169] : memref<5x80xi32, #tpu.memory_space<vmem>> -> memref<1x80xi32, #tpu.memory_space<vmem>>
        %dma_start3A_171 = tpu.memref_squeeze %dma_start3A_170 : memref<1x80xi32, #tpu.memory_space<vmem>> -> memref<80xi32, #tpu.memory_space<vmem>>
        %dma_start3A_172 = arith.constant 0 : i32
        %dma_start3A_173 = arith.constant 0 : i32
        %dma_start3A_174 = tpu.memref_slice %arg3[%add3A, %dma_start3A_172, %dma_start3A_173] : memref<32x125x80xi32, #tpu.memory_space<hbm>> -> memref<1x125x80xi32, #tpu.memory_space<hbm>>
        %dma_start3A_175 = tpu.memref_squeeze %dma_start3A_174 : memref<1x125x80xi32, #tpu.memory_space<hbm>> -> memref<125x80xi32, #tpu.memory_space<hbm>>
        %dma_start3A_176 = arith.constant 0 : i32
        %dma_start3A_177 = tpu.memref_slice %dma_start3A_175[%add3A_168, %dma_start3A_176] : memref<125x80xi32, #tpu.memory_space<hbm>> -> memref<1x80xi32, #tpu.memory_space<hbm>>
        %dma_start3A_178 = tpu.memref_squeeze %dma_start3A_177 : memref<1x80xi32, #tpu.memory_space<hbm>> -> memref<80xi32, #tpu.memory_space<hbm>>
        %dma_start3A_179 = arith.constant 0 : i32
        %dma_start3A_180 = tpu.memref_slice %arg7[%rem3A_166, %dma_start3A_179] : memref<5x80xi32, #tpu.memory_space<vmem>> -> memref<1x80xi32, #tpu.memory_space<vmem>>
        %dma_start3A_181 = tpu.memref_squeeze %dma_start3A_180 : memref<1x80xi32, #tpu.memory_space<vmem>> -> memref<80xi32, #tpu.memory_space<vmem>>
        %dma_start3A_182 = arith.constant 0 : i32
        %dma_start3A_183 = arith.constant 0 : i32
        %dma_start3A_184 = tpu.memref_slice %arg3[%add3A, %dma_start3A_182, %dma_start3A_183] : memref<32x125x80xi32, #tpu.memory_space<hbm>> -> memref<1x125x80xi32, #tpu.memory_space<hbm>>
        %dma_start3A_185 = tpu.memref_squeeze %dma_start3A_184 : memref<1x125x80xi32, #tpu.memory_space<hbm>> -> memref<125x80xi32, #tpu.memory_space<hbm>>
        %dma_start3A_186 = arith.constant 0 : i32
        %dma_start3A_187 = tpu.memref_slice %dma_start3A_185[%add3A_168, %dma_start3A_186] : memref<125x80xi32, #tpu.memory_space<hbm>> -> memref<1x80xi32, #tpu.memory_space<hbm>>
        %dma_start3A_188 = tpu.memref_squeeze %dma_start3A_187 : memref<1x80xi32, #tpu.memory_space<hbm>> -> memref<80xi32, #tpu.memory_space<hbm>>
        tpu.enqueue_dma source(%dma_start3A_188 : memref<80xi32, #tpu.memory_space<hbm>>) target(%dma_start3A_181 : memref<80xi32, #tpu.memory_space<vmem>>) target_semaphore(%arg12 : memref<!tpu.dma_semaphore, #tpu.memory_space<semaphore_mem>>)
        %add3A_189 = arith.constant 4 : i32
        %add3A_190 = arith.addi %scan3A_122, %add3A_189 : i32
        %dma_start3A_191 = arith.constant 0 : i32
        %dma_start3A_192 = tpu.memref_slice %arg8[%rem3A_166, %dma_start3A_191] : memref<5x80xi32, #tpu.memory_space<vmem>> -> memref<1x80xi32, #tpu.memory_space<vmem>>
        %dma_start3A_193 = tpu.memref_squeeze %dma_start3A_192 : memref<1x80xi32, #tpu.memory_space<vmem>> -> memref<80xi32, #tpu.memory_space<vmem>>
        %dma_start3A_194 = arith.constant 0 : i32
        %dma_start3A_195 = arith.constant 0 : i32
        %dma_start3A_196 = tpu.memref_slice %arg4[%add3A, %dma_start3A_194, %dma_start3A_195] : memref<32x125x80xi32, #tpu.memory_space<hbm>> -> memref<1x125x80xi32, #tpu.memory_space<hbm>>
        %dma_start3A_197 = tpu.memref_squeeze %dma_start3A_196 : memref<1x125x80xi32, #tpu.memory_space<hbm>> -> memref<125x80xi32, #tpu.memory_space<hbm>>
        %dma_start3A_198 = arith.constant 0 : i32
        %dma_start3A_199 = tpu.memref_slice %dma_start3A_197[%add3A_190, %dma_start3A_198] : memref<125x80xi32, #tpu.memory_space<hbm>> -> memref<1x80xi32, #tpu.memory_space<hbm>>
        %dma_start3A_200 = tpu.memref_squeeze %dma_start3A_199 : memref<1x80xi32, #tpu.memory_space<hbm>> -> memref<80xi32, #tpu.memory_space<hbm>>
        %dma_start3A_201 = arith.constant 0 : i32
        %dma_start3A_202 = tpu.memref_slice %arg8[%rem3A_166, %dma_start3A_201] : memref<5x80xi32, #tpu.memory_space<vmem>> -> memref<1x80xi32, #tpu.memory_space<vmem>>
        %dma_start3A_203 = tpu.memref_squeeze %dma_start3A_202 : memref<1x80xi32, #tpu.memory_space<vmem>> -> memref<80xi32, #tpu.memory_space<vmem>>
        %dma_start3A_204 = arith.constant 0 : i32
        %dma_start3A_205 = arith.constant 0 : i32
        %dma_start3A_206 = tpu.memref_slice %arg4[%add3A, %dma_start3A_204, %dma_start3A_205] : memref<32x125x80xi32, #tpu.memory_space<hbm>> -> memref<1x125x80xi32, #tpu.memory_space<hbm>>
        %dma_start3A_207 = tpu.memref_squeeze %dma_start3A_206 : memref<1x125x80xi32, #tpu.memory_space<hbm>> -> memref<125x80xi32, #tpu.memory_space<hbm>>
        %dma_start3A_208 = arith.constant 0 : i32
        %dma_start3A_209 = tpu.memref_slice %dma_start3A_207[%add3A_190, %dma_start3A_208] : memref<125x80xi32, #tpu.memory_space<hbm>> -> memref<1x80xi32, #tpu.memory_space<hbm>>
        %dma_start3A_210 = tpu.memref_squeeze %dma_start3A_209 : memref<1x80xi32, #tpu.memory_space<hbm>> -> memref<80xi32, #tpu.memory_space<hbm>>
        tpu.enqueue_dma source(%dma_start3A_210 : memref<80xi32, #tpu.memory_space<hbm>>) target(%dma_start3A_203 : memref<80xi32, #tpu.memory_space<vmem>>) target_semaphore(%arg12 : memref<!tpu.dma_semaphore, #tpu.memory_space<semaphore_mem>>)
      } else {
      }
    }
    %scan3A_102 = arith.constant 125 : i32
    %dma_wait3A = arith.constant 0 : i32
    %dma_wait3A_103 = arith.constant 0 : i32
    %dma_wait3A_104 = arith.constant 0 : i32
    %dma_wait3A_105 = arith.constant 0 : i32
    %dma_wait3A_106 = tpu.memref_slice %arg9[%dma_wait3A_103, %dma_wait3A_104, %dma_wait3A_105] : memref<4x80x128xf32, #tpu.memory_space<vmem>> -> memref<1x80x128xf32, #tpu.memory_space<vmem>>
    %dma_wait3A_107 = tpu.memref_squeeze %dma_wait3A_106 : memref<1x80x128xf32, #tpu.memory_space<vmem>> -> memref<80x128xf32, #tpu.memory_space<vmem>>
    %dma_wait3A_108 = arith.constant 0 : i32
    %dma_wait3A_109 = tpu.memref_slice %arg7[%dma_wait3A, %dma_wait3A_108] : memref<5x80xi32, #tpu.memory_space<vmem>> -> memref<1x80xi32, #tpu.memory_space<vmem>>
    %dma_wait3A_110 = tpu.memref_squeeze %dma_wait3A_109 : memref<1x80xi32, #tpu.memory_space<vmem>> -> memref<80xi32, #tpu.memory_space<vmem>>
    %dma_wait3A_111 = arith.constant 0 : i32
    %dma_wait3A_112 = arith.constant 0 : i32
    %dma_wait3A_113 = tpu.memref_slice %arg2[%dma_wait3A_111, %dma_wait3A_112] : memref<10000x128xf32, #tpu.memory_space<hbm>> -> memref<10000x128xf32, #tpu.memory_space<hbm>>
    tpu.wait_indirect_dma semaphore(%arg13 : memref<!tpu.dma_semaphore, #tpu.memory_space<semaphore_mem>>) src(%dma_wait3A_113 : memref<10000x128xf32, #tpu.memory_space<hbm>>) dst(%dma_wait3A_107 : memref<80x128xf32, #tpu.memory_space<vmem>>)
    %barrier3A_114 = arith.constant 0 : index
    tpu.barrier barrier_id(%barrier3A_114)
    %mul3A_115 = arith.constant 624 : i32
    %mul3A_116 = arith.muli %arg1, %mul3A_115 : i32
    %multiple_of3A = tpu.assume_multiple %mul3A_116, 8 : i32
    "tpu.region"() ({
      %run_scoped3A_122 = tpu.sem_alloc : memref<!tpu.dma_semaphore, #tpu.memory_space<semaphore_mem>>
      %dma_start3A_123 = arith.constant 0 : i32
      %dma_start3A_124 = arith.constant 0 : i32
      %dma_start3A_125 = tpu.memref_slice %arg6[%arg0, %dma_start3A_123, %dma_start3A_124] : memref<2x10000x128xf32, #tpu.memory_space<hbm>> -> memref<1x10000x128xf32, #tpu.memory_space<hbm>>
      %dma_start3A_126 = tpu.memref_squeeze %dma_start3A_125 : memref<1x10000x128xf32, #tpu.memory_space<hbm>> -> memref<10000x128xf32, #tpu.memory_space<hbm>>
      %dma_start3A_127 = arith.constant 0 : i32
      %dma_start3A_128 = tpu.memref_slice %dma_start3A_126[%multiple_of3A, %dma_start3A_127] : memref<10000x128xf32, #tpu.memory_space<hbm>> -> memref<624x128xf32, #tpu.memory_space<hbm>>
      %dma_start3A_129 = arith.constant 0 : i32
      %dma_start3A_130 = tpu.memref_slice %arg10[%multiple_of3A, %dma_start3A_129] : memref<10000x128xf32, #tpu.memory_space<vmem_shared>> -> memref<624x128xf32, #tpu.memory_space<vmem_shared>>
      tpu.enqueue_dma source(%dma_start3A_130 : memref<624x128xf32, #tpu.memory_space<vmem_shared>>) target(%dma_start3A_128 : memref<624x128xf32, #tpu.memory_space<hbm>>) target_semaphore(%run_scoped3A_122 : memref<!tpu.dma_semaphore, #tpu.memory_space<semaphore_mem>>)
      %dma_wait3A_131 = arith.constant 0 : i32
      %dma_wait3A_132 = arith.constant 0 : i32
      %dma_wait3A_133 = tpu.memref_slice %arg6[%arg0, %dma_wait3A_131, %dma_wait3A_132] : memref<2x10000x128xf32, #tpu.memory_space<hbm>> -> memref<1x10000x128xf32, #tpu.memory_space<hbm>>
      %dma_wait3A_134 = tpu.memref_squeeze %dma_wait3A_133 : memref<1x10000x128xf32, #tpu.memory_space<hbm>> -> memref<10000x128xf32, #tpu.memory_space<hbm>>
      %dma_wait3A_135 = arith.constant 0 : i32
      %dma_wait3A_136 = tpu.memref_slice %dma_wait3A_134[%multiple_of3A, %dma_wait3A_135] : memref<10000x128xf32, #tpu.memory_space<hbm>> -> memref<624x128xf32, #tpu.memory_space<hbm>>
      %dma_wait3A_137 = arith.constant 0 : i32
      %dma_wait3A_138 = tpu.memref_slice %arg10[%multiple_of3A, %dma_wait3A_137] : memref<10000x128xf32, #tpu.memory_space<vmem_shared>> -> memref<624x128xf32, #tpu.memory_space<vmem_shared>>
      tpu.wait_dma2 semaphore(%run_scoped3A_122 : memref<!tpu.dma_semaphore, #tpu.memory_space<semaphore_mem>>) src(%dma_wait3A_138 : memref<624x128xf32, #tpu.memory_space<vmem_shared>>) dst(%dma_wait3A_136 : memref<624x128xf32, #tpu.memory_space<hbm>>)
      tpu.yield
    }) : () -> ()
    %eq3A_117 = arith.constant 15 : i32
    %eq3A_118 = arith.cmpi eq, %arg1, %eq3A_117 : i32
    %convert_element_type3A_119 = arith.extui %eq3A_118 : i1 to i32
    %cond3A_120 = arith.constant 0 : i32
    %cond3A_121 = arith.cmpi ne, %convert_element_type3A_119, %cond3A_120 : i32
    scf.if %cond3A_121 {
      "tpu.region"() ({
        %run_scoped3A_122 = tpu.sem_alloc : memref<!tpu.dma_semaphore, #tpu.memory_space<semaphore_mem>>
        %dma_start3A_123 = arith.constant 0 : i32
        %dma_start3A_124 = arith.constant 0 : i32
        %dma_start3A_125 = tpu.memref_slice %arg6[%arg0, %dma_start3A_123, %dma_start3A_124] : memref<2x10000x128xf32, #tpu.memory_space<hbm>> -> memref<1x10000x128xf32, #tpu.memory_space<hbm>>
        %dma_start3A_126 = tpu.memref_squeeze %dma_start3A_125 : memref<1x10000x128xf32, #tpu.memory_space<hbm>> -> memref<10000x128xf32, #tpu.memory_space<hbm>>
        %dma_start3A_127 = arith.constant 9984 : i32
        %dma_start3A_128 = arith.constant 0 : i32
        %dma_start3A_129 = tpu.memref_slice %dma_start3A_126[%dma_start3A_127, %dma_start3A_128] : memref<10000x128xf32, #tpu.memory_space<hbm>> -> memref<16x128xf32, #tpu.memory_space<hbm>>
        %dma_start3A_130 = arith.constant 9984 : i32
        %dma_start3A_131 = arith.constant 0 : i32
        %dma_start3A_132 = tpu.memref_slice %arg10[%dma_start3A_130, %dma_start3A_131] : memref<10000x128xf32, #tpu.memory_space<vmem_shared>> -> memref<16x128xf32, #tpu.memory_space<vmem_shared>>
        tpu.enqueue_dma source(%dma_start3A_132 : memref<16x128xf32, #tpu.memory_space<vmem_shared>>) target(%dma_start3A_129 : memref<16x128xf32, #tpu.memory_space<hbm>>) target_semaphore(%run_scoped3A_122 : memref<!tpu.dma_semaphore, #tpu.memory_space<semaphore_mem>>)
        %dma_wait3A_133 = arith.constant 0 : i32
        %dma_wait3A_134 = arith.constant 0 : i32
        %dma_wait3A_135 = tpu.memref_slice %arg6[%arg0, %dma_wait3A_133, %dma_wait3A_134] : memref<2x10000x128xf32, #tpu.memory_space<hbm>> -> memref<1x10000x128xf32, #tpu.memory_space<hbm>>
        %dma_wait3A_136 = tpu.memref_squeeze %dma_wait3A_135 : memref<1x10000x128xf32, #tpu.memory_space<hbm>> -> memref<10000x128xf32, #tpu.memory_space<hbm>>
        %dma_wait3A_137 = arith.constant 9984 : i32
        %dma_wait3A_138 = arith.constant 0 : i32
        %dma_wait3A_139 = tpu.memref_slice %dma_wait3A_136[%dma_wait3A_137, %dma_wait3A_138] : memref<10000x128xf32, #tpu.memory_space<hbm>> -> memref<16x128xf32, #tpu.memory_space<hbm>>
        %dma_wait3A_140 = arith.constant 9984 : i32
        %dma_wait3A_141 = arith.constant 0 : i32
        %dma_wait3A_142 = tpu.memref_slice %arg10[%dma_wait3A_140, %dma_wait3A_141] : memref<10000x128xf32, #tpu.memory_space<vmem_shared>> -> memref<16x128xf32, #tpu.memory_space<vmem_shared>>
        tpu.wait_dma2 semaphore(%run_scoped3A_122 : memref<!tpu.dma_semaphore, #tpu.memory_space<semaphore_mem>>) src(%dma_wait3A_142 : memref<16x128xf32, #tpu.memory_space<vmem_shared>>) dst(%dma_wait3A_139 : memref<16x128xf32, #tpu.memory_space<hbm>>)
        tpu.yield
      }) : () -> ()
    } else {
    }
    return
  }
}

#map = affine_map<(d0, d1) -> (0, 0)>
#map1 = affine_map<(d0, d1) -> (0, 0, 0)>
module attributes {stable_mosaic.version = 14 : i64} {
  func.func @_scatter_body(%arg0: i32, %arg1: i32, %arg2: memref<10000x128xf32, #tpu.memory_space<hbm>>, %arg3: memref<32x125x80xi32, #tpu.memory_space<hbm>>, %arg4: memref<32x125x80xi32, #tpu.memory_space<hbm>>, %arg5: memref<10000x128xf32, #tpu.memory_space<hbm>>, %arg6: memref<2x10000x128xf32, #tpu.memory_space<hbm>>, %arg7: memref<5x80xi32, #tpu.memory_space<vmem>>, %arg8: memref<5x80xi32, #tpu.memory_space<vmem>>, %arg9: memref<4x80x128xf32, #tpu.memory_space<vmem>>, %arg10: memref<10000x128xf32, #tpu.memory_space<vmem_shared>>, %arg11: memref<!tpu.dma_semaphore, #tpu.memory_space<semaphore_mem>>, %arg12: memref<!tpu.dma_semaphore, #tpu.memory_space<semaphore_mem>>, %arg13: memref<!tpu.dma_semaphore, #tpu.memory_space<semaphore_mem>>) attributes {dimension_semantics = [#tpu.dimension_semantics<core_parallel>, #tpu.dimension_semantics<subcore_parallel>], iteration_bounds = array<i64: 2, 16>, scalar_prefetch = 0 : i64, scratch_operands = 7 : i64, tpu.core_type = #tpu.core_type<sc_vector_subcore>, window_params = [{transform_indices = #map}, {transform_indices = #map1}, {transform_indices = #map1}, {transform_indices = #map}, {transform_indices = #map1}]} {
    %mul3A = arith.constant 2 : i32
    %mul3A_0 = arith.muli %arg1, %mul3A : i32
    %add3A = arith.addi %mul3A_0, %arg0 : i32
    %eq3A = arith.constant 0 : i32
    %eq3A_1 = arith.cmpi eq, %arg0, %eq3A : i32
    %convert_element_type3A = arith.extui %eq3A_1 : i1 to i32
    %cond3A = arith.constant 0 : i32
    %cond3A_2 = arith.cmpi ne, %convert_element_type3A, %cond3A : i32
    scf.if %cond3A_2 {
      %mul3A_122 = arith.constant 624 : i32
      %mul3A_123 = arith.muli %arg1, %mul3A_122 : i32
      %multiple_of3A_124 = tpu.assume_multiple %mul3A_123, 8 : i32
      "tpu.region"() ({
        %run_scoped3A_130 = tpu.sem_alloc : memref<!tpu.dma_semaphore, #tpu.memory_space<semaphore_mem>>
        %dma_start3A_131 = arith.constant 0 : i32
        %dma_start3A_132 = tpu.memref_slice %arg10[%multiple_of3A_124, %dma_start3A_131] : memref<10000x128xf32, #tpu.memory_space<vmem_shared>> -> memref<624x128xf32, #tpu.memory_space<vmem_shared>>
        %dma_start3A_133 = arith.constant 0 : i32
        %dma_start3A_134 = tpu.memref_slice %arg2[%multiple_of3A_124, %dma_start3A_133] : memref<10000x128xf32, #tpu.memory_space<hbm>> -> memref<624x128xf32, #tpu.memory_space<hbm>>
        tpu.enqueue_dma source(%dma_start3A_134 : memref<624x128xf32, #tpu.memory_space<hbm>>) target(%dma_start3A_132 : memref<624x128xf32, #tpu.memory_space<vmem_shared>>) target_semaphore(%run_scoped3A_130 : memref<!tpu.dma_semaphore, #tpu.memory_space<semaphore_mem>>)
        %dma_wait3A_135 = arith.constant 0 : i32
        %dma_wait3A_136 = tpu.memref_slice %arg10[%multiple_of3A_124, %dma_wait3A_135] : memref<10000x128xf32, #tpu.memory_space<vmem_shared>> -> memref<624x128xf32, #tpu.memory_space<vmem_shared>>
        %dma_wait3A_137 = arith.constant 0 : i32
        %dma_wait3A_138 = tpu.memref_slice %arg2[%multiple_of3A_124, %dma_wait3A_137] : memref<10000x128xf32, #tpu.memory_space<hbm>> -> memref<624x128xf32, #tpu.memory_space<hbm>>
        tpu.wait_dma2 semaphore(%run_scoped3A_130 : memref<!tpu.dma_semaphore, #tpu.memory_space<semaphore_mem>>) src(%dma_wait3A_138 : memref<624x128xf32, #tpu.memory_space<hbm>>) dst(%dma_wait3A_136 : memref<624x128xf32, #tpu.memory_space<vmem_shared>>)
        tpu.yield
      }) : () -> ()
      %eq3A_125 = arith.constant 15 : i32
      %eq3A_126 = arith.cmpi eq, %arg1, %eq3A_125 : i32
      %convert_element_type3A_127 = arith.extui %eq3A_126 : i1 to i32
      %cond3A_128 = arith.constant 0 : i32
      %cond3A_129 = arith.cmpi ne, %convert_element_type3A_127, %cond3A_128 : i32
      scf.if %cond3A_129 {
        "tpu.region"() ({
          %run_scoped3A_130 = tpu.sem_alloc : memref<!tpu.dma_semaphore, #tpu.memory_space<semaphore_mem>>
          %dma_start3A_131 = arith.constant 9984 : i32
          %dma_start3A_132 = arith.constant 0 : i32
          %dma_start3A_133 = tpu.memref_slice %arg10[%dma_start3A_131, %dma_start3A_132] : memref<10000x128xf32, #tpu.memory_space<vmem_shared>> -> memref<16x128xf32, #tpu.memory_space<vmem_shared>>
          %dma_start3A_134 = arith.constant 9984 : i32
          %dma_start3A_135 = arith.constant 0 : i32
          %dma_start3A_136 = tpu.memref_slice %arg2[%dma_start3A_134, %dma_start3A_135] : memref<10000x128xf32, #tpu.memory_space<hbm>> -> memref<16x128xf32, #tpu.memory_space<hbm>>
          tpu.enqueue_dma source(%dma_start3A_136 : memref<16x128xf32, #tpu.memory_space<hbm>>) target(%dma_start3A_133 : memref<16x128xf32, #tpu.memory_space<vmem_shared>>) target_semaphore(%run_scoped3A_130 : memref<!tpu.dma_semaphore, #tpu.memory_space<semaphore_mem>>)
          %dma_wait3A_137 = arith.constant 9984 : i32
          %dma_wait3A_138 = arith.constant 0 : i32
          %dma_wait3A_139 = tpu.memref_slice %arg10[%dma_wait3A_137, %dma_wait3A_138] : memref<10000x128xf32, #tpu.memory_space<vmem_shared>> -> memref<16x128xf32, #tpu.memory_space<vmem_shared>>
          %dma_wait3A_140 = arith.constant 9984 : i32
          %dma_wait3A_141 = arith.constant 0 : i32
          %dma_wait3A_142 = tpu.memref_slice %arg2[%dma_wait3A_140, %dma_wait3A_141] : memref<10000x128xf32, #tpu.memory_space<hbm>> -> memref<16x128xf32, #tpu.memory_space<hbm>>
          tpu.wait_dma2 semaphore(%run_scoped3A_130 : memref<!tpu.dma_semaphore, #tpu.memory_space<semaphore_mem>>) src(%dma_wait3A_142 : memref<16x128xf32, #tpu.memory_space<hbm>>) dst(%dma_wait3A_139 : memref<16x128xf32, #tpu.memory_space<vmem_shared>>)
          tpu.yield
        }) : () -> ()
      } else {
      }
    } else {
    }
    %eq3A_3 = arith.constant 1 : i32
    %eq3A_4 = arith.cmpi eq, %arg0, %eq3A_3 : i32
    %convert_element_type3A_5 = arith.extui %eq3A_4 : i1 to i32
    %cond3A_6 = arith.constant 0 : i32
    %cond3A_7 = arith.cmpi ne, %convert_element_type3A_5, %cond3A_6 : i32
    scf.if %cond3A_7 {
      %mul3A_122 = arith.constant 624 : i32
      %mul3A_123 = arith.muli %arg1, %mul3A_122 : i32
      %multiple_of3A_124 = tpu.assume_multiple %mul3A_123, 8 : i32
      "tpu.region"() ({
        %run_scoped3A_130 = tpu.sem_alloc : memref<!tpu.dma_semaphore, #tpu.memory_space<semaphore_mem>>
        %dma_start3A_131 = arith.constant 0 : i32
        %dma_start3A_132 = tpu.memref_slice %arg10[%multiple_of3A_124, %dma_start3A_131] : memref<10000x128xf32, #tpu.memory_space<vmem_shared>> -> memref<624x128xf32, #tpu.memory_space<vmem_shared>>
        %dma_start3A_133 = arith.constant 0 : i32
        %dma_start3A_134 = tpu.memref_slice %arg5[%multiple_of3A_124, %dma_start3A_133] : memref<10000x128xf32, #tpu.memory_space<hbm>> -> memref<624x128xf32, #tpu.memory_space<hbm>>
        tpu.enqueue_dma source(%dma_start3A_134 : memref<624x128xf32, #tpu.memory_space<hbm>>) target(%dma_start3A_132 : memref<624x128xf32, #tpu.memory_space<vmem_shared>>) target_semaphore(%run_scoped3A_130 : memref<!tpu.dma_semaphore, #tpu.memory_space<semaphore_mem>>)
        %dma_wait3A_135 = arith.constant 0 : i32
        %dma_wait3A_136 = tpu.memref_slice %arg10[%multiple_of3A_124, %dma_wait3A_135] : memref<10000x128xf32, #tpu.memory_space<vmem_shared>> -> memref<624x128xf32, #tpu.memory_space<vmem_shared>>
        %dma_wait3A_137 = arith.constant 0 : i32
        %dma_wait3A_138 = tpu.memref_slice %arg5[%multiple_of3A_124, %dma_wait3A_137] : memref<10000x128xf32, #tpu.memory_space<hbm>> -> memref<624x128xf32, #tpu.memory_space<hbm>>
        tpu.wait_dma2 semaphore(%run_scoped3A_130 : memref<!tpu.dma_semaphore, #tpu.memory_space<semaphore_mem>>) src(%dma_wait3A_138 : memref<624x128xf32, #tpu.memory_space<hbm>>) dst(%dma_wait3A_136 : memref<624x128xf32, #tpu.memory_space<vmem_shared>>)
        tpu.yield
      }) : () -> ()
      %eq3A_125 = arith.constant 15 : i32
      %eq3A_126 = arith.cmpi eq, %arg1, %eq3A_125 : i32
      %convert_element_type3A_127 = arith.extui %eq3A_126 : i1 to i32
      %cond3A_128 = arith.constant 0 : i32
      %cond3A_129 = arith.cmpi ne, %convert_element_type3A_127, %cond3A_128 : i32
      scf.if %cond3A_129 {
        "tpu.region"() ({
          %run_scoped3A_130 = tpu.sem_alloc : memref<!tpu.dma_semaphore, #tpu.memory_space<semaphore_mem>>
          %dma_start3A_131 = arith.constant 9984 : i32
          %dma_start3A_132 = arith.constant 0 : i32
          %dma_start3A_133 = tpu.memref_slice %arg10[%dma_start3A_131, %dma_start3A_132] : memref<10000x128xf32, #tpu.memory_space<vmem_shared>> -> memref<16x128xf32, #tpu.memory_space<vmem_shared>>
          %dma_start3A_134 = arith.constant 9984 : i32
          %dma_start3A_135 = arith.constant 0 : i32
          %dma_start3A_136 = tpu.memref_slice %arg5[%dma_start3A_134, %dma_start3A_135] : memref<10000x128xf32, #tpu.memory_space<hbm>> -> memref<16x128xf32, #tpu.memory_space<hbm>>
          tpu.enqueue_dma source(%dma_start3A_136 : memref<16x128xf32, #tpu.memory_space<hbm>>) target(%dma_start3A_133 : memref<16x128xf32, #tpu.memory_space<vmem_shared>>) target_semaphore(%run_scoped3A_130 : memref<!tpu.dma_semaphore, #tpu.memory_space<semaphore_mem>>)
          %dma_wait3A_137 = arith.constant 9984 : i32
          %dma_wait3A_138 = arith.constant 0 : i32
          %dma_wait3A_139 = tpu.memref_slice %arg10[%dma_wait3A_137, %dma_wait3A_138] : memref<10000x128xf32, #tpu.memory_space<vmem_shared>> -> memref<16x128xf32, #tpu.memory_space<vmem_shared>>
          %dma_wait3A_140 = arith.constant 9984 : i32
          %dma_wait3A_141 = arith.constant 0 : i32
          %dma_wait3A_142 = tpu.memref_slice %arg5[%dma_wait3A_140, %dma_wait3A_141] : memref<10000x128xf32, #tpu.memory_space<hbm>> -> memref<16x128xf32, #tpu.memory_space<hbm>>
          tpu.wait_dma2 semaphore(%run_scoped3A_130 : memref<!tpu.dma_semaphore, #tpu.memory_space<semaphore_mem>>) src(%dma_wait3A_142 : memref<16x128xf32, #tpu.memory_space<hbm>>) dst(%dma_wait3A_139 : memref<16x128xf32, #tpu.memory_space<vmem_shared>>)
          tpu.yield
        }) : () -> ()
      } else {
      }
    } else {
    }
    %barrier3A = arith.constant 0 : index
    tpu.barrier barrier_id(%barrier3A)
    %run_scoped3A = arith.constant 0 : i32
    %run_scoped3A_8 = arith.constant 0 : i32
    "tpu.region"() ({
      %run_scoped3A_122 = tpu.sem_alloc : memref<!tpu.dma_semaphore, #tpu.memory_space<semaphore_mem>>
      %dma_start3A_123 = arith.constant 0 : i32
      %dma_start3A_124 = tpu.memref_slice %arg7[%run_scoped3A_8, %dma_start3A_123] : memref<5x80xi32, #tpu.memory_space<vmem>> -> memref<1x80xi32, #tpu.memory_space<vmem>>
      %dma_start3A_125 = tpu.memref_squeeze %dma_start3A_124 : memref<1x80xi32, #tpu.memory_space<vmem>> -> memref<80xi32, #tpu.memory_space<vmem>>
      %dma_start3A_126 = arith.constant 0 : i32
      %dma_start3A_127 = arith.constant 0 : i32
      %dma_start3A_128 = tpu.memref_slice %arg3[%add3A, %dma_start3A_126, %dma_start3A_127] : memref<32x125x80xi32, #tpu.memory_space<hbm>> -> memref<1x125x80xi32, #tpu.memory_space<hbm>>
      %dma_start3A_129 = tpu.memref_squeeze %dma_start3A_128 : memref<1x125x80xi32, #tpu.memory_space<hbm>> -> memref<125x80xi32, #tpu.memory_space<hbm>>
      %dma_start3A_130 = arith.constant 0 : i32
      %dma_start3A_131 = tpu.memref_slice %dma_start3A_129[%run_scoped3A, %dma_start3A_130] : memref<125x80xi32, #tpu.memory_space<hbm>> -> memref<1x80xi32, #tpu.memory_space<hbm>>
      %dma_start3A_132 = tpu.memref_squeeze %dma_start3A_131 : memref<1x80xi32, #tpu.memory_space<hbm>> -> memref<80xi32, #tpu.memory_space<hbm>>
      %dma_start3A_133 = arith.constant 0 : i32
      %dma_start3A_134 = tpu.memref_slice %arg7[%run_scoped3A_8, %dma_start3A_133] : memref<5x80xi32, #tpu.memory_space<vmem>> -> memref<1x80xi32, #tpu.memory_space<vmem>>
      %dma_start3A_135 = tpu.memref_squeeze %dma_start3A_134 : memref<1x80xi32, #tpu.memory_space<vmem>> -> memref<80xi32, #tpu.memory_space<vmem>>
      %dma_start3A_136 = arith.constant 0 : i32
      %dma_start3A_137 = arith.constant 0 : i32
      %dma_start3A_138 = tpu.memref_slice %arg3[%add3A, %dma_start3A_136, %dma_start3A_137] : memref<32x125x80xi32, #tpu.memory_space<hbm>> -> memref<1x125x80xi32, #tpu.memory_space<hbm>>
      %dma_start3A_139 = tpu.memref_squeeze %dma_start3A_138 : memref<1x125x80xi32, #tpu.memory_space<hbm>> -> memref<125x80xi32, #tpu.memory_space<hbm>>
      %dma_start3A_140 = arith.constant 0 : i32
      %dma_start3A_141 = tpu.memref_slice %dma_start3A_139[%run_scoped3A, %dma_start3A_140] : memref<125x80xi32, #tpu.memory_space<hbm>> -> memref<1x80xi32, #tpu.memory_space<hbm>>
      %dma_start3A_142 = tpu.memref_squeeze %dma_start3A_141 : memref<1x80xi32, #tpu.memory_space<hbm>> -> memref<80xi32, #tpu.memory_space<hbm>>
      tpu.enqueue_dma source(%dma_start3A_142 : memref<80xi32, #tpu.memory_space<hbm>>) target(%dma_start3A_135 : memref<80xi32, #tpu.memory_space<vmem>>) target_semaphore(%run_scoped3A_122 : memref<!tpu.dma_semaphore, #tpu.memory_space<semaphore_mem>>)
      %dma_wait3A_143 = arith.constant 0 : i32
      %dma_wait3A_144 = tpu.memref_slice %arg7[%run_scoped3A_8, %dma_wait3A_143] : memref<5x80xi32, #tpu.memory_space<vmem>> -> memref<1x80xi32, #tpu.memory_space<vmem>>
      %dma_wait3A_145 = tpu.memref_squeeze %dma_wait3A_144 : memref<1x80xi32, #tpu.memory_space<vmem>> -> memref<80xi32, #tpu.memory_space<vmem>>
      %dma_wait3A_146 = arith.constant 0 : i32
      %dma_wait3A_147 = arith.constant 0 : i32
      %dma_wait3A_148 = tpu.memref_slice %arg3[%add3A, %dma_wait3A_146, %dma_wait3A_147] : memref<32x125x80xi32, #tpu.memory_space<hbm>> -> memref<1x125x80xi32, #tpu.memory_space<hbm>>
      %dma_wait3A_149 = tpu.memref_squeeze %dma_wait3A_148 : memref<1x125x80xi32, #tpu.memory_space<hbm>> -> memref<125x80xi32, #tpu.memory_space<hbm>>
      %dma_wait3A_150 = arith.constant 0 : i32
      %dma_wait3A_151 = tpu.memref_slice %dma_wait3A_149[%run_scoped3A, %dma_wait3A_150] : memref<125x80xi32, #tpu.memory_space<hbm>> -> memref<1x80xi32, #tpu.memory_space<hbm>>
      %dma_wait3A_152 = tpu.memref_squeeze %dma_wait3A_151 : memref<1x80xi32, #tpu.memory_space<hbm>> -> memref<80xi32, #tpu.memory_space<hbm>>
      %dma_wait3A_153 = arith.constant 0 : i32
      %dma_wait3A_154 = tpu.memref_slice %arg7[%run_scoped3A_8, %dma_wait3A_153] : memref<5x80xi32, #tpu.memory_space<vmem>> -> memref<1x80xi32, #tpu.memory_space<vmem>>
      %dma_wait3A_155 = tpu.memref_squeeze %dma_wait3A_154 : memref<1x80xi32, #tpu.memory_space<vmem>> -> memref<80xi32, #tpu.memory_space<vmem>>
      %dma_wait3A_156 = arith.constant 0 : i32
      %dma_wait3A_157 = arith.constant 0 : i32
      %dma_wait3A_158 = tpu.memref_slice %arg3[%add3A, %dma_wait3A_156, %dma_wait3A_157] : memref<32x125x80xi32, #tpu.memory_space<hbm>> -> memref<1x125x80xi32, #tpu.memory_space<hbm>>
      %dma_wait3A_159 = tpu.memref_squeeze %dma_wait3A_158 : memref<1x125x80xi32, #tpu.memory_space<hbm>> -> memref<125x80xi32, #tpu.memory_space<hbm>>
      %dma_wait3A_160 = arith.constant 0 : i32
      %dma_wait3A_161 = tpu.memref_slice %dma_wait3A_159[%run_scoped3A, %dma_wait3A_160] : memref<125x80xi32, #tpu.memory_space<hbm>> -> memref<1x80xi32, #tpu.memory_space<hbm>>
      %dma_wait3A_162 = tpu.memref_squeeze %dma_wait3A_161 : memref<1x80xi32, #tpu.memory_space<hbm>> -> memref<80xi32, #tpu.memory_space<hbm>>
      tpu.wait_dma2 semaphore(%run_scoped3A_122 : memref<!tpu.dma_semaphore, #tpu.memory_space<semaphore_mem>>) src(%dma_wait3A_162 : memref<80xi32, #tpu.memory_space<hbm>>) dst(%dma_wait3A_155 : memref<80xi32, #tpu.memory_space<vmem>>)
      tpu.yield
    }) : () -> ()
    %run_scoped3A_9 = arith.constant 0 : i32
    %run_scoped3A_10 = arith.constant 0 : i32
    "tpu.region"() ({
      %run_scoped3A_122 = tpu.sem_alloc : memref<!tpu.dma_semaphore, #tpu.memory_space<semaphore_mem>>
      %dma_start3A_123 = arith.constant 0 : i32
      %dma_start3A_124 = tpu.memref_slice %arg8[%run_scoped3A_10, %dma_start3A_123] : memref<5x80xi32, #tpu.memory_space<vmem>> -> memref<1x80xi32, #tpu.memory_space<vmem>>
      %dma_start3A_125 = tpu.memref_squeeze %dma_start3A_124 : memref<1x80xi32, #tpu.memory_space<vmem>> -> memref<80xi32, #tpu.memory_space<vmem>>
      %dma_start3A_126 = arith.constant 0 : i32
      %dma_start3A_127 = arith.constant 0 : i32
      %dma_start3A_128 = tpu.memref_slice %arg4[%add3A, %dma_start3A_126, %dma_start3A_127] : memref<32x125x80xi32, #tpu.memory_space<hbm>> -> memref<1x125x80xi32, #tpu.memory_space<hbm>>
      %dma_start3A_129 = tpu.memref_squeeze %dma_start3A_128 : memref<1x125x80xi32, #tpu.memory_space<hbm>> -> memref<125x80xi32, #tpu.memory_space<hbm>>
      %dma_start3A_130 = arith.constant 0 : i32
      %dma_start3A_131 = tpu.memref_slice %dma_start3A_129[%run_scoped3A_9, %dma_start3A_130] : memref<125x80xi32, #tpu.memory_space<hbm>> -> memref<1x80xi32, #tpu.memory_space<hbm>>
      %dma_start3A_132 = tpu.memref_squeeze %dma_start3A_131 : memref<1x80xi32, #tpu.memory_space<hbm>> -> memref<80xi32, #tpu.memory_space<hbm>>
      %dma_start3A_133 = arith.constant 0 : i32
      %dma_start3A_134 = tpu.memref_slice %arg8[%run_scoped3A_10, %dma_start3A_133] : memref<5x80xi32, #tpu.memory_space<vmem>> -> memref<1x80xi32, #tpu.memory_space<vmem>>
      %dma_start3A_135 = tpu.memref_squeeze %dma_start3A_134 : memref<1x80xi32, #tpu.memory_space<vmem>> -> memref<80xi32, #tpu.memory_space<vmem>>
      %dma_start3A_136 = arith.constant 0 : i32
      %dma_start3A_137 = arith.constant 0 : i32
      %dma_start3A_138 = tpu.memref_slice %arg4[%add3A, %dma_start3A_136, %dma_start3A_137] : memref<32x125x80xi32, #tpu.memory_space<hbm>> -> memref<1x125x80xi32, #tpu.memory_space<hbm>>
      %dma_start3A_139 = tpu.memref_squeeze %dma_start3A_138 : memref<1x125x80xi32, #tpu.memory_space<hbm>> -> memref<125x80xi32, #tpu.memory_space<hbm>>
      %dma_start3A_140 = arith.constant 0 : i32
      %dma_start3A_141 = tpu.memref_slice %dma_start3A_139[%run_scoped3A_9, %dma_start3A_140] : memref<125x80xi32, #tpu.memory_space<hbm>> -> memref<1x80xi32, #tpu.memory_space<hbm>>
      %dma_start3A_142 = tpu.memref_squeeze %dma_start3A_141 : memref<1x80xi32, #tpu.memory_space<hbm>> -> memref<80xi32, #tpu.memory_space<hbm>>
      tpu.enqueue_dma source(%dma_start3A_142 : memref<80xi32, #tpu.memory_space<hbm>>) target(%dma_start3A_135 : memref<80xi32, #tpu.memory_space<vmem>>) target_semaphore(%run_scoped3A_122 : memref<!tpu.dma_semaphore, #tpu.memory_space<semaphore_mem>>)
      %dma_wait3A_143 = arith.constant 0 : i32
      %dma_wait3A_144 = tpu.memref_slice %arg8[%run_scoped3A_10, %dma_wait3A_143] : memref<5x80xi32, #tpu.memory_space<vmem>> -> memref<1x80xi32, #tpu.memory_space<vmem>>
      %dma_wait3A_145 = tpu.memref_squeeze %dma_wait3A_144 : memref<1x80xi32, #tpu.memory_space<vmem>> -> memref<80xi32, #tpu.memory_space<vmem>>
      %dma_wait3A_146 = arith.constant 0 : i32
      %dma_wait3A_147 = arith.constant 0 : i32
      %dma_wait3A_148 = tpu.memref_slice %arg4[%add3A, %dma_wait3A_146, %dma_wait3A_147] : memref<32x125x80xi32, #tpu.memory_space<hbm>> -> memref<1x125x80xi32, #tpu.memory_space<hbm>>
      %dma_wait3A_149 = tpu.memref_squeeze %dma_wait3A_148 : memref<1x125x80xi32, #tpu.memory_space<hbm>> -> memref<125x80xi32, #tpu.memory_space<hbm>>
      %dma_wait3A_150 = arith.constant 0 : i32
      %dma_wait3A_151 = tpu.memref_slice %dma_wait3A_149[%run_scoped3A_9, %dma_wait3A_150] : memref<125x80xi32, #tpu.memory_space<hbm>> -> memref<1x80xi32, #tpu.memory_space<hbm>>
      %dma_wait3A_152 = tpu.memref_squeeze %dma_wait3A_151 : memref<1x80xi32, #tpu.memory_space<hbm>> -> memref<80xi32, #tpu.memory_space<hbm>>
      %dma_wait3A_153 = arith.constant 0 : i32
      %dma_wait3A_154 = tpu.memref_slice %arg8[%run_scoped3A_10, %dma_wait3A_153] : memref<5x80xi32, #tpu.memory_space<vmem>> -> memref<1x80xi32, #tpu.memory_space<vmem>>
      %dma_wait3A_155 = tpu.memref_squeeze %dma_wait3A_154 : memref<1x80xi32, #tpu.memory_space<vmem>> -> memref<80xi32, #tpu.memory_space<vmem>>
      %dma_wait3A_156 = arith.constant 0 : i32
      %dma_wait3A_157 = arith.constant 0 : i32
      %dma_wait3A_158 = tpu.memref_slice %arg4[%add3A, %dma_wait3A_156, %dma_wait3A_157] : memref<32x125x80xi32, #tpu.memory_space<hbm>> -> memref<1x125x80xi32, #tpu.memory_space<hbm>>
      %dma_wait3A_159 = tpu.memref_squeeze %dma_wait3A_158 : memref<1x125x80xi32, #tpu.memory_space<hbm>> -> memref<125x80xi32, #tpu.memory_space<hbm>>
      %dma_wait3A_160 = arith.constant 0 : i32
      %dma_wait3A_161 = tpu.memref_slice %dma_wait3A_159[%run_scoped3A_9, %dma_wait3A_160] : memref<125x80xi32, #tpu.memory_space<hbm>> -> memref<1x80xi32, #tpu.memory_space<hbm>>
      %dma_wait3A_162 = tpu.memref_squeeze %dma_wait3A_161 : memref<1x80xi32, #tpu.memory_space<hbm>> -> memref<80xi32, #tpu.memory_space<hbm>>
      tpu.wait_dma2 semaphore(%run_scoped3A_122 : memref<!tpu.dma_semaphore, #tpu.memory_space<semaphore_mem>>) src(%dma_wait3A_162 : memref<80xi32, #tpu.memory_space<hbm>>) dst(%dma_wait3A_155 : memref<80xi32, #tpu.memory_space<vmem>>)
      tpu.yield
    }) : () -> ()
    %run_scoped3A_11 = arith.constant 1 : i32
    %run_scoped3A_12 = arith.constant 1 : i32
    "tpu.region"() ({
      %run_scoped3A_122 = tpu.sem_alloc : memref<!tpu.dma_semaphore, #tpu.memory_space<semaphore_mem>>
      %dma_start3A_123 = arith.constant 0 : i32
      %dma_start3A_124 = tpu.memref_slice %arg7[%run_scoped3A_12, %dma_start3A_123] : memref<5x80xi32, #tpu.memory_space<vmem>> -> memref<1x80xi32, #tpu.memory_space<vmem>>
      %dma_start3A_125 = tpu.memref_squeeze %dma_start3A_124 : memref<1x80xi32, #tpu.memory_space<vmem>> -> memref<80xi32, #tpu.memory_space<vmem>>
      %dma_start3A_126 = arith.constant 0 : i32
      %dma_start3A_127 = arith.constant 0 : i32
      %dma_start3A_128 = tpu.memref_slice %arg3[%add3A, %dma_start3A_126, %dma_start3A_127] : memref<32x125x80xi32, #tpu.memory_space<hbm>> -> memref<1x125x80xi32, #tpu.memory_space<hbm>>
      %dma_start3A_129 = tpu.memref_squeeze %dma_start3A_128 : memref<1x125x80xi32, #tpu.memory_space<hbm>> -> memref<125x80xi32, #tpu.memory_space<hbm>>
      %dma_start3A_130 = arith.constant 0 : i32
      %dma_start3A_131 = tpu.memref_slice %dma_start3A_129[%run_scoped3A_11, %dma_start3A_130] : memref<125x80xi32, #tpu.memory_space<hbm>> -> memref<1x80xi32, #tpu.memory_space<hbm>>
      %dma_start3A_132 = tpu.memref_squeeze %dma_start3A_131 : memref<1x80xi32, #tpu.memory_space<hbm>> -> memref<80xi32, #tpu.memory_space<hbm>>
      %dma_start3A_133 = arith.constant 0 : i32
      %dma_start3A_134 = tpu.memref_slice %arg7[%run_scoped3A_12, %dma_start3A_133] : memref<5x80xi32, #tpu.memory_space<vmem>> -> memref<1x80xi32, #tpu.memory_space<vmem>>
      %dma_start3A_135 = tpu.memref_squeeze %dma_start3A_134 : memref<1x80xi32, #tpu.memory_space<vmem>> -> memref<80xi32, #tpu.memory_space<vmem>>
      %dma_start3A_136 = arith.constant 0 : i32
      %dma_start3A_137 = arith.constant 0 : i32
      %dma_start3A_138 = tpu.memref_slice %arg3[%add3A, %dma_start3A_136, %dma_start3A_137] : memref<32x125x80xi32, #tpu.memory_space<hbm>> -> memref<1x125x80xi32, #tpu.memory_space<hbm>>
      %dma_start3A_139 = tpu.memref_squeeze %dma_start3A_138 : memref<1x125x80xi32, #tpu.memory_space<hbm>> -> memref<125x80xi32, #tpu.memory_space<hbm>>
      %dma_start3A_140 = arith.constant 0 : i32
      %dma_start3A_141 = tpu.memref_slice %dma_start3A_139[%run_scoped3A_11, %dma_start3A_140] : memref<125x80xi32, #tpu.memory_space<hbm>> -> memref<1x80xi32, #tpu.memory_space<hbm>>
      %dma_start3A_142 = tpu.memref_squeeze %dma_start3A_141 : memref<1x80xi32, #tpu.memory_space<hbm>> -> memref<80xi32, #tpu.memory_space<hbm>>
      tpu.enqueue_dma source(%dma_start3A_142 : memref<80xi32, #tpu.memory_space<hbm>>) target(%dma_start3A_135 : memref<80xi32, #tpu.memory_space<vmem>>) target_semaphore(%run_scoped3A_122 : memref<!tpu.dma_semaphore, #tpu.memory_space<semaphore_mem>>)
      %dma_wait3A_143 = arith.constant 0 : i32
      %dma_wait3A_144 = tpu.memref_slice %arg7[%run_scoped3A_12, %dma_wait3A_143] : memref<5x80xi32, #tpu.memory_space<vmem>> -> memref<1x80xi32, #tpu.memory_space<vmem>>
      %dma_wait3A_145 = tpu.memref_squeeze %dma_wait3A_144 : memref<1x80xi32, #tpu.memory_space<vmem>> -> memref<80xi32, #tpu.memory_space<vmem>>
      %dma_wait3A_146 = arith.constant 0 : i32
      %dma_wait3A_147 = arith.constant 0 : i32
      %dma_wait3A_148 = tpu.memref_slice %arg3[%add3A, %dma_wait3A_146, %dma_wait3A_147] : memref<32x125x80xi32, #tpu.memory_space<hbm>> -> memref<1x125x80xi32, #tpu.memory_space<hbm>>
      %dma_wait3A_149 = tpu.memref_squeeze %dma_wait3A_148 : memref<1x125x80xi32, #tpu.memory_space<hbm>> -> memref<125x80xi32, #tpu.memory_space<hbm>>
      %dma_wait3A_150 = arith.constant 0 : i32
      %dma_wait3A_151 = tpu.memref_slice %dma_wait3A_149[%run_scoped3A_11, %dma_wait3A_150] : memref<125x80xi32, #tpu.memory_space<hbm>> -> memref<1x80xi32, #tpu.memory_space<hbm>>
      %dma_wait3A_152 = tpu.memref_squeeze %dma_wait3A_151 : memref<1x80xi32, #tpu.memory_space<hbm>> -> memref<80xi32, #tpu.memory_space<hbm>>
      %dma_wait3A_153 = arith.constant 0 : i32
      %dma_wait3A_154 = tpu.memref_slice %arg7[%run_scoped3A_12, %dma_wait3A_153] : memref<5x80xi32, #tpu.memory_space<vmem>> -> memref<1x80xi32, #tpu.memory_space<vmem>>
      %dma_wait3A_155 = tpu.memref_squeeze %dma_wait3A_154 : memref<1x80xi32, #tpu.memory_space<vmem>> -> memref<80xi32, #tpu.memory_space<vmem>>
      %dma_wait3A_156 = arith.constant 0 : i32
      %dma_wait3A_157 = arith.constant 0 : i32
      %dma_wait3A_158 = tpu.memref_slice %arg3[%add3A, %dma_wait3A_156, %dma_wait3A_157] : memref<32x125x80xi32, #tpu.memory_space<hbm>> -> memref<1x125x80xi32, #tpu.memory_space<hbm>>
      %dma_wait3A_159 = tpu.memref_squeeze %dma_wait3A_158 : memref<1x125x80xi32, #tpu.memory_space<hbm>> -> memref<125x80xi32, #tpu.memory_space<hbm>>
      %dma_wait3A_160 = arith.constant 0 : i32
      %dma_wait3A_161 = tpu.memref_slice %dma_wait3A_159[%run_scoped3A_11, %dma_wait3A_160] : memref<125x80xi32, #tpu.memory_space<hbm>> -> memref<1x80xi32, #tpu.memory_space<hbm>>
      %dma_wait3A_162 = tpu.memref_squeeze %dma_wait3A_161 : memref<1x80xi32, #tpu.memory_space<hbm>> -> memref<80xi32, #tpu.memory_space<hbm>>
      tpu.wait_dma2 semaphore(%run_scoped3A_122 : memref<!tpu.dma_semaphore, #tpu.memory_space<semaphore_mem>>) src(%dma_wait3A_162 : memref<80xi32, #tpu.memory_space<hbm>>) dst(%dma_wait3A_155 : memref<80xi32, #tpu.memory_space<vmem>>)
      tpu.yield
    }) : () -> ()
    %run_scoped3A_13 = arith.constant 1 : i32
    %run_scoped3A_14 = arith.constant 1 : i32
    "tpu.region"() ({
      %run_scoped3A_122 = tpu.sem_alloc : memref<!tpu.dma_semaphore, #tpu.memory_space<semaphore_mem>>
      %dma_start3A_123 = arith.constant 0 : i32
      %dma_start3A_124 = tpu.memref_slice %arg8[%run_scoped3A_14, %dma_start3A_123] : memref<5x80xi32, #tpu.memory_space<vmem>> -> memref<1x80xi32, #tpu.memory_space<vmem>>
      %dma_start3A_125 = tpu.memref_squeeze %dma_start3A_124 : memref<1x80xi32, #tpu.memory_space<vmem>> -> memref<80xi32, #tpu.memory_space<vmem>>
      %dma_start3A_126 = arith.constant 0 : i32
      %dma_start3A_127 = arith.constant 0 : i32
      %dma_start3A_128 = tpu.memref_slice %arg4[%add3A, %dma_start3A_126, %dma_start3A_127] : memref<32x125x80xi32, #tpu.memory_space<hbm>> -> memref<1x125x80xi32, #tpu.memory_space<hbm>>
      %dma_start3A_129 = tpu.memref_squeeze %dma_start3A_128 : memref<1x125x80xi32, #tpu.memory_space<hbm>> -> memref<125x80xi32, #tpu.memory_space<hbm>>
      %dma_start3A_130 = arith.constant 0 : i32
      %dma_start3A_131 = tpu.memref_slice %dma_start3A_129[%run_scoped3A_13, %dma_start3A_130] : memref<125x80xi32, #tpu.memory_space<hbm>> -> memref<1x80xi32, #tpu.memory_space<hbm>>
      %dma_start3A_132 = tpu.memref_squeeze %dma_start3A_131 : memref<1x80xi32, #tpu.memory_space<hbm>> -> memref<80xi32, #tpu.memory_space<hbm>>
      %dma_start3A_133 = arith.constant 0 : i32
      %dma_start3A_134 = tpu.memref_slice %arg8[%run_scoped3A_14, %dma_start3A_133] : memref<5x80xi32, #tpu.memory_space<vmem>> -> memref<1x80xi32, #tpu.memory_space<vmem>>
      %dma_start3A_135 = tpu.memref_squeeze %dma_start3A_134 : memref<1x80xi32, #tpu.memory_space<vmem>> -> memref<80xi32, #tpu.memory_space<vmem>>
      %dma_start3A_136 = arith.constant 0 : i32
      %dma_start3A_137 = arith.constant 0 : i32
      %dma_start3A_138 = tpu.memref_slice %arg4[%add3A, %dma_start3A_136, %dma_start3A_137] : memref<32x125x80xi32, #tpu.memory_space<hbm>> -> memref<1x125x80xi32, #tpu.memory_space<hbm>>
      %dma_start3A_139 = tpu.memref_squeeze %dma_start3A_138 : memref<1x125x80xi32, #tpu.memory_space<hbm>> -> memref<125x80xi32, #tpu.memory_space<hbm>>
      %dma_start3A_140 = arith.constant 0 : i32
      %dma_start3A_141 = tpu.memref_slice %dma_start3A_139[%run_scoped3A_13, %dma_start3A_140] : memref<125x80xi32, #tpu.memory_space<hbm>> -> memref<1x80xi32, #tpu.memory_space<hbm>>
      %dma_start3A_142 = tpu.memref_squeeze %dma_start3A_141 : memref<1x80xi32, #tpu.memory_space<hbm>> -> memref<80xi32, #tpu.memory_space<hbm>>
      tpu.enqueue_dma source(%dma_start3A_142 : memref<80xi32, #tpu.memory_space<hbm>>) target(%dma_start3A_135 : memref<80xi32, #tpu.memory_space<vmem>>) target_semaphore(%run_scoped3A_122 : memref<!tpu.dma_semaphore, #tpu.memory_space<semaphore_mem>>)
      %dma_wait3A_143 = arith.constant 0 : i32
      %dma_wait3A_144 = tpu.memref_slice %arg8[%run_scoped3A_14, %dma_wait3A_143] : memref<5x80xi32, #tpu.memory_space<vmem>> -> memref<1x80xi32, #tpu.memory_space<vmem>>
      %dma_wait3A_145 = tpu.memref_squeeze %dma_wait3A_144 : memref<1x80xi32, #tpu.memory_space<vmem>> -> memref<80xi32, #tpu.memory_space<vmem>>
      %dma_wait3A_146 = arith.constant 0 : i32
      %dma_wait3A_147 = arith.constant 0 : i32
      %dma_wait3A_148 = tpu.memref_slice %arg4[%add3A, %dma_wait3A_146, %dma_wait3A_147] : memref<32x125x80xi32, #tpu.memory_space<hbm>> -> memref<1x125x80xi32, #tpu.memory_space<hbm>>
      %dma_wait3A_149 = tpu.memref_squeeze %dma_wait3A_148 : memref<1x125x80xi32, #tpu.memory_space<hbm>> -> memref<125x80xi32, #tpu.memory_space<hbm>>
      %dma_wait3A_150 = arith.constant 0 : i32
      %dma_wait3A_151 = tpu.memref_slice %dma_wait3A_149[%run_scoped3A_13, %dma_wait3A_150] : memref<125x80xi32, #tpu.memory_space<hbm>> -> memref<1x80xi32, #tpu.memory_space<hbm>>
      %dma_wait3A_152 = tpu.memref_squeeze %dma_wait3A_151 : memref<1x80xi32, #tpu.memory_space<hbm>> -> memref<80xi32, #tpu.memory_space<hbm>>
      %dma_wait3A_153 = arith.constant 0 : i32
      %dma_wait3A_154 = tpu.memref_slice %arg8[%run_scoped3A_14, %dma_wait3A_153] : memref<5x80xi32, #tpu.memory_space<vmem>> -> memref<1x80xi32, #tpu.memory_space<vmem>>
      %dma_wait3A_155 = tpu.memref_squeeze %dma_wait3A_154 : memref<1x80xi32, #tpu.memory_space<vmem>> -> memref<80xi32, #tpu.memory_space<vmem>>
      %dma_wait3A_156 = arith.constant 0 : i32
      %dma_wait3A_157 = arith.constant 0 : i32
      %dma_wait3A_158 = tpu.memref_slice %arg4[%add3A, %dma_wait3A_156, %dma_wait3A_157] : memref<32x125x80xi32, #tpu.memory_space<hbm>> -> memref<1x125x80xi32, #tpu.memory_space<hbm>>
      %dma_wait3A_159 = tpu.memref_squeeze %dma_wait3A_158 : memref<1x125x80xi32, #tpu.memory_space<hbm>> -> memref<125x80xi32, #tpu.memory_space<hbm>>
      %dma_wait3A_160 = arith.constant 0 : i32
      %dma_wait3A_161 = tpu.memref_slice %dma_wait3A_159[%run_scoped3A_13, %dma_wait3A_160] : memref<125x80xi32, #tpu.memory_space<hbm>> -> memref<1x80xi32, #tpu.memory_space<hbm>>
      %dma_wait3A_162 = tpu.memref_squeeze %dma_wait3A_161 : memref<1x80xi32, #tpu.memory_space<hbm>> -> memref<80xi32, #tpu.memory_space<hbm>>
      tpu.wait_dma2 semaphore(%run_scoped3A_122 : memref<!tpu.dma_semaphore, #tpu.memory_space<semaphore_mem>>) src(%dma_wait3A_162 : memref<80xi32, #tpu.memory_space<hbm>>) dst(%dma_wait3A_155 : memref<80xi32, #tpu.memory_space<vmem>>)
      tpu.yield
    }) : () -> ()
    %run_scoped3A_15 = arith.constant 2 : i32
    %run_scoped3A_16 = arith.constant 2 : i32
    "tpu.region"() ({
      %run_scoped3A_122 = tpu.sem_alloc : memref<!tpu.dma_semaphore, #tpu.memory_space<semaphore_mem>>
      %dma_start3A_123 = arith.constant 0 : i32
      %dma_start3A_124 = tpu.memref_slice %arg7[%run_scoped3A_16, %dma_start3A_123] : memref<5x80xi32, #tpu.memory_space<vmem>> -> memref<1x80xi32, #tpu.memory_space<vmem>>
      %dma_start3A_125 = tpu.memref_squeeze %dma_start3A_124 : memref<1x80xi32, #tpu.memory_space<vmem>> -> memref<80xi32, #tpu.memory_space<vmem>>
      %dma_start3A_126 = arith.constant 0 : i32
      %dma_start3A_127 = arith.constant 0 : i32
      %dma_start3A_128 = tpu.memref_slice %arg3[%add3A, %dma_start3A_126, %dma_start3A_127] : memref<32x125x80xi32, #tpu.memory_space<hbm>> -> memref<1x125x80xi32, #tpu.memory_space<hbm>>
      %dma_start3A_129 = tpu.memref_squeeze %dma_start3A_128 : memref<1x125x80xi32, #tpu.memory_space<hbm>> -> memref<125x80xi32, #tpu.memory_space<hbm>>
      %dma_start3A_130 = arith.constant 0 : i32
      %dma_start3A_131 = tpu.memref_slice %dma_start3A_129[%run_scoped3A_15, %dma_start3A_130] : memref<125x80xi32, #tpu.memory_space<hbm>> -> memref<1x80xi32, #tpu.memory_space<hbm>>
      %dma_start3A_132 = tpu.memref_squeeze %dma_start3A_131 : memref<1x80xi32, #tpu.memory_space<hbm>> -> memref<80xi32, #tpu.memory_space<hbm>>
      %dma_start3A_133 = arith.constant 0 : i32
      %dma_start3A_134 = tpu.memref_slice %arg7[%run_scoped3A_16, %dma_start3A_133] : memref<5x80xi32, #tpu.memory_space<vmem>> -> memref<1x80xi32, #tpu.memory_space<vmem>>
      %dma_start3A_135 = tpu.memref_squeeze %dma_start3A_134 : memref<1x80xi32, #tpu.memory_space<vmem>> -> memref<80xi32, #tpu.memory_space<vmem>>
      %dma_start3A_136 = arith.constant 0 : i32
      %dma_start3A_137 = arith.constant 0 : i32
      %dma_start3A_138 = tpu.memref_slice %arg3[%add3A, %dma_start3A_136, %dma_start3A_137] : memref<32x125x80xi32, #tpu.memory_space<hbm>> -> memref<1x125x80xi32, #tpu.memory_space<hbm>>
      %dma_start3A_139 = tpu.memref_squeeze %dma_start3A_138 : memref<1x125x80xi32, #tpu.memory_space<hbm>> -> memref<125x80xi32, #tpu.memory_space<hbm>>
      %dma_start3A_140 = arith.constant 0 : i32
      %dma_start3A_141 = tpu.memref_slice %dma_start3A_139[%run_scoped3A_15, %dma_start3A_140] : memref<125x80xi32, #tpu.memory_space<hbm>> -> memref<1x80xi32, #tpu.memory_space<hbm>>
      %dma_start3A_142 = tpu.memref_squeeze %dma_start3A_141 : memref<1x80xi32, #tpu.memory_space<hbm>> -> memref<80xi32, #tpu.memory_space<hbm>>
      tpu.enqueue_dma source(%dma_start3A_142 : memref<80xi32, #tpu.memory_space<hbm>>) target(%dma_start3A_135 : memref<80xi32, #tpu.memory_space<vmem>>) target_semaphore(%run_scoped3A_122 : memref<!tpu.dma_semaphore, #tpu.memory_space<semaphore_mem>>)
      %dma_wait3A_143 = arith.constant 0 : i32
      %dma_wait3A_144 = tpu.memref_slice %arg7[%run_scoped3A_16, %dma_wait3A_143] : memref<5x80xi32, #tpu.memory_space<vmem>> -> memref<1x80xi32, #tpu.memory_space<vmem>>
      %dma_wait3A_145 = tpu.memref_squeeze %dma_wait3A_144 : memref<1x80xi32, #tpu.memory_space<vmem>> -> memref<80xi32, #tpu.memory_space<vmem>>
      %dma_wait3A_146 = arith.constant 0 : i32
      %dma_wait3A_147 = arith.constant 0 : i32
      %dma_wait3A_148 = tpu.memref_slice %arg3[%add3A, %dma_wait3A_146, %dma_wait3A_147] : memref<32x125x80xi32, #tpu.memory_space<hbm>> -> memref<1x125x80xi32, #tpu.memory_space<hbm>>
      %dma_wait3A_149 = tpu.memref_squeeze %dma_wait3A_148 : memref<1x125x80xi32, #tpu.memory_space<hbm>> -> memref<125x80xi32, #tpu.memory_space<hbm>>
      %dma_wait3A_150 = arith.constant 0 : i32
      %dma_wait3A_151 = tpu.memref_slice %dma_wait3A_149[%run_scoped3A_15, %dma_wait3A_150] : memref<125x80xi32, #tpu.memory_space<hbm>> -> memref<1x80xi32, #tpu.memory_space<hbm>>
      %dma_wait3A_152 = tpu.memref_squeeze %dma_wait3A_151 : memref<1x80xi32, #tpu.memory_space<hbm>> -> memref<80xi32, #tpu.memory_space<hbm>>
      %dma_wait3A_153 = arith.constant 0 : i32
      %dma_wait3A_154 = tpu.memref_slice %arg7[%run_scoped3A_16, %dma_wait3A_153] : memref<5x80xi32, #tpu.memory_space<vmem>> -> memref<1x80xi32, #tpu.memory_space<vmem>>
      %dma_wait3A_155 = tpu.memref_squeeze %dma_wait3A_154 : memref<1x80xi32, #tpu.memory_space<vmem>> -> memref<80xi32, #tpu.memory_space<vmem>>
      %dma_wait3A_156 = arith.constant 0 : i32
      %dma_wait3A_157 = arith.constant 0 : i32
      %dma_wait3A_158 = tpu.memref_slice %arg3[%add3A, %dma_wait3A_156, %dma_wait3A_157] : memref<32x125x80xi32, #tpu.memory_space<hbm>> -> memref<1x125x80xi32, #tpu.memory_space<hbm>>
      %dma_wait3A_159 = tpu.memref_squeeze %dma_wait3A_158 : memref<1x125x80xi32, #tpu.memory_space<hbm>> -> memref<125x80xi32, #tpu.memory_space<hbm>>
      %dma_wait3A_160 = arith.constant 0 : i32
      %dma_wait3A_161 = tpu.memref_slice %dma_wait3A_159[%run_scoped3A_15, %dma_wait3A_160] : memref<125x80xi32, #tpu.memory_space<hbm>> -> memref<1x80xi32, #tpu.memory_space<hbm>>
      %dma_wait3A_162 = tpu.memref_squeeze %dma_wait3A_161 : memref<1x80xi32, #tpu.memory_space<hbm>> -> memref<80xi32, #tpu.memory_space<hbm>>
      tpu.wait_dma2 semaphore(%run_scoped3A_122 : memref<!tpu.dma_semaphore, #tpu.memory_space<semaphore_mem>>) src(%dma_wait3A_162 : memref<80xi32, #tpu.memory_space<hbm>>) dst(%dma_wait3A_155 : memref<80xi32, #tpu.memory_space<vmem>>)
      tpu.yield
    }) : () -> ()
    %run_scoped3A_17 = arith.constant 2 : i32
    %run_scoped3A_18 = arith.constant 2 : i32
    "tpu.region"() ({
      %run_scoped3A_122 = tpu.sem_alloc : memref<!tpu.dma_semaphore, #tpu.memory_space<semaphore_mem>>
      %dma_start3A_123 = arith.constant 0 : i32
      %dma_start3A_124 = tpu.memref_slice %arg8[%run_scoped3A_18, %dma_start3A_123] : memref<5x80xi32, #tpu.memory_space<vmem>> -> memref<1x80xi32, #tpu.memory_space<vmem>>
      %dma_start3A_125 = tpu.memref_squeeze %dma_start3A_124 : memref<1x80xi32, #tpu.memory_space<vmem>> -> memref<80xi32, #tpu.memory_space<vmem>>
      %dma_start3A_126 = arith.constant 0 : i32
      %dma_start3A_127 = arith.constant 0 : i32
      %dma_start3A_128 = tpu.memref_slice %arg4[%add3A, %dma_start3A_126, %dma_start3A_127] : memref<32x125x80xi32, #tpu.memory_space<hbm>> -> memref<1x125x80xi32, #tpu.memory_space<hbm>>
      %dma_start3A_129 = tpu.memref_squeeze %dma_start3A_128 : memref<1x125x80xi32, #tpu.memory_space<hbm>> -> memref<125x80xi32, #tpu.memory_space<hbm>>
      %dma_start3A_130 = arith.constant 0 : i32
      %dma_start3A_131 = tpu.memref_slice %dma_start3A_129[%run_scoped3A_17, %dma_start3A_130] : memref<125x80xi32, #tpu.memory_space<hbm>> -> memref<1x80xi32, #tpu.memory_space<hbm>>
      %dma_start3A_132 = tpu.memref_squeeze %dma_start3A_131 : memref<1x80xi32, #tpu.memory_space<hbm>> -> memref<80xi32, #tpu.memory_space<hbm>>
      %dma_start3A_133 = arith.constant 0 : i32
      %dma_start3A_134 = tpu.memref_slice %arg8[%run_scoped3A_18, %dma_start3A_133] : memref<5x80xi32, #tpu.memory_space<vmem>> -> memref<1x80xi32, #tpu.memory_space<vmem>>
      %dma_start3A_135 = tpu.memref_squeeze %dma_start3A_134 : memref<1x80xi32, #tpu.memory_space<vmem>> -> memref<80xi32, #tpu.memory_space<vmem>>
      %dma_start3A_136 = arith.constant 0 : i32
      %dma_start3A_137 = arith.constant 0 : i32
      %dma_start3A_138 = tpu.memref_slice %arg4[%add3A, %dma_start3A_136, %dma_start3A_137] : memref<32x125x80xi32, #tpu.memory_space<hbm>> -> memref<1x125x80xi32, #tpu.memory_space<hbm>>
      %dma_start3A_139 = tpu.memref_squeeze %dma_start3A_138 : memref<1x125x80xi32, #tpu.memory_space<hbm>> -> memref<125x80xi32, #tpu.memory_space<hbm>>
      %dma_start3A_140 = arith.constant 0 : i32
      %dma_start3A_141 = tpu.memref_slice %dma_start3A_139[%run_scoped3A_17, %dma_start3A_140] : memref<125x80xi32, #tpu.memory_space<hbm>> -> memref<1x80xi32, #tpu.memory_space<hbm>>
      %dma_start3A_142 = tpu.memref_squeeze %dma_start3A_141 : memref<1x80xi32, #tpu.memory_space<hbm>> -> memref<80xi32, #tpu.memory_space<hbm>>
      tpu.enqueue_dma source(%dma_start3A_142 : memref<80xi32, #tpu.memory_space<hbm>>) target(%dma_start3A_135 : memref<80xi32, #tpu.memory_space<vmem>>) target_semaphore(%run_scoped3A_122 : memref<!tpu.dma_semaphore, #tpu.memory_space<semaphore_mem>>)
      %dma_wait3A_143 = arith.constant 0 : i32
      %dma_wait3A_144 = tpu.memref_slice %arg8[%run_scoped3A_18, %dma_wait3A_143] : memref<5x80xi32, #tpu.memory_space<vmem>> -> memref<1x80xi32, #tpu.memory_space<vmem>>
      %dma_wait3A_145 = tpu.memref_squeeze %dma_wait3A_144 : memref<1x80xi32, #tpu.memory_space<vmem>> -> memref<80xi32, #tpu.memory_space<vmem>>
      %dma_wait3A_146 = arith.constant 0 : i32
      %dma_wait3A_147 = arith.constant 0 : i32
      %dma_wait3A_148 = tpu.memref_slice %arg4[%add3A, %dma_wait3A_146, %dma_wait3A_147] : memref<32x125x80xi32, #tpu.memory_space<hbm>> -> memref<1x125x80xi32, #tpu.memory_space<hbm>>
      %dma_wait3A_149 = tpu.memref_squeeze %dma_wait3A_148 : memref<1x125x80xi32, #tpu.memory_space<hbm>> -> memref<125x80xi32, #tpu.memory_space<hbm>>
      %dma_wait3A_150 = arith.constant 0 : i32
      %dma_wait3A_151 = tpu.memref_slice %dma_wait3A_149[%run_scoped3A_17, %dma_wait3A_150] : memref<125x80xi32, #tpu.memory_space<hbm>> -> memref<1x80xi32, #tpu.memory_space<hbm>>
      %dma_wait3A_152 = tpu.memref_squeeze %dma_wait3A_151 : memref<1x80xi32, #tpu.memory_space<hbm>> -> memref<80xi32, #tpu.memory_space<hbm>>
      %dma_wait3A_153 = arith.constant 0 : i32
      %dma_wait3A_154 = tpu.memref_slice %arg8[%run_scoped3A_18, %dma_wait3A_153] : memref<5x80xi32, #tpu.memory_space<vmem>> -> memref<1x80xi32, #tpu.memory_space<vmem>>
      %dma_wait3A_155 = tpu.memref_squeeze %dma_wait3A_154 : memref<1x80xi32, #tpu.memory_space<vmem>> -> memref<80xi32, #tpu.memory_space<vmem>>
      %dma_wait3A_156 = arith.constant 0 : i32
      %dma_wait3A_157 = arith.constant 0 : i32
      %dma_wait3A_158 = tpu.memref_slice %arg4[%add3A, %dma_wait3A_156, %dma_wait3A_157] : memref<32x125x80xi32, #tpu.memory_space<hbm>> -> memref<1x125x80xi32, #tpu.memory_space<hbm>>
      %dma_wait3A_159 = tpu.memref_squeeze %dma_wait3A_158 : memref<1x125x80xi32, #tpu.memory_space<hbm>> -> memref<125x80xi32, #tpu.memory_space<hbm>>
      %dma_wait3A_160 = arith.constant 0 : i32
      %dma_wait3A_161 = tpu.memref_slice %dma_wait3A_159[%run_scoped3A_17, %dma_wait3A_160] : memref<125x80xi32, #tpu.memory_space<hbm>> -> memref<1x80xi32, #tpu.memory_space<hbm>>
      %dma_wait3A_162 = tpu.memref_squeeze %dma_wait3A_161 : memref<1x80xi32, #tpu.memory_space<hbm>> -> memref<80xi32, #tpu.memory_space<hbm>>
      tpu.wait_dma2 semaphore(%run_scoped3A_122 : memref<!tpu.dma_semaphore, #tpu.memory_space<semaphore_mem>>) src(%dma_wait3A_162 : memref<80xi32, #tpu.memory_space<hbm>>) dst(%dma_wait3A_155 : memref<80xi32, #tpu.memory_space<vmem>>)
      tpu.yield
    }) : () -> ()
    %dma_start3A = arith.constant 0 : i32
    %dma_start3A_19 = arith.constant 0 : i32
    %dma_start3A_20 = arith.constant 0 : i32
    %dma_start3A_21 = arith.constant 0 : i32
    %dma_start3A_22 = tpu.memref_slice %arg9[%dma_start3A_19, %dma_start3A_20, %dma_start3A_21] : memref<4x80x128xf32, #tpu.memory_space<vmem>> -> memref<1x80x128xf32, #tpu.memory_space<vmem>>
    %dma_start3A_23 = tpu.memref_squeeze %dma_start3A_22 : memref<1x80x128xf32, #tpu.memory_space<vmem>> -> memref<80x128xf32, #tpu.memory_space<vmem>>
    %dma_start3A_24 = arith.constant 0 : i32
    %dma_start3A_25 = tpu.memref_slice %arg7[%dma_start3A, %dma_start3A_24] : memref<5x80xi32, #tpu.memory_space<vmem>> -> memref<1x80xi32, #tpu.memory_space<vmem>>
    %dma_start3A_26 = tpu.memref_squeeze %dma_start3A_25 : memref<1x80xi32, #tpu.memory_space<vmem>> -> memref<80xi32, #tpu.memory_space<vmem>>
    %dma_start3A_27 = arith.constant 0 : i32
    %dma_start3A_28 = arith.constant 0 : i32
    %dma_start3A_29 = tpu.memref_slice %arg2[%dma_start3A_27, %dma_start3A_28] : memref<10000x128xf32, #tpu.memory_space<hbm>> -> memref<10000x128xf32, #tpu.memory_space<hbm>>
    tpu.enqueue_indirect_dma source(%dma_start3A_29 : memref<10000x128xf32, #tpu.memory_space<hbm>>) target(%dma_start3A_23 : memref<80x128xf32, #tpu.memory_space<vmem>>) offsets(%dma_start3A_26 : memref<80xi32, #tpu.memory_space<vmem>>) semaphore(%arg11 : memref<!tpu.dma_semaphore, #tpu.memory_space<semaphore_mem>>)
    %dma_start3A_30 = arith.constant 1 : i32
    %dma_start3A_31 = arith.constant 1 : i32
    %dma_start3A_32 = arith.constant 0 : i32
    %dma_start3A_33 = arith.constant 0 : i32
    %dma_start3A_34 = tpu.memref_slice %arg9[%dma_start3A_31, %dma_start3A_32, %dma_start3A_33] : memref<4x80x128xf32, #tpu.memory_space<vmem>> -> memref<1x80x128xf32, #tpu.memory_space<vmem>>
    %dma_start3A_35 = tpu.memref_squeeze %dma_start3A_34 : memref<1x80x128xf32, #tpu.memory_space<vmem>> -> memref<80x128xf32, #tpu.memory_space<vmem>>
    %dma_start3A_36 = arith.constant 0 : i32
    %dma_start3A_37 = tpu.memref_slice %arg7[%dma_start3A_30, %dma_start3A_36] : memref<5x80xi32, #tpu.memory_space<vmem>> -> memref<1x80xi32, #tpu.memory_space<vmem>>
    %dma_start3A_38 = tpu.memref_squeeze %dma_start3A_37 : memref<1x80xi32, #tpu.memory_space<vmem>> -> memref<80xi32, #tpu.memory_space<vmem>>
    %dma_start3A_39 = arith.constant 0 : i32
    %dma_start3A_40 = arith.constant 0 : i32
    %dma_start3A_41 = tpu.memref_slice %arg2[%dma_start3A_39, %dma_start3A_40] : memref<10000x128xf32, #tpu.memory_space<hbm>> -> memref<10000x128xf32, #tpu.memory_space<hbm>>
    tpu.enqueue_indirect_dma source(%dma_start3A_41 : memref<10000x128xf32, #tpu.memory_space<hbm>>) target(%dma_start3A_35 : memref<80x128xf32, #tpu.memory_space<vmem>>) offsets(%dma_start3A_38 : memref<80xi32, #tpu.memory_space<vmem>>) semaphore(%arg11 : memref<!tpu.dma_semaphore, #tpu.memory_space<semaphore_mem>>)
    %dma_start3A_42 = arith.constant 2 : i32
    %dma_start3A_43 = arith.constant 2 : i32
    %dma_start3A_44 = arith.constant 0 : i32
    %dma_start3A_45 = arith.constant 0 : i32
    %dma_start3A_46 = tpu.memref_slice %arg9[%dma_start3A_43, %dma_start3A_44, %dma_start3A_45] : memref<4x80x128xf32, #tpu.memory_space<vmem>> -> memref<1x80x128xf32, #tpu.memory_space<vmem>>
    %dma_start3A_47 = tpu.memref_squeeze %dma_start3A_46 : memref<1x80x128xf32, #tpu.memory_space<vmem>> -> memref<80x128xf32, #tpu.memory_space<vmem>>
    %dma_start3A_48 = arith.constant 0 : i32
    %dma_start3A_49 = tpu.memref_slice %arg7[%dma_start3A_42, %dma_start3A_48] : memref<5x80xi32, #tpu.memory_space<vmem>> -> memref<1x80xi32, #tpu.memory_space<vmem>>
    %dma_start3A_50 = tpu.memref_squeeze %dma_start3A_49 : memref<1x80xi32, #tpu.memory_space<vmem>> -> memref<80xi32, #tpu.memory_space<vmem>>
    %dma_start3A_51 = arith.constant 0 : i32
    %dma_start3A_52 = arith.constant 0 : i32
    %dma_start3A_53 = tpu.memref_slice %arg2[%dma_start3A_51, %dma_start3A_52] : memref<10000x128xf32, #tpu.memory_space<hbm>> -> memref<10000x128xf32, #tpu.memory_space<hbm>>
    tpu.enqueue_indirect_dma source(%dma_start3A_53 : memref<10000x128xf32, #tpu.memory_space<hbm>>) target(%dma_start3A_47 : memref<80x128xf32, #tpu.memory_space<vmem>>) offsets(%dma_start3A_50 : memref<80xi32, #tpu.memory_space<vmem>>) semaphore(%arg11 : memref<!tpu.dma_semaphore, #tpu.memory_space<semaphore_mem>>)
    %dma_start3A_54 = arith.constant 3 : i32
    %dma_start3A_55 = arith.constant 3 : i32
    %dma_start3A_56 = arith.constant 0 : i32
    %dma_start3A_57 = tpu.memref_slice %arg7[%dma_start3A_55, %dma_start3A_56] : memref<5x80xi32, #tpu.memory_space<vmem>> -> memref<1x80xi32, #tpu.memory_space<vmem>>
    %dma_start3A_58 = tpu.memref_squeeze %dma_start3A_57 : memref<1x80xi32, #tpu.memory_space<vmem>> -> memref<80xi32, #tpu.memory_space<vmem>>
    %dma_start3A_59 = arith.constant 0 : i32
    %dma_start3A_60 = arith.constant 0 : i32
    %dma_start3A_61 = tpu.memref_slice %arg3[%add3A, %dma_start3A_59, %dma_start3A_60] : memref<32x125x80xi32, #tpu.memory_space<hbm>> -> memref<1x125x80xi32, #tpu.memory_space<hbm>>
    %dma_start3A_62 = tpu.memref_squeeze %dma_start3A_61 : memref<1x125x80xi32, #tpu.memory_space<hbm>> -> memref<125x80xi32, #tpu.memory_space<hbm>>
    %dma_start3A_63 = arith.constant 0 : i32
    %dma_start3A_64 = tpu.memref_slice %dma_start3A_62[%dma_start3A_54, %dma_start3A_63] : memref<125x80xi32, #tpu.memory_space<hbm>> -> memref<1x80xi32, #tpu.memory_space<hbm>>
    %dma_start3A_65 = tpu.memref_squeeze %dma_start3A_64 : memref<1x80xi32, #tpu.memory_space<hbm>> -> memref<80xi32, #tpu.memory_space<hbm>>
    %dma_start3A_66 = arith.constant 0 : i32
    %dma_start3A_67 = tpu.memref_slice %arg7[%dma_start3A_55, %dma_start3A_66] : memref<5x80xi32, #tpu.memory_space<vmem>> -> memref<1x80xi32, #tpu.memory_space<vmem>>
    %dma_start3A_68 = tpu.memref_squeeze %dma_start3A_67 : memref<1x80xi32, #tpu.memory_space<vmem>> -> memref<80xi32, #tpu.memory_space<vmem>>
    %dma_start3A_69 = arith.constant 0 : i32
    %dma_start3A_70 = arith.constant 0 : i32
    %dma_start3A_71 = tpu.memref_slice %arg3[%add3A, %dma_start3A_69, %dma_start3A_70] : memref<32x125x80xi32, #tpu.memory_space<hbm>> -> memref<1x125x80xi32, #tpu.memory_space<hbm>>
    %dma_start3A_72 = tpu.memref_squeeze %dma_start3A_71 : memref<1x125x80xi32, #tpu.memory_space<hbm>> -> memref<125x80xi32, #tpu.memory_space<hbm>>
    %dma_start3A_73 = arith.constant 0 : i32
    %dma_start3A_74 = tpu.memref_slice %dma_start3A_72[%dma_start3A_54, %dma_start3A_73] : memref<125x80xi32, #tpu.memory_space<hbm>> -> memref<1x80xi32, #tpu.memory_space<hbm>>
    %dma_start3A_75 = tpu.memref_squeeze %dma_start3A_74 : memref<1x80xi32, #tpu.memory_space<hbm>> -> memref<80xi32, #tpu.memory_space<hbm>>
    tpu.enqueue_dma source(%dma_start3A_75 : memref<80xi32, #tpu.memory_space<hbm>>) target(%dma_start3A_68 : memref<80xi32, #tpu.memory_space<vmem>>) target_semaphore(%arg12 : memref<!tpu.dma_semaphore, #tpu.memory_space<semaphore_mem>>)
    %dma_start3A_76 = arith.constant 3 : i32
    %dma_start3A_77 = arith.constant 3 : i32
    %dma_start3A_78 = arith.constant 0 : i32
    %dma_start3A_79 = tpu.memref_slice %arg8[%dma_start3A_77, %dma_start3A_78] : memref<5x80xi32, #tpu.memory_space<vmem>> -> memref<1x80xi32, #tpu.memory_space<vmem>>
    %dma_start3A_80 = tpu.memref_squeeze %dma_start3A_79 : memref<1x80xi32, #tpu.memory_space<vmem>> -> memref<80xi32, #tpu.memory_space<vmem>>
    %dma_start3A_81 = arith.constant 0 : i32
    %dma_start3A_82 = arith.constant 0 : i32
    %dma_start3A_83 = tpu.memref_slice %arg4[%add3A, %dma_start3A_81, %dma_start3A_82] : memref<32x125x80xi32, #tpu.memory_space<hbm>> -> memref<1x125x80xi32, #tpu.memory_space<hbm>>
    %dma_start3A_84 = tpu.memref_squeeze %dma_start3A_83 : memref<1x125x80xi32, #tpu.memory_space<hbm>> -> memref<125x80xi32, #tpu.memory_space<hbm>>
    %dma_start3A_85 = arith.constant 0 : i32
    %dma_start3A_86 = tpu.memref_slice %dma_start3A_84[%dma_start3A_76, %dma_start3A_85] : memref<125x80xi32, #tpu.memory_space<hbm>> -> memref<1x80xi32, #tpu.memory_space<hbm>>
    %dma_start3A_87 = tpu.memref_squeeze %dma_start3A_86 : memref<1x80xi32, #tpu.memory_space<hbm>> -> memref<80xi32, #tpu.memory_space<hbm>>
    %dma_start3A_88 = arith.constant 0 : i32
    %dma_start3A_89 = tpu.memref_slice %arg8[%dma_start3A_77, %dma_start3A_88] : memref<5x80xi32, #tpu.memory_space<vmem>> -> memref<1x80xi32, #tpu.memory_space<vmem>>
    %dma_start3A_90 = tpu.memref_squeeze %dma_start3A_89 : memref<1x80xi32, #tpu.memory_space<vmem>> -> memref<80xi32, #tpu.memory_space<vmem>>
    %dma_start3A_91 = arith.constant 0 : i32
    %dma_start3A_92 = arith.constant 0 : i32
    %dma_start3A_93 = tpu.memref_slice %arg4[%add3A, %dma_start3A_91, %dma_start3A_92] : memref<32x125x80xi32, #tpu.memory_space<hbm>> -> memref<1x125x80xi32, #tpu.memory_space<hbm>>
    %dma_start3A_94 = tpu.memref_squeeze %dma_start3A_93 : memref<1x125x80xi32, #tpu.memory_space<hbm>> -> memref<125x80xi32, #tpu.memory_space<hbm>>
    %dma_start3A_95 = arith.constant 0 : i32
    %dma_start3A_96 = tpu.memref_slice %dma_start3A_94[%dma_start3A_76, %dma_start3A_95] : memref<125x80xi32, #tpu.memory_space<hbm>> -> memref<1x80xi32, #tpu.memory_space<hbm>>
    %dma_start3A_97 = tpu.memref_squeeze %dma_start3A_96 : memref<1x80xi32, #tpu.memory_space<hbm>> -> memref<80xi32, #tpu.memory_space<hbm>>
    tpu.enqueue_dma source(%dma_start3A_97 : memref<80xi32, #tpu.memory_space<hbm>>) target(%dma_start3A_90 : memref<80xi32, #tpu.memory_space<vmem>>) target_semaphore(%arg12 : memref<!tpu.dma_semaphore, #tpu.memory_space<semaphore_mem>>)
    %scan3A = arith.constant 0 : i32
    %scan3A_98 = arith.constant 0 : i32
    %scan3A_99 = arith.constant 125 : i32
    %scan3A_100 = arith.addi %scan3A_98, %scan3A_99 : i32
    %scan3A_101 = arith.constant 1 : i32
    scf.for %scan3A_122 = %scan3A_98 to %scan3A_100 step %scan3A_101  : i32 {
      %rem3A = arith.constant 4 : i32
      %rem3A_123 = arith.remsi %scan3A_122, %rem3A : i32
      %rem3A_124 = arith.constant 6 : i32
      %rem3A_125 = arith.remsi %scan3A_122, %rem3A_124 : i32
      %dma_wait3A_126 = arith.constant 0 : i32
      %dma_wait3A_127 = arith.constant 0 : i32
      %dma_wait3A_128 = tpu.memref_slice %arg9[%rem3A_123, %dma_wait3A_126, %dma_wait3A_127] : memref<4x80x128xf32, #tpu.memory_space<vmem>> -> memref<1x80x128xf32, #tpu.memory_space<vmem>>
      %dma_wait3A_129 = tpu.memref_squeeze %dma_wait3A_128 : memref<1x80x128xf32, #tpu.memory_space<vmem>> -> memref<80x128xf32, #tpu.memory_space<vmem>>
      %dma_wait3A_130 = arith.constant 0 : i32
      %dma_wait3A_131 = tpu.memref_slice %arg7[%rem3A_125, %dma_wait3A_130] : memref<5x80xi32, #tpu.memory_space<vmem>> -> memref<1x80xi32, #tpu.memory_space<vmem>>
      %dma_wait3A_132 = tpu.memref_squeeze %dma_wait3A_131 : memref<1x80xi32, #tpu.memory_space<vmem>> -> memref<80xi32, #tpu.memory_space<vmem>>
      %dma_wait3A_133 = arith.constant 0 : i32
      %dma_wait3A_134 = arith.constant 0 : i32
      %dma_wait3A_135 = tpu.memref_slice %arg2[%dma_wait3A_133, %dma_wait3A_134] : memref<10000x128xf32, #tpu.memory_space<hbm>> -> memref<10000x128xf32, #tpu.memory_space<hbm>>
      tpu.wait_indirect_dma semaphore(%arg11 : memref<!tpu.dma_semaphore, #tpu.memory_space<semaphore_mem>>) src(%dma_wait3A_135 : memref<10000x128xf32, #tpu.memory_space<hbm>>) dst(%dma_wait3A_129 : memref<80x128xf32, #tpu.memory_space<vmem>>)
      %ge3A = arith.constant 1 : i32
      %ge3A_136 = arith.cmpi sge, %scan3A_122, %ge3A : i32
      %convert_element_type3A_137 = arith.extui %ge3A_136 : i1 to i32
      %cond3A_138 = arith.constant 0 : i32
      %cond3A_139 = arith.cmpi ne, %convert_element_type3A_137, %cond3A_138 : i32
      scf.if %cond3A_139 {
        %dma_wait3A_163 = arith.constant 0 : i32
        %dma_wait3A_164 = arith.constant 0 : i32
        %dma_wait3A_165 = arith.constant 0 : i32
        %dma_wait3A_166 = arith.constant 0 : i32
        %dma_wait3A_167 = tpu.memref_slice %arg9[%dma_wait3A_164, %dma_wait3A_165, %dma_wait3A_166] : memref<4x80x128xf32, #tpu.memory_space<vmem>> -> memref<1x80x128xf32, #tpu.memory_space<vmem>>
        %dma_wait3A_168 = tpu.memref_squeeze %dma_wait3A_167 : memref<1x80x128xf32, #tpu.memory_space<vmem>> -> memref<80x128xf32, #tpu.memory_space<vmem>>
        %dma_wait3A_169 = arith.constant 0 : i32
        %dma_wait3A_170 = tpu.memref_slice %arg7[%dma_wait3A_163, %dma_wait3A_169] : memref<5x80xi32, #tpu.memory_space<vmem>> -> memref<1x80xi32, #tpu.memory_space<vmem>>
        %dma_wait3A_171 = tpu.memref_squeeze %dma_wait3A_170 : memref<1x80xi32, #tpu.memory_space<vmem>> -> memref<80xi32, #tpu.memory_space<vmem>>
        %dma_wait3A_172 = arith.constant 0 : i32
        %dma_wait3A_173 = arith.constant 0 : i32
        %dma_wait3A_174 = tpu.memref_slice %arg2[%dma_wait3A_172, %dma_wait3A_173] : memref<10000x128xf32, #tpu.memory_space<hbm>> -> memref<10000x128xf32, #tpu.memory_space<hbm>>
        tpu.wait_indirect_dma semaphore(%arg13 : memref<!tpu.dma_semaphore, #tpu.memory_space<semaphore_mem>>) src(%dma_wait3A_174 : memref<10000x128xf32, #tpu.memory_space<hbm>>) dst(%dma_wait3A_168 : memref<80x128xf32, #tpu.memory_space<vmem>>)
      } else {
      }
      %dma_start3A_140 = arith.constant 0 : i32
      %dma_start3A_141 = arith.constant 0 : i32
      %dma_start3A_142 = tpu.memref_slice %arg9[%rem3A_123, %dma_start3A_140, %dma_start3A_141] : memref<4x80x128xf32, #tpu.memory_space<vmem>> -> memref<1x80x128xf32, #tpu.memory_space<vmem>>
      %dma_start3A_143 = tpu.memref_squeeze %dma_start3A_142 : memref<1x80x128xf32, #tpu.memory_space<vmem>> -> memref<80x128xf32, #tpu.memory_space<vmem>>
      %dma_start3A_144 = arith.constant 0 : i32
      %dma_start3A_145 = tpu.memref_slice %arg8[%rem3A_125, %dma_start3A_144] : memref<5x80xi32, #tpu.memory_space<vmem>> -> memref<1x80xi32, #tpu.memory_space<vmem>>
      %dma_start3A_146 = tpu.memref_squeeze %dma_start3A_145 : memref<1x80xi32, #tpu.memory_space<vmem>> -> memref<80xi32, #tpu.memory_space<vmem>>
      %dma_start3A_147 = arith.constant 0 : i32
      %dma_start3A_148 = arith.constant 0 : i32
      %dma_start3A_149 = tpu.memref_slice %arg10[%dma_start3A_147, %dma_start3A_148] : memref<10000x128xf32, #tpu.memory_space<vmem_shared>> -> memref<10000x128xf32, #tpu.memory_space<vmem_shared>>
      tpu.enqueue_indirect_dma source(%dma_start3A_143 : memref<80x128xf32, #tpu.memory_space<vmem>>) target(%dma_start3A_149 : memref<10000x128xf32, #tpu.memory_space<vmem_shared>>) offsets(%dma_start3A_146 : memref<80xi32, #tpu.memory_space<vmem>>) semaphore(%arg13 : memref<!tpu.dma_semaphore, #tpu.memory_space<semaphore_mem>>) {add = true}
      %add3A_150 = arith.constant 3 : i32
      %add3A_151 = arith.addi %scan3A_122, %add3A_150 : i32
      %lt3A = arith.constant 125 : i32
      %lt3A_152 = arith.cmpi slt, %add3A_151, %lt3A : i32
      %convert_element_type3A_153 = arith.extui %lt3A_152 : i1 to i32
      %cond3A_154 = arith.constant 0 : i32
      %cond3A_155 = arith.cmpi ne, %convert_element_type3A_153, %cond3A_154 : i32
      scf.if %cond3A_155 {
        %add3A_163 = arith.constant 3 : i32
        %add3A_164 = arith.addi %scan3A_122, %add3A_163 : i32
        %rem3A_165 = arith.constant 6 : i32
        %rem3A_166 = arith.remsi %add3A_164, %rem3A_165 : i32
        %add3A_167 = arith.constant 3 : i32
        %add3A_168 = arith.addi %scan3A_122, %add3A_167 : i32
        %dma_wait3A_169 = arith.constant 0 : i32
        %dma_wait3A_170 = tpu.memref_slice %arg7[%rem3A_166, %dma_wait3A_169] : memref<5x80xi32, #tpu.memory_space<vmem>> -> memref<1x80xi32, #tpu.memory_space<vmem>>
        %dma_wait3A_171 = tpu.memref_squeeze %dma_wait3A_170 : memref<1x80xi32, #tpu.memory_space<vmem>> -> memref<80xi32, #tpu.memory_space<vmem>>
        %dma_wait3A_172 = arith.constant 0 : i32
        %dma_wait3A_173 = arith.constant 0 : i32
        %dma_wait3A_174 = tpu.memref_slice %arg3[%add3A, %dma_wait3A_172, %dma_wait3A_173] : memref<32x125x80xi32, #tpu.memory_space<hbm>> -> memref<1x125x80xi32, #tpu.memory_space<hbm>>
        %dma_wait3A_175 = tpu.memref_squeeze %dma_wait3A_174 : memref<1x125x80xi32, #tpu.memory_space<hbm>> -> memref<125x80xi32, #tpu.memory_space<hbm>>
        %dma_wait3A_176 = arith.constant 0 : i32
        %dma_wait3A_177 = tpu.memref_slice %dma_wait3A_175[%add3A_168, %dma_wait3A_176] : memref<125x80xi32, #tpu.memory_space<hbm>> -> memref<1x80xi32, #tpu.memory_space<hbm>>
        %dma_wait3A_178 = tpu.memref_squeeze %dma_wait3A_177 : memref<1x80xi32, #tpu.memory_space<hbm>> -> memref<80xi32, #tpu.memory_space<hbm>>
        %dma_wait3A_179 = arith.constant 0 : i32
        %dma_wait3A_180 = tpu.memref_slice %arg7[%rem3A_166, %dma_wait3A_179] : memref<5x80xi32, #tpu.memory_space<vmem>> -> memref<1x80xi32, #tpu.memory_space<vmem>>
        %dma_wait3A_181 = tpu.memref_squeeze %dma_wait3A_180 : memref<1x80xi32, #tpu.memory_space<vmem>> -> memref<80xi32, #tpu.memory_space<vmem>>
        %dma_wait3A_182 = arith.constant 0 : i32
        %dma_wait3A_183 = arith.constant 0 : i32
        %dma_wait3A_184 = tpu.memref_slice %arg3[%add3A, %dma_wait3A_182, %dma_wait3A_183] : memref<32x125x80xi32, #tpu.memory_space<hbm>> -> memref<1x125x80xi32, #tpu.memory_space<hbm>>
        %dma_wait3A_185 = tpu.memref_squeeze %dma_wait3A_184 : memref<1x125x80xi32, #tpu.memory_space<hbm>> -> memref<125x80xi32, #tpu.memory_space<hbm>>
        %dma_wait3A_186 = arith.constant 0 : i32
        %dma_wait3A_187 = tpu.memref_slice %dma_wait3A_185[%add3A_168, %dma_wait3A_186] : memref<125x80xi32, #tpu.memory_space<hbm>> -> memref<1x80xi32, #tpu.memory_space<hbm>>
        %dma_wait3A_188 = tpu.memref_squeeze %dma_wait3A_187 : memref<1x80xi32, #tpu.memory_space<hbm>> -> memref<80xi32, #tpu.memory_space<hbm>>
        tpu.wait_dma2 semaphore(%arg12 : memref<!tpu.dma_semaphore, #tpu.memory_space<semaphore_mem>>) src(%dma_wait3A_188 : memref<80xi32, #tpu.memory_space<hbm>>) dst(%dma_wait3A_181 : memref<80xi32, #tpu.memory_space<vmem>>)
        %add3A_189 = arith.constant 3 : i32
        %add3A_190 = arith.addi %scan3A_122, %add3A_189 : i32
        %dma_wait3A_191 = arith.constant 0 : i32
        %dma_wait3A_192 = tpu.memref_slice %arg8[%rem3A_166, %dma_wait3A_191] : memref<5x80xi32, #tpu.memory_space<vmem>> -> memref<1x80xi32, #tpu.memory_space<vmem>>
        %dma_wait3A_193 = tpu.memref_squeeze %dma_wait3A_192 : memref<1x80xi32, #tpu.memory_space<vmem>> -> memref<80xi32, #tpu.memory_space<vmem>>
        %dma_wait3A_194 = arith.constant 0 : i32
        %dma_wait3A_195 = arith.constant 0 : i32
        %dma_wait3A_196 = tpu.memref_slice %arg4[%add3A, %dma_wait3A_194, %dma_wait3A_195] : memref<32x125x80xi32, #tpu.memory_space<hbm>> -> memref<1x125x80xi32, #tpu.memory_space<hbm>>
        %dma_wait3A_197 = tpu.memref_squeeze %dma_wait3A_196 : memref<1x125x80xi32, #tpu.memory_space<hbm>> -> memref<125x80xi32, #tpu.memory_space<hbm>>
        %dma_wait3A_198 = arith.constant 0 : i32
        %dma_wait3A_199 = tpu.memref_slice %dma_wait3A_197[%add3A_190, %dma_wait3A_198] : memref<125x80xi32, #tpu.memory_space<hbm>> -> memref<1x80xi32, #tpu.memory_space<hbm>>
        %dma_wait3A_200 = tpu.memref_squeeze %dma_wait3A_199 : memref<1x80xi32, #tpu.memory_space<hbm>> -> memref<80xi32, #tpu.memory_space<hbm>>
        %dma_wait3A_201 = arith.constant 0 : i32
        %dma_wait3A_202 = tpu.memref_slice %arg8[%rem3A_166, %dma_wait3A_201] : memref<5x80xi32, #tpu.memory_space<vmem>> -> memref<1x80xi32, #tpu.memory_space<vmem>>
        %dma_wait3A_203 = tpu.memref_squeeze %dma_wait3A_202 : memref<1x80xi32, #tpu.memory_space<vmem>> -> memref<80xi32, #tpu.memory_space<vmem>>
        %dma_wait3A_204 = arith.constant 0 : i32
        %dma_wait3A_205 = arith.constant 0 : i32
        %dma_wait3A_206 = tpu.memref_slice %arg4[%add3A, %dma_wait3A_204, %dma_wait3A_205] : memref<32x125x80xi32, #tpu.memory_space<hbm>> -> memref<1x125x80xi32, #tpu.memory_space<hbm>>
        %dma_wait3A_207 = tpu.memref_squeeze %dma_wait3A_206 : memref<1x125x80xi32, #tpu.memory_space<hbm>> -> memref<125x80xi32, #tpu.memory_space<hbm>>
        %dma_wait3A_208 = arith.constant 0 : i32
        %dma_wait3A_209 = tpu.memref_slice %dma_wait3A_207[%add3A_190, %dma_wait3A_208] : memref<125x80xi32, #tpu.memory_space<hbm>> -> memref<1x80xi32, #tpu.memory_space<hbm>>
        %dma_wait3A_210 = tpu.memref_squeeze %dma_wait3A_209 : memref<1x80xi32, #tpu.memory_space<hbm>> -> memref<80xi32, #tpu.memory_space<hbm>>
        tpu.wait_dma2 semaphore(%arg12 : memref<!tpu.dma_semaphore, #tpu.memory_space<semaphore_mem>>) src(%dma_wait3A_210 : memref<80xi32, #tpu.memory_space<hbm>>) dst(%dma_wait3A_203 : memref<80xi32, #tpu.memory_space<vmem>>)
        %add3A_211 = arith.constant 3 : i32
        %add3A_212 = arith.addi %scan3A_122, %add3A_211 : i32
        %rem3A_213 = arith.constant 4 : i32
        %rem3A_214 = arith.remsi %add3A_212, %rem3A_213 : i32
        %dma_start3A_215 = arith.constant 0 : i32
        %dma_start3A_216 = arith.constant 0 : i32
        %dma_start3A_217 = tpu.memref_slice %arg9[%rem3A_214, %dma_start3A_215, %dma_start3A_216] : memref<4x80x128xf32, #tpu.memory_space<vmem>> -> memref<1x80x128xf32, #tpu.memory_space<vmem>>
        %dma_start3A_218 = tpu.memref_squeeze %dma_start3A_217 : memref<1x80x128xf32, #tpu.memory_space<vmem>> -> memref<80x128xf32, #tpu.memory_space<vmem>>
        %dma_start3A_219 = arith.constant 0 : i32
        %dma_start3A_220 = tpu.memref_slice %arg7[%rem3A_166, %dma_start3A_219] : memref<5x80xi32, #tpu.memory_space<vmem>> -> memref<1x80xi32, #tpu.memory_space<vmem>>
        %dma_start3A_221 = tpu.memref_squeeze %dma_start3A_220 : memref<1x80xi32, #tpu.memory_space<vmem>> -> memref<80xi32, #tpu.memory_space<vmem>>
        %dma_start3A_222 = arith.constant 0 : i32
        %dma_start3A_223 = arith.constant 0 : i32
        %dma_start3A_224 = tpu.memref_slice %arg2[%dma_start3A_222, %dma_start3A_223] : memref<10000x128xf32, #tpu.memory_space<hbm>> -> memref<10000x128xf32, #tpu.memory_space<hbm>>
        tpu.enqueue_indirect_dma source(%dma_start3A_224 : memref<10000x128xf32, #tpu.memory_space<hbm>>) target(%dma_start3A_218 : memref<80x128xf32, #tpu.memory_space<vmem>>) offsets(%dma_start3A_221 : memref<80xi32, #tpu.memory_space<vmem>>) semaphore(%arg11 : memref<!tpu.dma_semaphore, #tpu.memory_space<semaphore_mem>>)
      } else {
      }
      %add3A_156 = arith.constant 4 : i32
      %add3A_157 = arith.addi %scan3A_122, %add3A_156 : i32
      %lt3A_158 = arith.constant 125 : i32
      %lt3A_159 = arith.cmpi slt, %add3A_157, %lt3A_158 : i32
      %convert_element_type3A_160 = arith.extui %lt3A_159 : i1 to i32
      %cond3A_161 = arith.constant 0 : i32
      %cond3A_162 = arith.cmpi ne, %convert_element_type3A_160, %cond3A_161 : i32
      scf.if %cond3A_162 {
        %add3A_163 = arith.constant 4 : i32
        %add3A_164 = arith.addi %scan3A_122, %add3A_163 : i32
        %rem3A_165 = arith.constant 6 : i32
        %rem3A_166 = arith.remsi %add3A_164, %rem3A_165 : i32
        %add3A_167 = arith.constant 4 : i32
        %add3A_168 = arith.addi %scan3A_122, %add3A_167 : i32
        %dma_start3A_169 = arith.constant 0 : i32
        %dma_start3A_170 = tpu.memref_slice %arg7[%rem3A_166, %dma_start3A_169] : memref<5x80xi32, #tpu.memory_space<vmem>> -> memref<1x80xi32, #tpu.memory_space<vmem>>
        %dma_start3A_171 = tpu.memref_squeeze %dma_start3A_170 : memref<1x80xi32, #tpu.memory_space<vmem>> -> memref<80xi32, #tpu.memory_space<vmem>>
        %dma_start3A_172 = arith.constant 0 : i32
        %dma_start3A_173 = arith.constant 0 : i32
        %dma_start3A_174 = tpu.memref_slice %arg3[%add3A, %dma_start3A_172, %dma_start3A_173] : memref<32x125x80xi32, #tpu.memory_space<hbm>> -> memref<1x125x80xi32, #tpu.memory_space<hbm>>
        %dma_start3A_175 = tpu.memref_squeeze %dma_start3A_174 : memref<1x125x80xi32, #tpu.memory_space<hbm>> -> memref<125x80xi32, #tpu.memory_space<hbm>>
        %dma_start3A_176 = arith.constant 0 : i32
        %dma_start3A_177 = tpu.memref_slice %dma_start3A_175[%add3A_168, %dma_start3A_176] : memref<125x80xi32, #tpu.memory_space<hbm>> -> memref<1x80xi32, #tpu.memory_space<hbm>>
        %dma_start3A_178 = tpu.memref_squeeze %dma_start3A_177 : memref<1x80xi32, #tpu.memory_space<hbm>> -> memref<80xi32, #tpu.memory_space<hbm>>
        %dma_start3A_179 = arith.constant 0 : i32
        %dma_start3A_180 = tpu.memref_slice %arg7[%rem3A_166, %dma_start3A_179] : memref<5x80xi32, #tpu.memory_space<vmem>> -> memref<1x80xi32, #tpu.memory_space<vmem>>
        %dma_start3A_181 = tpu.memref_squeeze %dma_start3A_180 : memref<1x80xi32, #tpu.memory_space<vmem>> -> memref<80xi32, #tpu.memory_space<vmem>>
        %dma_start3A_182 = arith.constant 0 : i32
        %dma_start3A_183 = arith.constant 0 : i32
        %dma_start3A_184 = tpu.memref_slice %arg3[%add3A, %dma_start3A_182, %dma_start3A_183] : memref<32x125x80xi32, #tpu.memory_space<hbm>> -> memref<1x125x80xi32, #tpu.memory_space<hbm>>
        %dma_start3A_185 = tpu.memref_squeeze %dma_start3A_184 : memref<1x125x80xi32, #tpu.memory_space<hbm>> -> memref<125x80xi32, #tpu.memory_space<hbm>>
        %dma_start3A_186 = arith.constant 0 : i32
        %dma_start3A_187 = tpu.memref_slice %dma_start3A_185[%add3A_168, %dma_start3A_186] : memref<125x80xi32, #tpu.memory_space<hbm>> -> memref<1x80xi32, #tpu.memory_space<hbm>>
        %dma_start3A_188 = tpu.memref_squeeze %dma_start3A_187 : memref<1x80xi32, #tpu.memory_space<hbm>> -> memref<80xi32, #tpu.memory_space<hbm>>
        tpu.enqueue_dma source(%dma_start3A_188 : memref<80xi32, #tpu.memory_space<hbm>>) target(%dma_start3A_181 : memref<80xi32, #tpu.memory_space<vmem>>) target_semaphore(%arg12 : memref<!tpu.dma_semaphore, #tpu.memory_space<semaphore_mem>>)
        %add3A_189 = arith.constant 4 : i32
        %add3A_190 = arith.addi %scan3A_122, %add3A_189 : i32
        %dma_start3A_191 = arith.constant 0 : i32
        %dma_start3A_192 = tpu.memref_slice %arg8[%rem3A_166, %dma_start3A_191] : memref<5x80xi32, #tpu.memory_space<vmem>> -> memref<1x80xi32, #tpu.memory_space<vmem>>
        %dma_start3A_193 = tpu.memref_squeeze %dma_start3A_192 : memref<1x80xi32, #tpu.memory_space<vmem>> -> memref<80xi32, #tpu.memory_space<vmem>>
        %dma_start3A_194 = arith.constant 0 : i32
        %dma_start3A_195 = arith.constant 0 : i32
        %dma_start3A_196 = tpu.memref_slice %arg4[%add3A, %dma_start3A_194, %dma_start3A_195] : memref<32x125x80xi32, #tpu.memory_space<hbm>> -> memref<1x125x80xi32, #tpu.memory_space<hbm>>
        %dma_start3A_197 = tpu.memref_squeeze %dma_start3A_196 : memref<1x125x80xi32, #tpu.memory_space<hbm>> -> memref<125x80xi32, #tpu.memory_space<hbm>>
        %dma_start3A_198 = arith.constant 0 : i32
        %dma_start3A_199 = tpu.memref_slice %dma_start3A_197[%add3A_190, %dma_start3A_198] : memref<125x80xi32, #tpu.memory_space<hbm>> -> memref<1x80xi32, #tpu.memory_space<hbm>>
        %dma_start3A_200 = tpu.memref_squeeze %dma_start3A_199 : memref<1x80xi32, #tpu.memory_space<hbm>> -> memref<80xi32, #tpu.memory_space<hbm>>
        %dma_start3A_201 = arith.constant 0 : i32
        %dma_start3A_202 = tpu.memref_slice %arg8[%rem3A_166, %dma_start3A_201] : memref<5x80xi32, #tpu.memory_space<vmem>> -> memref<1x80xi32, #tpu.memory_space<vmem>>
        %dma_start3A_203 = tpu.memref_squeeze %dma_start3A_202 : memref<1x80xi32, #tpu.memory_space<vmem>> -> memref<80xi32, #tpu.memory_space<vmem>>
        %dma_start3A_204 = arith.constant 0 : i32
        %dma_start3A_205 = arith.constant 0 : i32
        %dma_start3A_206 = tpu.memref_slice %arg4[%add3A, %dma_start3A_204, %dma_start3A_205] : memref<32x125x80xi32, #tpu.memory_space<hbm>> -> memref<1x125x80xi32, #tpu.memory_space<hbm>>
        %dma_start3A_207 = tpu.memref_squeeze %dma_start3A_206 : memref<1x125x80xi32, #tpu.memory_space<hbm>> -> memref<125x80xi32, #tpu.memory_space<hbm>>
        %dma_start3A_208 = arith.constant 0 : i32
        %dma_start3A_209 = tpu.memref_slice %dma_start3A_207[%add3A_190, %dma_start3A_208] : memref<125x80xi32, #tpu.memory_space<hbm>> -> memref<1x80xi32, #tpu.memory_space<hbm>>
        %dma_start3A_210 = tpu.memref_squeeze %dma_start3A_209 : memref<1x80xi32, #tpu.memory_space<hbm>> -> memref<80xi32, #tpu.memory_space<hbm>>
        tpu.enqueue_dma source(%dma_start3A_210 : memref<80xi32, #tpu.memory_space<hbm>>) target(%dma_start3A_203 : memref<80xi32, #tpu.memory_space<vmem>>) target_semaphore(%arg12 : memref<!tpu.dma_semaphore, #tpu.memory_space<semaphore_mem>>)
      } else {
      }
    }
    %scan3A_102 = arith.constant 125 : i32
    %dma_wait3A = arith.constant 0 : i32
    %dma_wait3A_103 = arith.constant 0 : i32
    %dma_wait3A_104 = arith.constant 0 : i32
    %dma_wait3A_105 = arith.constant 0 : i32
    %dma_wait3A_106 = tpu.memref_slice %arg9[%dma_wait3A_103, %dma_wait3A_104, %dma_wait3A_105] : memref<4x80x128xf32, #tpu.memory_space<vmem>> -> memref<1x80x128xf32, #tpu.memory_space<vmem>>
    %dma_wait3A_107 = tpu.memref_squeeze %dma_wait3A_106 : memref<1x80x128xf32, #tpu.memory_space<vmem>> -> memref<80x128xf32, #tpu.memory_space<vmem>>
    %dma_wait3A_108 = arith.constant 0 : i32
    %dma_wait3A_109 = tpu.memref_slice %arg7[%dma_wait3A, %dma_wait3A_108] : memref<5x80xi32, #tpu.memory_space<vmem>> -> memref<1x80xi32, #tpu.memory_space<vmem>>
    %dma_wait3A_110 = tpu.memref_squeeze %dma_wait3A_109 : memref<1x80xi32, #tpu.memory_space<vmem>> -> memref<80xi32, #tpu.memory_space<vmem>>
    %dma_wait3A_111 = arith.constant 0 : i32
    %dma_wait3A_112 = arith.constant 0 : i32
    %dma_wait3A_113 = tpu.memref_slice %arg2[%dma_wait3A_111, %dma_wait3A_112] : memref<10000x128xf32, #tpu.memory_space<hbm>> -> memref<10000x128xf32, #tpu.memory_space<hbm>>
    tpu.wait_indirect_dma semaphore(%arg13 : memref<!tpu.dma_semaphore, #tpu.memory_space<semaphore_mem>>) src(%dma_wait3A_113 : memref<10000x128xf32, #tpu.memory_space<hbm>>) dst(%dma_wait3A_107 : memref<80x128xf32, #tpu.memory_space<vmem>>)
    %barrier3A_114 = arith.constant 0 : index
    tpu.barrier barrier_id(%barrier3A_114)
    %mul3A_115 = arith.constant 624 : i32
    %mul3A_116 = arith.muli %arg1, %mul3A_115 : i32
    %multiple_of3A = tpu.assume_multiple %mul3A_116, 8 : i32
    "tpu.region"() ({
      %run_scoped3A_122 = tpu.sem_alloc : memref<!tpu.dma_semaphore, #tpu.memory_space<semaphore_mem>>
      %dma_start3A_123 = arith.constant 0 : i32
      %dma_start3A_124 = arith.constant 0 : i32
      %dma_start3A_125 = tpu.memref_slice %arg6[%arg0, %dma_start3A_123, %dma_start3A_124] : memref<2x10000x128xf32, #tpu.memory_space<hbm>> -> memref<1x10000x128xf32, #tpu.memory_space<hbm>>
      %dma_start3A_126 = tpu.memref_squeeze %dma_start3A_125 : memref<1x10000x128xf32, #tpu.memory_space<hbm>> -> memref<10000x128xf32, #tpu.memory_space<hbm>>
      %dma_start3A_127 = arith.constant 0 : i32
      %dma_start3A_128 = tpu.memref_slice %dma_start3A_126[%multiple_of3A, %dma_start3A_127] : memref<10000x128xf32, #tpu.memory_space<hbm>> -> memref<624x128xf32, #tpu.memory_space<hbm>>
      %dma_start3A_129 = arith.constant 0 : i32
      %dma_start3A_130 = tpu.memref_slice %arg10[%multiple_of3A, %dma_start3A_129] : memref<10000x128xf32, #tpu.memory_space<vmem_shared>> -> memref<624x128xf32, #tpu.memory_space<vmem_shared>>
      tpu.enqueue_dma source(%dma_start3A_130 : memref<624x128xf32, #tpu.memory_space<vmem_shared>>) target(%dma_start3A_128 : memref<624x128xf32, #tpu.memory_space<hbm>>) target_semaphore(%run_scoped3A_122 : memref<!tpu.dma_semaphore, #tpu.memory_space<semaphore_mem>>)
      %dma_wait3A_131 = arith.constant 0 : i32
      %dma_wait3A_132 = arith.constant 0 : i32
      %dma_wait3A_133 = tpu.memref_slice %arg6[%arg0, %dma_wait3A_131, %dma_wait3A_132] : memref<2x10000x128xf32, #tpu.memory_space<hbm>> -> memref<1x10000x128xf32, #tpu.memory_space<hbm>>
      %dma_wait3A_134 = tpu.memref_squeeze %dma_wait3A_133 : memref<1x10000x128xf32, #tpu.memory_space<hbm>> -> memref<10000x128xf32, #tpu.memory_space<hbm>>
      %dma_wait3A_135 = arith.constant 0 : i32
      %dma_wait3A_136 = tpu.memref_slice %dma_wait3A_134[%multiple_of3A, %dma_wait3A_135] : memref<10000x128xf32, #tpu.memory_space<hbm>> -> memref<624x128xf32, #tpu.memory_space<hbm>>
      %dma_wait3A_137 = arith.constant 0 : i32
      %dma_wait3A_138 = tpu.memref_slice %arg10[%multiple_of3A, %dma_wait3A_137] : memref<10000x128xf32, #tpu.memory_space<vmem_shared>> -> memref<624x128xf32, #tpu.memory_space<vmem_shared>>
      tpu.wait_dma2 semaphore(%run_scoped3A_122 : memref<!tpu.dma_semaphore, #tpu.memory_space<semaphore_mem>>) src(%dma_wait3A_138 : memref<624x128xf32, #tpu.memory_space<vmem_shared>>) dst(%dma_wait3A_136 : memref<624x128xf32, #tpu.memory_space<hbm>>)
      tpu.yield
    }) : () -> ()
    %eq3A_117 = arith.constant 15 : i32
    %eq3A_118 = arith.cmpi eq, %arg1, %eq3A_117 : i32
    %convert_element_type3A_119 = arith.extui %eq3A_118 : i1 to i32
    %cond3A_120 = arith.constant 0 : i32
    %cond3A_121 = arith.cmpi ne, %convert_element_type3A_119, %cond3A_120 : i32
    scf.if %cond3A_121 {
      "tpu.region"() ({
        %run_scoped3A_122 = tpu.sem_alloc : memref<!tpu.dma_semaphore, #tpu.memory_space<semaphore_mem>>
        %dma_start3A_123 = arith.constant 0 : i32
        %dma_start3A_124 = arith.constant 0 : i32
        %dma_start3A_125 = tpu.memref_slice %arg6[%arg0, %dma_start3A_123, %dma_start3A_124] : memref<2x10000x128xf32, #tpu.memory_space<hbm>> -> memref<1x10000x128xf32, #tpu.memory_space<hbm>>
        %dma_start3A_126 = tpu.memref_squeeze %dma_start3A_125 : memref<1x10000x128xf32, #tpu.memory_space<hbm>> -> memref<10000x128xf32, #tpu.memory_space<hbm>>
        %dma_start3A_127 = arith.constant 9984 : i32
        %dma_start3A_128 = arith.constant 0 : i32
        %dma_start3A_129 = tpu.memref_slice %dma_start3A_126[%dma_start3A_127, %dma_start3A_128] : memref<10000x128xf32, #tpu.memory_space<hbm>> -> memref<16x128xf32, #tpu.memory_space<hbm>>
        %dma_start3A_130 = arith.constant 9984 : i32
        %dma_start3A_131 = arith.constant 0 : i32
        %dma_start3A_132 = tpu.memref_slice %arg10[%dma_start3A_130, %dma_start3A_131] : memref<10000x128xf32, #tpu.memory_space<vmem_shared>> -> memref<16x128xf32, #tpu.memory_space<vmem_shared>>
        tpu.enqueue_dma source(%dma_start3A_132 : memref<16x128xf32, #tpu.memory_space<vmem_shared>>) target(%dma_start3A_129 : memref<16x128xf32, #tpu.memory_space<hbm>>) target_semaphore(%run_scoped3A_122 : memref<!tpu.dma_semaphore, #tpu.memory_space<semaphore_mem>>)
        %dma_wait3A_133 = arith.constant 0 : i32
        %dma_wait3A_134 = arith.constant 0 : i32
        %dma_wait3A_135 = tpu.memref_slice %arg6[%arg0, %dma_wait3A_133, %dma_wait3A_134] : memref<2x10000x128xf32, #tpu.memory_space<hbm>> -> memref<1x10000x128xf32, #tpu.memory_space<hbm>>
        %dma_wait3A_136 = tpu.memref_squeeze %dma_wait3A_135 : memref<1x10000x128xf32, #tpu.memory_space<hbm>> -> memref<10000x128xf32, #tpu.memory_space<hbm>>
        %dma_wait3A_137 = arith.constant 9984 : i32
        %dma_wait3A_138 = arith.constant 0 : i32
        %dma_wait3A_139 = tpu.memref_slice %dma_wait3A_136[%dma_wait3A_137, %dma_wait3A_138] : memref<10000x128xf32, #tpu.memory_space<hbm>> -> memref<16x128xf32, #tpu.memory_space<hbm>>
        %dma_wait3A_140 = arith.constant 9984 : i32
        %dma_wait3A_141 = arith.constant 0 : i32
        %dma_wait3A_142 = tpu.memref_slice %arg10[%dma_wait3A_140, %dma_wait3A_141] : memref<10000x128xf32, #tpu.memory_space<vmem_shared>> -> memref<16x128xf32, #tpu.memory_space<vmem_shared>>
        tpu.wait_dma2 semaphore(%run_scoped3A_122 : memref<!tpu.dma_semaphore, #tpu.memory_space<semaphore_mem>>) src(%dma_wait3A_142 : memref<16x128xf32, #tpu.memory_space<vmem_shared>>) dst(%dma_wait3A_139 : memref<16x128xf32, #tpu.memory_space<hbm>>)
        tpu.yield
      }) : () -> ()
    } else {
    }
    return
  }
}

module attributes {stable_mosaic.version = 14 : i64} {
  func.func @_scale_body(%arg0: i32, %arg1: memref<1000x32xf32, #tpu.memory_space<vmem>>, %arg2: memref<1000x128xf32, #tpu.memory_space<vmem>>, %arg3: memref<128x128xf32, #tpu.memory_space<vmem>>, %arg4: memref<1000x8xf32, #tpu.memory_space<vmem>>, %arg5: memref<1000x128xf32, #tpu.memory_space<vmem>>) attributes {dimension_semantics = [#tpu.dimension_semantics<arbitrary>], iteration_bounds = array<i64: 10>, scalar_prefetch = 0 : i64, scratch_operands = 0 : i64, tpu.core_type = #tpu.core_type<tc>, window_params = [{transform_indices = @transform_0, window_bounds = array<i64: 1000, 32>}, {transform_indices = @transform_1, window_bounds = array<i64: 1000, 128>}, {pipeline_mode = #tpu.pipeline_mode<synchronous>, transform_indices = @transform_2, window_bounds = array<i64: 128, 128>}, {transform_indices = @transform_3, window_bounds = array<i64: 1000, 8>}, {transform_indices = @transform_4, window_bounds = array<i64: 1000, 128>}]} {
    %get3A = arith.constant 0 : index
    %get3A_0 = arith.constant 0 : index
    %get3A_1 = vector.load %arg1[%get3A, %get3A_0] : memref<1000x32xf32, #tpu.memory_space<vmem>>, vector<1000x32xf32>
    %reduce_sum3A = arith.constant dense<0.000000e+00> : vector<1000xf32>
    %reduce_sum3A_2 = vector.multi_reduction <add>, %get3A_1, %reduce_sum3A [1] : vector<1000x32xf32> to vector<1000xf32>
    %broadcast_in_dim3A = vector.shape_cast %reduce_sum3A_2 : vector<1000xf32> to vector<1000x1xf32>
    %add3A = arith.constant 1.000000e+00 : f32
    %add3A_3 = vector.broadcast %add3A : f32 to vector<1000x1xf32>
    %add3A_4 = arith.addf %broadcast_in_dim3A, %add3A_3 : vector<1000x1xf32>
    %rsqrt3A = math.rsqrt %add3A_4 : vector<1000x1xf32>
    %broadcast_in_dim3A_5 = vector.shape_cast %rsqrt3A : vector<1000x1xf32> to vector<1000x1xf32>
    %broadcast_in_dim3A_6 = vector.broadcast %broadcast_in_dim3A_5 : vector<1000x1xf32> to vector<1000x8xf32>
    %swap3A = arith.constant 0 : index
    %swap3A_7 = arith.constant 0 : index
    %swap3A_8 = vector.load %arg4[%swap3A, %swap3A_7] : memref<1000x8xf32, #tpu.memory_space<vmem>>, vector<1000x8xf32>
    tpu.vector_store %arg4[%swap3A, %swap3A_7], %broadcast_in_dim3A_6 {strides = array<i32>} : memref<1000x8xf32, #tpu.memory_space<vmem>>, vector<1000x8xf32>,
    %get3A_9 = arith.constant 0 : index
    %get3A_10 = arith.constant 0 : index
    %get3A_11 = vector.load %arg2[%get3A_9, %get3A_10] : memref<1000x128xf32, #tpu.memory_space<vmem>>, vector<1000x128xf32>
    %get3A_12 = arith.constant 0 : index
    %get3A_13 = arith.constant 0 : index
    %get3A_14 = vector.load %arg3[%get3A_12, %get3A_13] : memref<128x128xf32, #tpu.memory_space<vmem>>, vector<128x128xf32>
    %dot_general3A = arith.constant dense<0.000000e+00> : vector<1000x128xf32>
    %dot_general3A_15 = tpu.matmul %get3A_11, %get3A_14, %dot_general3A {dimension_numbers = #tpu.dot_dimension_numbers<[1], [0], [0], [1], [0, 0, 1, 1], [], []>, transpose_lhs_hint = false} : vector<1000x128xf32>, vector<128x128xf32>, vector<1000x128xf32> -> vector<1000x128xf32>
    %mul3A = vector.broadcast %rsqrt3A : vector<1000x1xf32> to vector<1000x128xf32>
    %mul3A_16 = arith.mulf %dot_general3A_15, %mul3A : vector<1000x128xf32>
    %swap3A_17 = arith.constant 0 : index
    %swap3A_18 = arith.constant 0 : index
    %swap3A_19 = vector.load %arg5[%swap3A_17, %swap3A_18] : memref<1000x128xf32, #tpu.memory_space<vmem>>, vector<1000x128xf32>
    tpu.vector_store %arg5[%swap3A_17, %swap3A_18], %mul3A_16 {strides = array<i32>} : memref<1000x128xf32, #tpu.memory_space<vmem>>, vector<1000x128xf32>,
    return
  }
  func.func @transform_0(%arg0: i32) -> (i32, i32) {
    %c0_i32 = arith.constant 0 : i32
    %c0_i32_0 = arith.constant 0 : i32
    return %arg0, %c0_i32 : i32, i32
  }
  func.func @transform_1(%arg0: i32) -> (i32, i32) {
    %c0_i32 = arith.constant 0 : i32
    %c0_i32_0 = arith.constant 0 : i32
    return %arg0, %c0_i32 : i32, i32
  }
  func.func @transform_2(%arg0: i32) -> (i32, i32) {
    %c0_i32 = arith.constant 0 : i32
    %c0_i32_0 = arith.constant 0 : i32
    %c0_i32_1 = arith.constant 0 : i32
    return %c0_i32, %c0_i32_0 : i32, i32
  }
  func.func @transform_3(%arg0: i32) -> (i32, i32) {
    %c0_i32 = arith.constant 0 : i32
    %c0_i32_0 = arith.constant 0 : i32
    return %arg0, %c0_i32 : i32, i32
  }
  func.func @transform_4(%arg0: i32) -> (i32, i32) {
    %c0_i32 = arith.constant 0 : i32
    %c0_i32_0 = arith.constant 0 : i32
    return %arg0, %c0_i32 : i32, i32
  }
}

module attributes {stable_mosaic.version = 14 : i64} {
  func.func @_mid_body(%arg0: i32, %arg1: memref<2x1000x128xf32, #tpu.memory_space<vmem>>, %arg2: memref<1000x8xf32, #tpu.memory_space<vmem>>, %arg3: memref<128x128xf32, #tpu.memory_space<vmem>>, %arg4: memref<1x128xf32, #tpu.memory_space<vmem>>, %arg5: memref<1000x128xf32, #tpu.memory_space<vmem>>) attributes {dimension_semantics = [#tpu.dimension_semantics<arbitrary>], iteration_bounds = array<i64: 10>, scalar_prefetch = 0 : i64, scratch_operands = 0 : i64, tpu.core_type = #tpu.core_type<tc>, window_params = [{transform_indices = @transform_0, window_bounds = array<i64: 2, 1000, 128>}, {transform_indices = @transform_1, window_bounds = array<i64: 1000, 8>}, {pipeline_mode = #tpu.pipeline_mode<synchronous>, transform_indices = @transform_2, window_bounds = array<i64: 128, 128>}, {pipeline_mode = #tpu.pipeline_mode<synchronous>, transform_indices = @transform_3, window_bounds = array<i64: 1, 128>}, {transform_indices = @transform_4, window_bounds = array<i64: 1000, 128>}]} {
    %get3A = arith.constant 0 : index
    %get3A_0 = arith.constant 0 : index
    %get3A_1 = vector.load %arg2[%get3A, %get3A_0] : memref<1000x8xf32, #tpu.memory_space<vmem>>, vector<1000x8xf32>
    %slice3A = vector.extract_strided_slice %get3A_1 {offsets = [0, 0], sizes = [1000, 1], strides = [1, 1]} : vector<1000x8xf32> to vector<1000x1xf32>
    %get3A_2 = arith.constant 0 : index
    %get3A_3 = arith.constant 0 : index
    %get3A_4 = arith.constant 0 : index
    %get3A_5 = vector.load %arg1[%get3A_2, %get3A_3, %get3A_4] : memref<2x1000x128xf32, #tpu.memory_space<vmem>>, vector<1x1000x128xf32>
    %get3A_6 = vector.shape_cast %get3A_5 : vector<1x1000x128xf32> to vector<1000x128xf32>
    %get3A_7 = arith.constant 1 : index
    %get3A_8 = arith.constant 0 : index
    %get3A_9 = arith.constant 0 : index
    %get3A_10 = vector.load %arg1[%get3A_7, %get3A_8, %get3A_9] : memref<2x1000x128xf32, #tpu.memory_space<vmem>>, vector<1x1000x128xf32>
    %get3A_11 = vector.shape_cast %get3A_10 : vector<1x1000x128xf32> to vector<1000x128xf32>
    %add3A = arith.addf %get3A_6, %get3A_11 : vector<1000x128xf32>
    %mul3A = vector.broadcast %slice3A : vector<1000x1xf32> to vector<1000x128xf32>
    %mul3A_12 = arith.mulf %mul3A, %add3A : vector<1000x128xf32>
    %get3A_13 = arith.constant 0 : index
    %get3A_14 = arith.constant 0 : index
    %get3A_15 = vector.load %arg4[%get3A_13, %get3A_14] : memref<1x128xf32, #tpu.memory_space<vmem>>, vector<1x128xf32>
    %add3A_16 = vector.broadcast %get3A_15 : vector<1x128xf32> to vector<1000x128xf32>
    %add3A_17 = arith.addf %mul3A_12, %add3A_16 : vector<1000x128xf32>
    %max3A = arith.constant 0.000000e+00 : f32
    %max3A_18 = vector.broadcast %max3A : f32 to vector<1000x128xf32>
    %max3A_19 = arith.maximumf %add3A_17, %max3A_18 : vector<1000x128xf32>
    %get3A_20 = arith.constant 0 : index
    %get3A_21 = arith.constant 0 : index
    %get3A_22 = vector.load %arg3[%get3A_20, %get3A_21] : memref<128x128xf32, #tpu.memory_space<vmem>>, vector<128x128xf32>
    %dot_general3A = arith.constant dense<0.000000e+00> : vector<1000x128xf32>
    %dot_general3A_23 = tpu.matmul %max3A_19, %get3A_22, %dot_general3A {dimension_numbers = #tpu.dot_dimension_numbers<[1], [0], [0], [1], [0, 0, 1, 1], [], []>, transpose_lhs_hint = false} : vector<1000x128xf32>, vector<128x128xf32>, vector<1000x128xf32> -> vector<1000x128xf32>
    %mul3A_24 = vector.broadcast %slice3A : vector<1000x1xf32> to vector<1000x128xf32>
    %mul3A_25 = arith.mulf %dot_general3A_23, %mul3A_24 : vector<1000x128xf32>
    %swap3A = arith.constant 0 : index
    %swap3A_26 = arith.constant 0 : index
    %swap3A_27 = vector.load %arg5[%swap3A, %swap3A_26] : memref<1000x128xf32, #tpu.memory_space<vmem>>, vector<1000x128xf32>
    tpu.vector_store %arg5[%swap3A, %swap3A_26], %mul3A_25 {strides = array<i32>} : memref<1000x128xf32, #tpu.memory_space<vmem>>, vector<1000x128xf32>,
    return
  }
  func.func @transform_0(%arg0: i32) -> (i32, i32, i32) {
    %c0_i32 = arith.constant 0 : i32
    %c0_i32_0 = arith.constant 0 : i32
    %c0_i32_1 = arith.constant 0 : i32
    return %c0_i32, %arg0, %c0_i32_0 : i32, i32, i32
  }
  func.func @transform_1(%arg0: i32) -> (i32, i32) {
    %c0_i32 = arith.constant 0 : i32
    %c0_i32_0 = arith.constant 0 : i32
    return %arg0, %c0_i32 : i32, i32
  }
  func.func @transform_2(%arg0: i32) -> (i32, i32) {
    %c0_i32 = arith.constant 0 : i32
    %c0_i32_0 = arith.constant 0 : i32
    %c0_i32_1 = arith.constant 0 : i32
    return %c0_i32, %c0_i32_0 : i32, i32
  }
  func.func @transform_3(%arg0: i32) -> (i32, i32) {
    %c0_i32 = arith.constant 0 : i32
    %c0_i32_0 = arith.constant 0 : i32
    %c0_i32_1 = arith.constant 0 : i32
    return %c0_i32, %c0_i32_0 : i32, i32
  }
  func.func @transform_4(%arg0: i32) -> (i32, i32) {
    %c0_i32 = arith.constant 0 : i32
    %c0_i32_0 = arith.constant 0 : i32
    return %arg0, %c0_i32 : i32, i32
  }
}

module attributes {stable_mosaic.version = 14 : i64} {
  func.func @_fin_body(%arg0: i32, %arg1: memref<2x1000x128xf32, #tpu.memory_space<vmem>>, %arg2: memref<1000x8xf32, #tpu.memory_space<vmem>>, %arg3: memref<1x128xf32, #tpu.memory_space<vmem>>, %arg4: memref<1000x128xf32, #tpu.memory_space<vmem>>) attributes {dimension_semantics = [#tpu.dimension_semantics<arbitrary>], iteration_bounds = array<i64: 10>, scalar_prefetch = 0 : i64, scratch_operands = 0 : i64, tpu.core_type = #tpu.core_type<tc>, window_params = [{transform_indices = @transform_0, window_bounds = array<i64: 2, 1000, 128>}, {transform_indices = @transform_1, window_bounds = array<i64: 1000, 8>}, {pipeline_mode = #tpu.pipeline_mode<synchronous>, transform_indices = @transform_2, window_bounds = array<i64: 1, 128>}, {transform_indices = @transform_3, window_bounds = array<i64: 1000, 128>}]} {
    %get3A = arith.constant 0 : index
    %get3A_0 = arith.constant 0 : index
    %get3A_1 = vector.load %arg2[%get3A, %get3A_0] : memref<1000x8xf32, #tpu.memory_space<vmem>>, vector<1000x8xf32>
    %slice3A = vector.extract_strided_slice %get3A_1 {offsets = [0, 0], sizes = [1000, 1], strides = [1, 1]} : vector<1000x8xf32> to vector<1000x1xf32>
    %get3A_2 = arith.constant 0 : index
    %get3A_3 = arith.constant 0 : index
    %get3A_4 = arith.constant 0 : index
    %get3A_5 = vector.load %arg1[%get3A_2, %get3A_3, %get3A_4] : memref<2x1000x128xf32, #tpu.memory_space<vmem>>, vector<1x1000x128xf32>
    %get3A_6 = vector.shape_cast %get3A_5 : vector<1x1000x128xf32> to vector<1000x128xf32>
    %get3A_7 = arith.constant 1 : index
    %get3A_8 = arith.constant 0 : index
    %get3A_9 = arith.constant 0 : index
    %get3A_10 = vector.load %arg1[%get3A_7, %get3A_8, %get3A_9] : memref<2x1000x128xf32, #tpu.memory_space<vmem>>, vector<1x1000x128xf32>
    %get3A_11 = vector.shape_cast %get3A_10 : vector<1x1000x128xf32> to vector<1000x128xf32>
    %add3A = arith.addf %get3A_6, %get3A_11 : vector<1000x128xf32>
    %mul3A = vector.broadcast %slice3A : vector<1000x1xf32> to vector<1000x128xf32>
    %mul3A_12 = arith.mulf %mul3A, %add3A : vector<1000x128xf32>
    %get3A_13 = arith.constant 0 : index
    %get3A_14 = arith.constant 0 : index
    %get3A_15 = vector.load %arg3[%get3A_13, %get3A_14] : memref<1x128xf32, #tpu.memory_space<vmem>>, vector<1x128xf32>
    %add3A_16 = vector.broadcast %get3A_15 : vector<1x128xf32> to vector<1000x128xf32>
    %add3A_17 = arith.addf %mul3A_12, %add3A_16 : vector<1000x128xf32>
    %swap3A = arith.constant 0 : index
    %swap3A_18 = arith.constant 0 : index
    %swap3A_19 = vector.load %arg4[%swap3A, %swap3A_18] : memref<1000x128xf32, #tpu.memory_space<vmem>>, vector<1000x128xf32>
    tpu.vector_store %arg4[%swap3A, %swap3A_18], %add3A_17 {strides = array<i32>} : memref<1000x128xf32, #tpu.memory_space<vmem>>, vector<1000x128xf32>,
    return
  }
  func.func @transform_0(%arg0: i32) -> (i32, i32, i32) {
    %c0_i32 = arith.constant 0 : i32
    %c0_i32_0 = arith.constant 0 : i32
    %c0_i32_1 = arith.constant 0 : i32
    return %c0_i32, %arg0, %c0_i32_0 : i32, i32, i32
  }
  func.func @transform_1(%arg0: i32) -> (i32, i32) {
    %c0_i32 = arith.constant 0 : i32
    %c0_i32_0 = arith.constant 0 : i32
    return %arg0, %c0_i32 : i32, i32
  }
  func.func @transform_2(%arg0: i32) -> (i32, i32) {
    %c0_i32 = arith.constant 0 : i32
    %c0_i32_0 = arith.constant 0 : i32
    %c0_i32_1 = arith.constant 0 : i32
    return %c0_i32, %c0_i32_0 : i32, i32
  }
  func.func @transform_3(%arg0: i32) -> (i32, i32) {
    %c0_i32 = arith.constant 0 : i32
    %c0_i32_0 = arith.constant 0 : i32
    return %arg0, %c0_i32 : i32, i32
  }
}

</mosaic_0001>

<sc_bundles>
// kernel: kernel.11.cloned.1.call-start
scs
__scs_entry_jumppad:
0x0: {  	(pc) =	sbr.rel $0x88, $3  }
0x1: {  	(tag) =	ssettag $0x0;
	lr =	simm.s32 $0x1  }
0x2: {  	[smem:$0x3F9B] =	sst lr;
	_ =	strace $0xD0000000  }
0x3: {  	_ = 	snop  }
0x4: {  	_ = 	snop  }
0x5: {  	_ = 	snop  }
0x6: {  	_ = 	snop  }
0x7: {  	_ = 	snop  }
__scs_overlays_trampoline_lowered:
0x8: {  	[smem:$0x3FAA] =	sst s0  }
0x9: {  	[smem:$0x3FAB] =	sst s1  }
0xa: {  	[smem:$0x3FAC] =	sst s2  }
0xb: {  	[smem:$0x3FAD] =	sst s3  }
0xc: {  	[smem:$0x3FAE] =	sst s4  }
0xd: {  	[smem:$0x3FAF] =	sst s5  }
0xe: {  	[smem:$0x3FB0] =	sst s6  }
0xf: {  	[smem:$0x3FB1] =	sst s7  }
0x10: {  	[smem:$0x3FB2] =	sst s8  }
0x11: {  	[smem:$0x3FB3] =	sst s9;
	s0 =	simm.s32 @!p0 $0x0  }
0x12: {  	s1 =	sld [smem:$0x3F99];
	s0 =	simm.s32 @p0 $0x1  }
0x13: {  	[smem:$0x3FB4] =	sst s0;
	s0 =	simm.s32 @!p1 $0x0  }
0x14: {  	s2 =	sld [smem:$0x3F98];
	s0 =	simm.s32 @p1 $0x1  }
0x15: {  	[smem:$0x3FB5] =	sst s0;
	s0 =	simm.s32 @!p2 $0x0  }
0x16: {  	s3 =	sld [smem:$0x3FDB];
	s0 =	simm.s32 @p2 $0x1  }
0x17: {  	s4 =	simm.s32 $0x1BF5;
	[smem:$0x3FB7] =	sst s0  }
0x18: {  	s0 =	sld [smem:$0x3F9A];
	_ =	swait.ge [sflag:s4], $0x0  }
0x19: {  	s7 =	sld [smem:$0x3F9B]  }
0x1a: {  	s8 =	sadd.s32 $0xFFFFE003, lr  }
0x1b: {  	s9 =	sadd.s32 $0xFFFFFEF7, lr;
	s5 =	simm.s32 $0xFFFFFFFF;
	p2 =	slt.u32 s8, $0xFFFFF086  }
0x1c: {  	p1 =	slt.u32 s9, $0xF7A;
	s5 =	simm.s32 @!p2 $0x0  }
0x1d: {  	s5 =	simm.s32 @p1 $0x1;
	p0 =	seq.s32 s7, s2  }
0x1e: {  	s7 =	smul.u32 @!p0 $0xF7A, s2;
	p2 =	seq.s32 @!p0 s5, $0x0  }
0x1f: {  	s9 =	smul.u32 $0xF7A, s1;
	s8 =	simm.s32 @!p0 $0x1BF5;
	p2 =	por !p2, p0  }
0x20: {  	[sflag:s8] =	ssyncset.s32 @!p0 $0xFFFFF086;
	s6 =	sadd.s32 @!p0 s3, s7;
	s7 =	simm.s32 @!p0 $0x108  }
0x21: {  	s3 =	sadd.s32 s3, s9;
	s6 =	sadd.s32 @!p0 $0x88, s6;
	s7 =	simm.s32 @p2 $0x1082  }
0x22: {  	[simem:s7], [sflag:s8] =	dma.local @!p0 [hbm:s6], $0xF7A  }
0x23: {  	s9 =	sor.u32 $0xD0000000, s2;
	s6 =	simm.s32 $0x108;
	_ =	swait.ge @!p0 [sflag:s8], $0x0  }
0x24: {  	s3 =	sadd.s32 $0x88, s3;
	s6 =	simm.s32 @!p1 $0x1082;
	[sflag:s4] =	ssyncset.s32 $0xFFFFF086  }
0x25: {  	[simem:s6], [sflag:s4] =	dma.local [hbm:s3], $0xF7A  }
0x26: {  	[smem:$0x3F9B] =	sst s1;
	(tag) =	ssettag s2;
	_ =	strace s9  }
0x27: {  	s1 =	sld [smem:$0x3FAB]  }
0x28: {  	s2 =	sld [smem:$0x3FAC]  }
0x29: {  	s4 =	sld [smem:$0x3FAE]  }
0x2a: {  	p0 =	seq.s32 s5, $0x0;
	s5 =	sld [smem:$0x3FAF]  }
0x2b: {  	s6 =	sld [smem:$0x3FB0]  }
0x2c: {  	s7 =	sld [smem:$0x3FB1]  }
0x2d: {  	s3 =	simm.s32 $0x108;
	s8 =	sld [smem:$0x3FB2]  }
0x2e: {  	s3 =	simm.s32 @!p0 $0x1082;
	s9 =	sld [smem:$0x3FB3]  }
0x2f: {  	lr =	sadd.s32 s0, s3;
	s0 =	sld [smem:$0x3FAA]  }
0x30: {  	s3 =	sld [smem:$0x3FAD]  }
0x31: {  	[smem:$0x3FB6] =	sst s10  }
0x32: {  	s10 =	sld [smem:$0x3FB4];
	_ =	sdelay $0x3  }
0x33: {  	p0 =	seq.s32 s10, $0x1;
	s10 =	sld [smem:$0x3FB6];
	_ =	sdelay $0x3  }
0x34: {  	[smem:$0x3FB6] =	sst s10  }
0x35: {  	s10 =	sld [smem:$0x3FB5];
	_ =	sdelay $0x3  }
0x36: {  	p1 =	seq.s32 s10, $0x1;
	s10 =	sld [smem:$0x3FB6];
	_ =	sdelay $0x3  }
0x37: {  	[smem:$0x3FB6] =	sst s10  }
0x38: {  	s10 =	sld [smem:$0x3FB7]  }
0x39: {  	_ = 	snop;
	(pc) =	sbr.ind lr, $3  }
0x3a: {  	_ = 	snop  }
0x3b: {  	_ = 	snop  }
0x3c: {  	p2 =	seq.s32 s10, $0x1;
	s10 =	sld [smem:$0x3FB6]  }
0x3d: {  	_ =	shalt  }
0x3e: {  	_ =	shalt  }
0x3f: {  	_ =	shalt  }
0x40: {  	_ =	shalt  }
0x41: {  	_ =	shalt  }
0x42: {  	_ =	shalt  }
0x43: {  	_ =	shalt  }
0x44: {  	_ =	shalt  }
0x45: {  	_ =	shalt  }
0x46: {  	_ =	shalt  }
0x47: {  	_ =	shalt  }
0x48: {  	_ =	shalt  }
0x49: {  	_ =	shalt  }
0x4a: {  	_ =	shalt  }
0x4b: {  	_ =	shalt  }
0x4c: {  	_ =	shalt  }
0x4d: {  	_ =	shalt  }
0x4e: {  	_ =	shalt  }
0x4f: {  	_ =	shalt  }
0x50: {  	_ =	shalt  }
0x51: {  	_ =	shalt  }
0x52: {  	_ =	shalt  }
0x53: {  	_ =	shalt  }
0x54: {  	_ =	shalt  }
0x55: {  	_ =	shalt  }
0x56: {  	_ =	shalt  }
0x57: {  	_ =	shalt  }
0x58: {  	_ =	shalt  }
0x59: {  	_ =	shalt  }
0x5a: {  	_ =	shalt  }
0x5b: {  	_ =	shalt  }
0x5c: {  	_ =	shalt  }
0x5d: {  	_ =	shalt  }
0x5e: {  	_ =	shalt  }
0x5f: {  	_ =	shalt  }
0x60: {  	_ =	shalt  }
0x61: {  	_ =	shalt  }
0x62: {  	_ =	shalt  }
0x63: {  	_ =	shalt  }
0x64: {  	_ =	shalt  }
0x65: {  	_ =	shalt  }
0x66: {  	_ =	shalt  }
0x67: {  	_ =	shalt  }
0x68: {  	_ =	shalt  }
0x69: {  	_ =	shalt  }
0x6a: {  	_ =	shalt  }
0x6b: {  	_ =	shalt  }
0x6c: {  	_ =	shalt  }
0x6d: {  	_ =	shalt  }
0x6e: {  	_ =	shalt  }
0x6f: {  	_ =	shalt  }
0x70: {  	_ =	shalt  }
0x71: {  	_ =	shalt  }
0x72: {  	_ =	shalt  }
0x73: {  	_ =	shalt  }
0x74: {  	_ =	shalt  }
0x75: {  	_ =	shalt  }
0x76: {  	_ =	shalt  }
0x77: {  	_ =	shalt  }
0x78: {  	_ =	shalt  }
0x79: {  	_ =	shalt  }
0x7a: {  	_ =	shalt  }
0x7b: {  	_ =	shalt  }
0x7c: {  	_ =	shalt  }
0x7d: {  	_ =	shalt  }
0x7e: {  	_ =	shalt  }
0x7f: {  	_ =	shalt  }
0x80: {  	_ =	shalt  }
0x81: {  	_ =	shalt  }
0x82: {  	_ =	shalt  }
0x83: {  	_ =	shalt  }
0x84: {  	_ =	shalt  }
0x85: {  	_ =	shalt  }
0x86: {  	_ =	shalt  }
0x87: {  	_ =	shalt  }
.Lfunc_end0:
.L_simem_size_0:
called_computation.1_lowered:
.L_overlay_start_0:
0x88: {  	s2 =	sld [smem:$0x3FD9]  }
0x89: {  	s3 =	sld [smem:$0x3FFE];
	_ =	sdelay $0x1  }
0x8a: {  	s1 =	srdreg.scid  }
0x8b: {  	s0 =	sand.u32 $0x1, s1  }
0x8c: {  	s17 =	sshll.u32 s0, $0xA;
	s2 =	sadd.s32 s3, s2  }
0x8d: {  	s2 =	sadd.s32 s2, s17  }
0x8e: {  	[smem:$0x3FC2] =	sst s2  }
0x8f: {  	_ = 	snop  }
0x90: {  	s2 =	sld [smem:$0x3FD0];
	(tm) =	ssettm $0x1  }
0x91: {  	s18 =	sld [smem:$0x3FFB];
	_ =	sdelay $0x3  }
0x92: {  	_ =	strace s18  }
0x93: {  	s3 =	sld [smem:$0x3FFC];
	_ =	sdelay $0x3  }
0x94: {  	_ =	strace s3  }
0x95: {  	s3 =	sld [smem:$0x3FFD];
	_ =	sdelay $0x3  }
0x96: {  	_ =	strace s3  }
0x97: {  	_ =	strace $0x8FFFFFFF  }
0x98: {  	s19 =	sld [smem:$0x3FDB];
	_ =	sdelay $0x1  }
0x99: {  	s4 =	simm.s32 $_scs_section_size  }
0x9a: {  	s5 =	simm.s32 $_size__tile_overlayer_lowered;
	s6 =	simm.s32 $_tile_overlayer_lowered  }
0x9b: {  	s22 =	simm.s32 $0x1BFF;
	s21 =	sshll.u32 s6, $0x1;
	s3 =	sadd.s32 s4, s19  }
0x9c: {  	s7 =	simm.s32 $0x0;
	s20 =	sshll.u32 s5, $0x1;
	s5 =	sadd.s32 s21, s3  }
0x9d: {  	[timem:s7], [sflag:s22] =	dma.local [hbm:s5], s20  }
0x9e: {  	_ =	swait.ge [sflag:s22], s20  }
0x9f: {  	s4 =	ssub.s32 $0x0, s20;
	[sflag:s22] =	ssyncset.done $0x0  }
0xa0: {  	[sflag:s22] =	ssyncadd.s32 s4;
	_ =	sdelay $0x1  }
0xa1: {  	s23 =	simm.s32 $0x1B8B  }
0xa2: {  	_ =	swait.ge [sflag:s23], $0x1  }
0xa3: {  	[sflag:s23] =	ssyncset.done $0x0  }
0xa4: {  	s25 =	simm.s32 $0x1B8E;
	s24 =	sld [smem:$0x3FFE];
	[sflag:s23] =	ssyncadd.s32 $0xFFFFFFFF  }
0xa5: {  	s26 =	simm.s32 $execute0_lowered;
	[smem:$0x3FD2] =	sst s25  }
0xa6: {  	s5 =	sshll.u32 s26, $0x1;
	_ =	strace $0x80000049;
	[dreg:$0x1] =	wrdreg $0xFFFFFFFF  }
0xa7: {  	s28 =	simm.s32 $_size_execute0_lowered;
	s3 =	sadd.s32 s3, s5;
	[dreg:$0x0] =	wrdreg $0x0  }
0xa8: {  	s5 =	sshll.u32 s28, $0x1;
	[dreg:$0x2] =	wrdreg s3  }
0xa9: {  	[dreg:$0x3] =	wrdreg s5  }
0xaa: {  	[dreg:$0x4] =	wrdreg $0xC0  }
0xab: {  	_ =	task [dreg:s7], $0x5FFFF  }
0xac: {  	[dreg:$0x1] =	wrdreg $0xFFFFFFFF  }
0xad: {  	[dreg:$0x0] =	wrdreg $0x60  }
0xae: {  	[dreg:$0x2] =	wrdreg s2  }
0xaf: {  	[dreg:$0x3] =	wrdreg s24  }
0xb0: {  	[dreg:$0x4] =	wrdreg $0xA8000  }
0xb1: {  	[dreg:$0x5] =	wrdreg $0x9  }
0xb2: {  	_ =	task.clear_ibuf [dreg:s7], $0x6FFFF;
	_ =	strace $0x90000049  }
0xb3: {  	s29 =	simm.s32 $0x9;
	_ =	strace $0x8000004B  }
0xb4: {  	_ =	swait.ge [sflag:s29], $0x1  }
0xb5: {  	[sflag:s29] =	ssyncadd.s32 $0xFFFFFFFF  }
0xb6: {  	_ =	strace $0x9000004B  }
0xb7: {  	_ =	sfence  }
0xb8: {  	s30 =	sld [smem:$0x0];
	_ =	sdelay $0x2  }
0xb9: {  	s31 =	sshll.u32 s1, $0xD;
	s1 =	sshrl.u32 s1, $0x2  }
0xba: {  	s3 =	sand.u32 $0x4000, s31;
	s1 =	sadd.s32 s1, s30  }
0xbb: {  	s0 =	sor.u32 s3, s0;
	s1 =	sshll.u32 s1, $0x11  }
0xbc: {  	s0 =	sor.u32 s1, s0  }
0xbd: {  	s0 =	sadd.s32 $0x8F2B, s0  }
0xbe: {  	[sflag:s0] =	ssyncadd.remote.s32 $0x1  }
0xbf: {  	_ =	sfence.sel $0xFFFF  }
0xc0: {  	[dreg:$0x0] =	wrdreg $0xFFFFFFFF;
	(pc) =	sbr.abs _section_cstart, $3  }
0xc1: {  	[dreg:$0x1] =	wrdreg $0xFFFFFFFF  }
0xc2: {  	_ =	task.clear_ibuf [dreg:s7], $0x2FFFF;
	_ =	strace $0x9FFFFFFF  }
0xc3: {  	(tm) =	ssettm $0x7FFFFFFF  }
tec
execute0_lowered:
.L_overlay_start_1:
0x0: {  	(tag) =	ssettag $0x1  }
0x1: {  	s1 =	rddreg [dreg:$0x0]  }
0x2: {  	s0 =	rddreg [dreg:$0x1]  }
0x3: {  	s3 =	rddreg [dreg:$0x2]  }
0x4: {  	s2 =	srdreg.scid;
	s4 =	simm.s32 $0x0;
	s18 =	stileid.u32  }
0x5: {  	s17 =	simm.s32 $0x4;
	s19 =	simm.s32 $0x400;
	s21 =	simm.s32 $0x80  }
0x6: {  	s28 =	simm.s32 $0x50;
	s2 =	sand.u32 $0x1, s2;
	[smem:$0x7FF] =	sst s4  }
0x7: {  	s5 =	sshll.u32 s18, $0xC;
	s9 =	smul.u32 $0x4E000, s18;
	s11 =	sadd.s32 $0x2BC00, s0  }
0x8: {  	s13 =	sshll.u32 s18, $0x6;
	p1 =	sne.s32 s18, $0xF;
	p2 =	seq.s32 s18, $0xF  }
0x9: {  	s6 =	sshll.u32 s2, $0xB;
	_ =	strace $0x8000004A;
	s7 =	smul.u32 $0x27100, s2  }
0xa: {  	s8 =	ssub.s32 $0x2, s2;
	p0 =	seq.s32 s2, $0x1;
	[dreg:$0x4] =	wrdreg s11  }
0xb: {  	s15 =	sor.u32 $0x1C04, s13;
	s2 =	simm.s32 $0x580;
	s5 =	sor.u32 s6, s5  }
0xc: {  	s10 =	sshrl.u32 s8, $0x1;
	s6 =	smul.u32 $0x2700, s18;
	s25 =	sshrl.u32 s9, $0x2  }
0xd: {  	s9 =	simm.s32 $0x2;
	s5 =	sadd.s32 s5, s0;
	s0 =	sadd.s32 s7, s0  }
0xe: {  	s24 =	ssub.s32 s8, s10;
	s26 =	sadd.s32 s25, s3;
	s8 =	sadd.s32 $0x138000, s3  }
0xf: {  	s25 =	simm.s32 $0x100;
	s7 =	simm.s32 $0x1;
	s29 =	sadd.s32 s1, s6  }
.Ltmp0:
0x10: {  	s30 =	sadd.s32 s11, s6;
	s10 =	sadd.s32 $0x1BC00, s5;
	(pc) =	sbr.rel .LBB2_1-.Ltmp0, $4  }
0x11: {  	s11 =	sadd.s32 $0xBC00, s5;
	s12 =	sadd.s32 $0x52E00, s0;
	[dreg:$0x5] =	wrdreg s29  }
0x12: {  	s14 =	smax.u32 s24, $0x1;
	s31 =	sshrl.u32 s8, $0x3;
	[dreg:$0x6] =	wrdreg s30  }
0x13: {  	s16 =	sshrl.u32 s26, $0x3;
	s5 =	simm.s32 $0x3;
	[dreg:$0x7] =	wrdreg s31  }
0x14: {  	s20 =	sadd.s32 $0x10, s10;
	s22 =	sadd.s32 $0x10, s11;
	s24 =	sadd.s32 $0x20, s10  }
.LBB2_11:
0x15: {  	_ =	swait.ge [sflag:s5], $0x2800  }
0x16: {  	[sflag:s5] =	ssyncset.done $0x0  }
0x17: {  	[sflag:s5] =	ssyncadd.s32 $0xFFFFD800  }
0x18: {  	s0 =	sadd.s32 s6, s12;
	s18 =	sor.u32 $0x1C04, s13;
	[bflag:$0x0] =	sbarrier.arrive $0xFFFF  }
0x19: {  	[hbm:s0], [sflag:s18] =	dma.local [spmem:s16], $0x2700  }
0x1a: {  	_ =	swait.ge [sflag:s17], $0x2700  }
0x1b: {  	s23 =	sshrl.u32 @!p1 s8, $0x3;
	s4 =	sadd.s32 $0x1, s4;
	[sflag:s17] =	ssyncset.done $0x0  }
0x1c: {  	p3 =	sne.s32 s4, s14;
	s0 =	sadd.s32 @!p1 $0x27000, s12;
	[sflag:s17] =	ssyncadd.s32 $0xFFFFD900  }
0x1d: {  	[hbm:s0], [sflag:s18] =	dma.local @!p1 [spmem:s23], $0x100  }
.Ltmp1:
0x1e: {  	_ = 	snop;
	(pc) =	sbr.rel @!p3 .LBB2_12-.Ltmp1, $4  }
0x1f: {  	s0 =	simm.s32 @!p1 $0x4  }
0x20: {  	_ =	swait.ge @!p1 [sflag:s0], $0x100  }
0x21: {  	[sflag:s0] =	ssyncset.done @!p1 $0x0  }
0x22: {  	[sflag:s0] =	ssyncadd.s32 @!p1 $0xFFFFFF00  }
.LBB2_1:
.Ltmp2:
0x23: {  	(pc) =	sbr.rel @!p0 .LBB2_2-.Ltmp2, $1  }
0x24: {  	_ =	sdelay $0x3  }
0x25: {  	s0 =	rddreg [dreg:$0x6]  }
0x26: {  	[spmem:s16], [sflag:s15] =	dma.local [hbm:s0], $0x2700  }
.Ltmp3:
0x27: {  	_ = 	snop;
	(pc) =	sbr.rel @p1 .LBB2_5-.Ltmp3, $4  }
.Ltmp4:
0x28: {  	_ = 	snop;
	(pc) =	sbr.rel @!p1 .LBB2_4-.Ltmp4, $4  }
0x29: {  	_ =	swait.ge [sflag:s17], $0x2700  }
0x2a: {  	[sflag:s17] =	ssyncset.done $0x0  }
0x2b: {  	s18 =	smov.u32 s15;
	s23 =	rddreg [dreg:$0x4];
	[sflag:s17] =	ssyncadd.s32 $0xFFFFD900  }
0x2c: {  	_ = 	snop  }
.LBB2_2:
.Ltmp5:
0x2d: {  	s18 =	sor.u32 $0x1C04, s13;
	s0 =	rddreg [dreg:$0x5];
	(pc) =	sbr.rel @!p2 .LBB2_5-.Ltmp5, $4  }
0x2e: {  	[spmem:s16], [sflag:s18] =	dma.local [hbm:s0], $0x2700  }
0x2f: {  	_ =	swait.ge [sflag:s17], $0x2700  }
0x30: {  	[sflag:s17] =	ssyncset.done $0x0  }
0x31: {  	s23 =	smov.u32 s1;
	[sflag:s17] =	ssyncadd.s32 $0xFFFFD900  }
.LBB2_4:
0x32: {  	s23 =	sadd.s32 $0x27000, s23;
	s0 =	rddreg [dreg:$0x7]  }
0x33: {  	[spmem:s0], [sflag:s18] =	dma.local [hbm:s23], $0x100  }
0x34: {  	_ =	swait.ge [sflag:s17], $0x100  }
0x35: {  	[sflag:s17] =	ssyncset.done $0x0  }
0x36: {  	[sflag:s17] =	ssyncadd.s32 $0xFFFFFF00  }
.LBB2_5:
0x37: {  	[bflag:$0x0] =	sbarrier.arrive $0xFFFF;
	s23 =	simm.s32 $0x0  }
0x38: {  	[tilespmem:s23], [sflag:$0x4] =	stream.linear.gather [hbm4b:s10+s23], $0x80, $0x38;
	[tilespmem:$0x1E080] =	vst v63  }
0x39: {  	_ =	swait.ge [sflag:s17], $0x80  }
0x3a: {  	[sflag:s17] =	ssyncset.done $0x0  }
0x3b: {  	[sflag:s17] =	ssyncadd.s32 $0xFFFFFF80  }
0x3c: {  	[tilespmem:s19], [sflag:$0x4] =	stream.linear.gather [hbm4b:s11+s23], $0x80, $0x38;
	[tilespmem:$0x1E080] =	vst v63  }
0x3d: {  	_ =	swait.ge [sflag:s17], $0x80  }
0x3e: {  	[sflag:s17] =	ssyncset.done $0x0  }
0x3f: {  	[sflag:s17] =	ssyncadd.s32 $0xFFFFFF80  }
0x40: {  	[tilespmem:s21], [sflag:$0x4] =	stream.linear.gather [hbm4b:s20+s23], $0x80, $0x38;
	[tilespmem:$0x1E080] =	vst v63  }
0x41: {  	_ =	swait.ge [sflag:s17], $0x80  }
0x42: {  	[sflag:s17] =	ssyncset.done $0x0  }
0x43: {  	s0 =	simm.s32 $0x480;
	[sflag:s17] =	ssyncadd.s32 $0xFFFFFF80  }
0x44: {  	[tilespmem:s0], [sflag:$0x4] =	stream.linear.gather [hbm4b:s22+s23], $0x80, $0x38;
	[tilespmem:$0x1E080] =	vst v63  }
0x45: {  	_ =	swait.ge [sflag:s17], $0x80  }
0x46: {  	[sflag:s17] =	ssyncset.done $0x0  }
0x47: {  	[sflag:s17] =	ssyncadd.s32 $0xFFFFFF80  }
0x48: {  	[tilespmem:s25], [sflag:$0x4] =	stream.linear.gather [hbm4b:s24+s23], $0x80, $0x38;
	[tilespmem:$0x1E080] =	vst v63  }
0x49: {  	_ =	swait.ge [sflag:s17], $0x80  }
0x4a: {  	[sflag:s17] =	ssyncset.done $0x0  }
0x4b: {  	s18 =	sadd.s32 $0x20, s11;
	s30 =	simm.s32 $0x500;
	[sflag:s17] =	ssyncadd.s32 $0xFFFFFF80  }
0x4c: {  	[tilespmem:s30], [sflag:$0x4] =	stream.linear.gather [hbm4b:s18+s23], $0x80, $0x38;
	[tilespmem:$0x1E080] =	vst v63  }
0x4d: {  	_ =	swait.ge [sflag:s17], $0x80  }
0x4e: {  	[sflag:s17] =	ssyncset.done $0x0  }
0x4f: {  	s31 =	simm.s32 $0x800;
	[sflag:s17] =	ssyncadd.s32 $0xFFFFFF80  }
0x50: {  	[tilespmem:s31], [sflag:$0x1] =	stream.indirect.gather [hbm4b:s1+s28], $0x80, s23, s28, $0xb8;
	[tilespmem:$0x1E080] =	vst v63  }
0x51: {  	s18 =	simm.s32 $0x3000  }
0x52: {  	[tilespmem:s18], [sflag:$0x1] =	stream.indirect.gather [hbm4b:s1+s28], $0x80, s21, s28, $0xb8;
	[tilespmem:$0x1E080] =	vst v63  }
0x53: {  	s26 =	simm.s32 $0x5800  }
0x54: {  	[tilespmem:s26], [sflag:$0x1] =	stream.indirect.gather [hbm4b:s1+s28], $0x80, s25, s28, $0xb8;
	[tilespmem:$0x1E080] =	vst v63  }
.Ltmp6:
0x55: {  	_ = 	snop;
	(pc) =	sbr.rel .LBB2_6-.Ltmp6, $4  }
0x56: {  	s29 =	sadd.s32 $0x30, s10;
	s30 =	simm.s32 $0x180  }
0x57: {  	[tilespmem:s30], [sflag:$0x2] =	stream.linear.gather [hbm4b:s29+s23], $0x80, $0x38;
	[tilespmem:$0x1E080] =	vst v63  }
0x58: {  	s31 =	sadd.s32 $0x30, s11;
	s18 =	sadd.s32 $0x40, s10;
	s26 =	sadd.s32 $0x40, s11  }
0x59: {  	[tilespmem:s2], [sflag:$0x2] =	stream.linear.gather [hbm4b:s31+s23], $0x80, $0x38;
	[tilespmem:$0x1E080] =	vst v63  }
.LBB2_7:
0x5a: {  	[spmem:s3] =	stream.indirect.scatter.add.f32 [tilespmem:s29], [sflag:$0x3], $0x80, s19, s28, $0xb8;
	[tilespmem:$0x1E080] =	vst v63  }
.LBB2_9:
0x5b: {  	s29 =	sadd.s32 $0x3, s23  }
0x5c: {  	p3 =	sgt.u32 s23, $0x78;
	s30 =	smul.u32 $0xAB, s29  }
0x5d: {  	s31 =	sadd.s32 @!p3 $0x4, s23  }
0x5e: {  	_ =	swait.ge [sflag:s9], $0x80;
	s0 =	smul.u32 @!p3 $0xAB, s31;
	s30 =	sshrl.u32 s30, $0xA  }
0x5f: {  	[sflag:s9] =	ssyncset.done $0x0;
	s30 =	sand.u32 $0x3F, s30  }
0x60: {  	[sflag:s9] =	ssyncadd.s32 $0xFFFFFF80;
	s0 =	sshrl.u32 @!p3 s0, $0xA;
	s30 =	smul.u32 $0x6, s30  }
0x61: {  	_ =	swait.ge [sflag:s9], $0x80;
	s0 =	sand.u32 @!p3 $0x3F, s0  }
0x62: {  	s0 =	smul.u32 @!p3 $0x6, s0;
	s30 =	ssub.s32 s29, s30;
	s29 =	sand.u32 $0x3, s29  }
0x63: {  	[sflag:s9] =	ssyncset.done $0x0;
	s29 =	smul.u32 $0xA000, s29  }
0x64: {  	[sflag:s9] =	ssyncadd.s32 $0xFFFFFF80  }
0x65: {  	s30 =	sand.u32 $0xFF, s30;
	s0 =	ssub.s32 @!p3 s31, s0;
	s29 =	sshrl.u32 s29, $0x2  }
0x66: {  	s30 =	sshll.u32 s30, $0x7;
	s0 =	sand.u32 @!p3 $0xFF, s0;
	s29 =	sadd.s32 $0x800, s29  }
0x67: {  	[tilespmem:s29], [sflag:$0x1] =	stream.indirect.gather [hbm4b:s1+s28], $0x80, s30, s28, $0xb8;
	[tilespmem:$0x1E080] =	vst v63  }
0x68: {  	s0 =	sshll.u32 @!p3 s0, $0x7;
	s29 =	simm.s32 @!p3 $0x0  }
0x69: {  	[tilespmem:s0], [sflag:$0x2] =	stream.linear.gather @!p3 [hbm4b:s18+s29], $0x80, $0x38;
	[tilespmem:$0x1E080] =	vst v63  }
0x6a: {  	s0 =	sor.u32 @!p3 $0x400, s0  }
0x6b: {  	[tilespmem:s0], [sflag:$0x2] =	stream.linear.gather @!p3 [hbm4b:s26+s29], $0x80, $0x38;
	[tilespmem:$0x1E080] =	vst v63  }
.LBB2_10:
0x6c: {  	s23 =	sadd.s32 $0x1, s23  }
0x6d: {  	p3 =	sne.s32 s23, $0x7D  }
.Ltmp7:
0x6e: {  	_ = 	snop;
	(pc) =	sbr.rel @!p3 .LBB2_11-.Ltmp7, $2  }
0x6f: {  	_ =	sdelay $0x2  }
0x70: {  	s18 =	sadd.s32 $0x10, s18;
	s26 =	sadd.s32 $0x10, s26  }
.LBB2_6:
0x71: {  	p3 =	sne.s32 s23, $0x0  }
.Ltmp8:
0x72: {  	s29 =	sand.u32 $0x3, s23;
	(pc) =	sbr.rel @!p3 .LBB2_7-.Ltmp8, $4  }
0x73: {  	s29 =	smul.u32 $0xA000, s29  }
0x74: {  	_ =	swait.ge [sflag:s7], $0x2800  }
0x75: {  	[sflag:s7] =	ssyncset.done $0x0;
	s29 =	sshrl.u32 s29, $0x2  }
0x76: {  	[sflag:s7] =	ssyncadd.s32 $0xFFFFD800;
	s29 =	sadd.s32 $0x800, s29  }
0x77: {  	s30 =	smul.u32 $0xAB, s23;
	_ =	sdelay $0x1  }
0x78: {  	s30 =	sshrl.u32 s30, $0xA  }
0x79: {  	s30 =	sand.u32 $0x3F, s30  }
0x7a: {  	s30 =	smul.u32 $0x6, s30  }
0x7b: {  	p3 =	sgt.u32 s23, $0x79  }
.Ltmp9:
0x7c: {  	s30 =	ssub.s32 s23, s30;
	(pc) =	sbr.rel @p3 .LBB2_10-.Ltmp9, $4  }
.Ltmp10:
0x7d: {  	_ =	swait.ge [sflag:s5], $0x2800;
	s30 =	sand.u32 $0xF7, s30;
	(pc) =	sbr.rel @!p3 .LBB2_9-.Ltmp10, $4  }
0x7e: {  	[sflag:s5] =	ssyncset.done $0x0;
	s30 =	sshll.u32 s30, $0x7  }
0x7f: {  	[sflag:s5] =	ssyncadd.s32 $0xFFFFD800;
	s30 =	sor.u32 $0x400, s30  }
0x80: {  	[spmem:s3] =	stream.indirect.scatter.add.f32 [tilespmem:s29], [sflag:$0x3], $0x80, s30, s28, $0xb8;
	[tilespmem:$0x1E080] =	vst v63  }
0x81: {  	_ = 	snop  }
.LBB2_12:
0x82: {  	_ =	sfence.sel $0x180000  }
0x83: {  	[bflag:$0x0] =	sbarrier.arrive $0xFFFF  }
0x84: {  	_ =	strace $0x9000004A  }
0x85: {  	s0 =	stileid.u32;
	[bflag:$0x2] =	sbarrier.arrive $0xFFFF  }
0x86: {  	p0 =	sne.s32 s0, $0x0;
	s0 =	rddreg [dreg:$0x3]  }
0x87: {  	s0 =	sadd.s32 @!p0 $0x100000, s0  }
0x88: {  	[sflag:s0] =	ssyncadd.tile.s32 @!p0 $0x1;
	_ =	shalt  }
.Lfunc_end2:
_tile_overlayer_lowered:
.L_overlay_start_2:
0x89: {  	(tag) =	ssettag $0x2  }
0x8a: {  	s0 =	rddreg [dreg:$0x0];
	s2 =	stileid.u32  }
0x8b: {  	s1 =	rddreg [dreg:$0x1];
	p0 =	sne.s32 s2, $0x0  }
0x8c: {  	s3 =	rddreg [dreg:$0x2];
	[bflag:$0x3] =	sbarrier.arrive $0xFFFF;
	s2 =	simm.s32 @!p0 $0x1C04  }
0x8d: {  	[timem:s3], [sflag:s2] =	dma.local @!p0 [hbm:s0], s1  }
0x8e: {  	s0 =	simm.s32 @!p0 $0x4  }
0x8f: {  	_ =	swait.ge @!p0 [sflag:s0], s1  }
0x90: {  	s1 =	ssub.s32 @!p0 $0x0, s1;
	[sflag:s0] =	ssyncset.done @!p0 $0x0  }
0x91: {  	[sflag:s0] =	ssyncadd.s32 @!p0 s1  }
0x92: {  	[bflag:$0x3] =	sbarrier.arrive $0xFFFF  }
0x93: {  	_ =	shalt  }

// kernel: kernel.14.cloned.1.call-start
scs
__scs_entry_jumppad:
0x0: {  	(pc) =	sbr.rel $0x88, $3  }
0x1: {  	(tag) =	ssettag $0x0;
	lr =	simm.s32 $0x1  }
0x2: {  	[smem:$0x3F9B] =	sst lr;
	_ =	strace $0xD0000000  }
0x3: {  	_ = 	snop  }
0x4: {  	_ = 	snop  }
0x5: {  	_ = 	snop  }
0x6: {  	_ = 	snop  }
0x7: {  	_ = 	snop  }
__scs_overlays_trampoline_lowered:
0x8: {  	[smem:$0x3FAA] =	sst s0  }
0x9: {  	[smem:$0x3FAB] =	sst s1  }
0xa: {  	[smem:$0x3FAC] =	sst s2  }
0xb: {  	[smem:$0x3FAD] =	sst s3  }
0xc: {  	[smem:$0x3FAE] =	sst s4  }
0xd: {  	[smem:$0x3FAF] =	sst s5  }
0xe: {  	[smem:$0x3FB0] =	sst s6  }
0xf: {  	[smem:$0x3FB1] =	sst s7  }
0x10: {  	[smem:$0x3FB2] =	sst s8  }
0x11: {  	[smem:$0x3FB3] =	sst s9;
	s0 =	simm.s32 @!p0 $0x0  }
0x12: {  	s1 =	sld [smem:$0x3F99];
	s0 =	simm.s32 @p0 $0x1  }
0x13: {  	[smem:$0x3FB4] =	sst s0;
	s0 =	simm.s32 @!p1 $0x0  }
0x14: {  	s2 =	sld [smem:$0x3F98];
	s0 =	simm.s32 @p1 $0x1  }
0x15: {  	[smem:$0x3FB5] =	sst s0;
	s0 =	simm.s32 @!p2 $0x0  }
0x16: {  	s3 =	sld [smem:$0x3FDB];
	s0 =	simm.s32 @p2 $0x1  }
0x17: {  	s4 =	simm.s32 $0x1BF5;
	[smem:$0x3FB7] =	sst s0  }
0x18: {  	s0 =	sld [smem:$0x3F9A];
	_ =	swait.ge [sflag:s4], $0x0  }
0x19: {  	s7 =	sld [smem:$0x3F9B]  }
0x1a: {  	s8 =	sadd.s32 $0xFFFFE003, lr  }
0x1b: {  	s9 =	sadd.s32 $0xFFFFFEF7, lr;
	s5 =	simm.s32 $0xFFFFFFFF;
	p2 =	slt.u32 s8, $0xFFFFF086  }
0x1c: {  	p1 =	slt.u32 s9, $0xF7A;
	s5 =	simm.s32 @!p2 $0x0  }
0x1d: {  	s5 =	simm.s32 @p1 $0x1;
	p0 =	seq.s32 s7, s2  }
0x1e: {  	s7 =	smul.u32 @!p0 $0xF7A, s2;
	p2 =	seq.s32 @!p0 s5, $0x0  }
0x1f: {  	s9 =	smul.u32 $0xF7A, s1;
	s8 =	simm.s32 @!p0 $0x1BF5;
	p2 =	por !p2, p0  }
0x20: {  	[sflag:s8] =	ssyncset.s32 @!p0 $0xFFFFF086;
	s6 =	sadd.s32 @!p0 s3, s7;
	s7 =	simm.s32 @!p0 $0x108  }
0x21: {  	s3 =	sadd.s32 s3, s9;
	s6 =	sadd.s32 @!p0 $0x88, s6;
	s7 =	simm.s32 @p2 $0x1082  }
0x22: {  	[simem:s7], [sflag:s8] =	dma.local @!p0 [hbm:s6], $0xF7A  }
0x23: {  	s9 =	sor.u32 $0xD0000000, s2;
	s6 =	simm.s32 $0x108;
	_ =	swait.ge @!p0 [sflag:s8], $0x0  }
0x24: {  	s3 =	sadd.s32 $0x88, s3;
	s6 =	simm.s32 @!p1 $0x1082;
	[sflag:s4] =	ssyncset.s32 $0xFFFFF086  }
0x25: {  	[simem:s6], [sflag:s4] =	dma.local [hbm:s3], $0xF7A  }
0x26: {  	[smem:$0x3F9B] =	sst s1;
	(tag) =	ssettag s2;
	_ =	strace s9  }
0x27: {  	s1 =	sld [smem:$0x3FAB]  }
0x28: {  	s2 =	sld [smem:$0x3FAC]  }
0x29: {  	s4 =	sld [smem:$0x3FAE]  }
0x2a: {  	p0 =	seq.s32 s5, $0x0;
	s5 =	sld [smem:$0x3FAF]  }
0x2b: {  	s6 =	sld [smem:$0x3FB0]  }
0x2c: {  	s7 =	sld [smem:$0x3FB1]  }
0x2d: {  	s3 =	simm.s32 $0x108;
	s8 =	sld [smem:$0x3FB2]  }
0x2e: {  	s3 =	simm.s32 @!p0 $0x1082;
	s9 =	sld [smem:$0x3FB3]  }
0x2f: {  	lr =	sadd.s32 s0, s3;
	s0 =	sld [smem:$0x3FAA]  }
0x30: {  	s3 =	sld [smem:$0x3FAD]  }
0x31: {  	[smem:$0x3FB6] =	sst s10  }
0x32: {  	s10 =	sld [smem:$0x3FB4];
	_ =	sdelay $0x3  }
0x33: {  	p0 =	seq.s32 s10, $0x1;
	s10 =	sld [smem:$0x3FB6];
	_ =	sdelay $0x3  }
0x34: {  	[smem:$0x3FB6] =	sst s10  }
0x35: {  	s10 =	sld [smem:$0x3FB5];
	_ =	sdelay $0x3  }
0x36: {  	p1 =	seq.s32 s10, $0x1;
	s10 =	sld [smem:$0x3FB6];
	_ =	sdelay $0x3  }
0x37: {  	[smem:$0x3FB6] =	sst s10  }
0x38: {  	s10 =	sld [smem:$0x3FB7]  }
0x39: {  	_ = 	snop;
	(pc) =	sbr.ind lr, $3  }
0x3a: {  	_ = 	snop  }
0x3b: {  	_ = 	snop  }
0x3c: {  	p2 =	seq.s32 s10, $0x1;
	s10 =	sld [smem:$0x3FB6]  }
0x3d: {  	_ =	shalt  }
0x3e: {  	_ =	shalt  }
0x3f: {  	_ =	shalt  }
0x40: {  	_ =	shalt  }
0x41: {  	_ =	shalt  }
0x42: {  	_ =	shalt  }
0x43: {  	_ =	shalt  }
0x44: {  	_ =	shalt  }
0x45: {  	_ =	shalt  }
0x46: {  	_ =	shalt  }
0x47: {  	_ =	shalt  }
0x48: {  	_ =	shalt  }
0x49: {  	_ =	shalt  }
0x4a: {  	_ =	shalt  }
0x4b: {  	_ =	shalt  }
0x4c: {  	_ =	shalt  }
0x4d: {  	_ =	shalt  }
0x4e: {  	_ =	shalt  }
0x4f: {  	_ =	shalt  }
0x50: {  	_ =	shalt  }
0x51: {  	_ =	shalt  }
0x52: {  	_ =	shalt  }
0x53: {  	_ =	shalt  }
0x54: {  	_ =	shalt  }
0x55: {  	_ =	shalt  }
0x56: {  	_ =	shalt  }
0x57: {  	_ =	shalt  }
0x58: {  	_ =	shalt  }
0x59: {  	_ =	shalt  }
0x5a: {  	_ =	shalt  }
0x5b: {  	_ =	shalt  }
0x5c: {  	_ =	shalt  }
0x5d: {  	_ =	shalt  }
0x5e: {  	_ =	shalt  }
0x5f: {  	_ =	shalt  }
0x60: {  	_ =	shalt  }
0x61: {  	_ =	shalt  }
0x62: {  	_ =	shalt  }
0x63: {  	_ =	shalt  }
0x64: {  	_ =	shalt  }
0x65: {  	_ =	shalt  }
0x66: {  	_ =	shalt  }
0x67: {  	_ =	shalt  }
0x68: {  	_ =	shalt  }
0x69: {  	_ =	shalt  }
0x6a: {  	_ =	shalt  }
0x6b: {  	_ =	shalt  }
0x6c: {  	_ =	shalt  }
0x6d: {  	_ =	shalt  }
0x6e: {  	_ =	shalt  }
0x6f: {  	_ =	shalt  }
0x70: {  	_ =	shalt  }
0x71: {  	_ =	shalt  }
0x72: {  	_ =	shalt  }
0x73: {  	_ =	shalt  }
0x74: {  	_ =	shalt  }
0x75: {  	_ =	shalt  }
0x76: {  	_ =	shalt  }
0x77: {  	_ =	shalt  }
0x78: {  	_ =	shalt  }
0x79: {  	_ =	shalt  }
0x7a: {  	_ =	shalt  }
0x7b: {  	_ =	shalt  }
0x7c: {  	_ =	shalt  }
0x7d: {  	_ =	shalt  }
0x7e: {  	_ =	shalt  }
0x7f: {  	_ =	shalt  }
0x80: {  	_ =	shalt  }
0x81: {  	_ =	shalt  }
0x82: {  	_ =	shalt  }
0x83: {  	_ =	shalt  }
0x84: {  	_ =	shalt  }
0x85: {  	_ =	shalt  }
0x86: {  	_ =	shalt  }
0x87: {  	_ =	shalt  }
.Lfunc_end0:
.L_simem_size_0:
called_computation.2_lowered:
.L_overlay_start_0:
0x88: {  	s2 =	sld [smem:$0x3FD9]  }
0x89: {  	s3 =	sld [smem:$0x3FFE];
	_ =	sdelay $0x1  }
0x8a: {  	s1 =	srdreg.scid  }
0x8b: {  	s0 =	sand.u32 $0x1, s1  }
0x8c: {  	s17 =	sshll.u32 s0, $0xA;
	s2 =	sadd.s32 s3, s2  }
0x8d: {  	s2 =	sadd.s32 s2, s17  }
0x8e: {  	[smem:$0x3FC2] =	sst s2  }
0x8f: {  	_ = 	snop  }
0x90: {  	s2 =	sld [smem:$0x3FD0];
	(tm) =	ssettm $0x1  }
0x91: {  	s18 =	sld [smem:$0x3FFB];
	_ =	sdelay $0x3  }
0x92: {  	_ =	strace s18  }
0x93: {  	s3 =	sld [smem:$0x3FFC];
	_ =	sdelay $0x3  }
0x94: {  	_ =	strace s3  }
0x95: {  	s3 =	sld [smem:$0x3FFD];
	_ =	sdelay $0x3  }
0x96: {  	_ =	strace s3  }
0x97: {  	_ =	strace $0x8FFFFFFF  }
0x98: {  	s19 =	sld [smem:$0x3FDB];
	_ =	sdelay $0x1  }
0x99: {  	s4 =	simm.s32 $_scs_section_size  }
0x9a: {  	s5 =	simm.s32 $_size__tile_overlayer_lowered;
	s6 =	simm.s32 $_tile_overlayer_lowered  }
0x9b: {  	s22 =	simm.s32 $0x1BFF;
	s21 =	sshll.u32 s6, $0x1;
	s3 =	sadd.s32 s4, s19  }
0x9c: {  	s7 =	simm.s32 $0x0;
	s20 =	sshll.u32 s5, $0x1;
	s5 =	sadd.s32 s21, s3  }
0x9d: {  	[timem:s7], [sflag:s22] =	dma.local [hbm:s5], s20  }
0x9e: {  	_ =	swait.ge [sflag:s22], s20  }
0x9f: {  	s4 =	ssub.s32 $0x0, s20;
	[sflag:s22] =	ssyncset.done $0x0  }
0xa0: {  	[sflag:s22] =	ssyncadd.s32 s4;
	_ =	sdelay $0x1  }
0xa1: {  	s23 =	simm.s32 $0x1B8B  }
0xa2: {  	_ =	swait.ge [sflag:s23], $0x1  }
0xa3: {  	[sflag:s23] =	ssyncset.done $0x0  }
0xa4: {  	s25 =	simm.s32 $0x1B8E;
	s24 =	sld [smem:$0x3FFE];
	[sflag:s23] =	ssyncadd.s32 $0xFFFFFFFF  }
0xa5: {  	s26 =	simm.s32 $execute0_lowered;
	[smem:$0x3FD2] =	sst s25  }
0xa6: {  	s5 =	sshll.u32 s26, $0x1;
	_ =	strace $0x8000004C;
	[dreg:$0x1] =	wrdreg $0xFFFFFFFF  }
0xa7: {  	s28 =	simm.s32 $_size_execute0_lowered;
	s3 =	sadd.s32 s3, s5;
	[dreg:$0x0] =	wrdreg $0x0  }
0xa8: {  	s5 =	sshll.u32 s28, $0x1;
	[dreg:$0x2] =	wrdreg s3  }
0xa9: {  	[dreg:$0x3] =	wrdreg s5  }
0xaa: {  	[dreg:$0x4] =	wrdreg $0xC0  }
0xab: {  	_ =	task [dreg:s7], $0x5FFFF  }
0xac: {  	[dreg:$0x1] =	wrdreg $0xFFFFFFFF  }
0xad: {  	[dreg:$0x0] =	wrdreg $0x60  }
0xae: {  	[dreg:$0x2] =	wrdreg s2  }
0xaf: {  	[dreg:$0x3] =	wrdreg s24  }
0xb0: {  	[dreg:$0x4] =	wrdreg $0xA8000  }
0xb1: {  	[dreg:$0x5] =	wrdreg $0x9  }
0xb2: {  	_ =	task.clear_ibuf [dreg:s7], $0x6FFFF;
	_ =	strace $0x9000004C  }
0xb3: {  	s29 =	simm.s32 $0x9;
	_ =	strace $0x8000004E  }
0xb4: {  	_ =	swait.ge [sflag:s29], $0x1  }
0xb5: {  	[sflag:s29] =	ssyncadd.s32 $0xFFFFFFFF  }
0xb6: {  	_ =	strace $0x9000004E  }
0xb7: {  	_ =	sfence  }
0xb8: {  	s30 =	sld [smem:$0x0];
	_ =	sdelay $0x2  }
0xb9: {  	s31 =	sshll.u32 s1, $0xD;
	s1 =	sshrl.u32 s1, $0x2  }
0xba: {  	s3 =	sand.u32 $0x4000, s31;
	s1 =	sadd.s32 s1, s30  }
0xbb: {  	s0 =	sor.u32 s3, s0;
	s1 =	sshll.u32 s1, $0x11  }
0xbc: {  	s0 =	sor.u32 s1, s0  }
0xbd: {  	s0 =	sadd.s32 $0x8F2B, s0  }
0xbe: {  	[sflag:s0] =	ssyncadd.remote.s32 $0x1  }
0xbf: {  	_ =	sfence.sel $0xFFFF  }
0xc0: {  	[dreg:$0x0] =	wrdreg $0xFFFFFFFF;
	(pc) =	sbr.abs _section_cstart, $3  }
0xc1: {  	[dreg:$0x1] =	wrdreg $0xFFFFFFFF  }
0xc2: {  	_ =	task.clear_ibuf [dreg:s7], $0x2FFFF;
	_ =	strace $0x9FFFFFFF  }
0xc3: {  	(tm) =	ssettm $0x7FFFFFFF  }
tec
execute0_lowered:
.L_overlay_start_1:
0x0: {  	(tag) =	ssettag $0x1  }
0x1: {  	s1 =	rddreg [dreg:$0x0]  }
0x2: {  	s0 =	rddreg [dreg:$0x1]  }
0x3: {  	s3 =	rddreg [dreg:$0x2]  }
0x4: {  	s2 =	srdreg.scid;
	s4 =	simm.s32 $0x0;
	s18 =	stileid.u32  }
0x5: {  	s17 =	simm.s32 $0x4;
	s19 =	simm.s32 $0x400;
	s21 =	simm.s32 $0x80  }
0x6: {  	s28 =	simm.s32 $0x50;
	s2 =	sand.u32 $0x1, s2;
	[smem:$0x7FF] =	sst s4  }
0x7: {  	s5 =	sshll.u32 s18, $0xC;
	s9 =	smul.u32 $0x4E000, s18;
	s11 =	sadd.s32 $0x2BC00, s0  }
0x8: {  	s13 =	sshll.u32 s18, $0x6;
	p1 =	sne.s32 s18, $0xF;
	p2 =	seq.s32 s18, $0xF  }
0x9: {  	s6 =	sshll.u32 s2, $0xB;
	_ =	strace $0x8000004D;
	s7 =	smul.u32 $0x27100, s2  }
0xa: {  	s8 =	ssub.s32 $0x2, s2;
	p0 =	seq.s32 s2, $0x1;
	[dreg:$0x4] =	wrdreg s11  }
0xb: {  	s15 =	sor.u32 $0x1C04, s13;
	s2 =	simm.s32 $0x580;
	s5 =	sor.u32 s6, s5  }
0xc: {  	s10 =	sshrl.u32 s8, $0x1;
	s6 =	smul.u32 $0x2700, s18;
	s25 =	sshrl.u32 s9, $0x2  }
0xd: {  	s9 =	simm.s32 $0x2;
	s5 =	sadd.s32 s5, s0;
	s0 =	sadd.s32 s7, s0  }
0xe: {  	s24 =	ssub.s32 s8, s10;
	s26 =	sadd.s32 s25, s3;
	s8 =	sadd.s32 $0x138000, s3  }
0xf: {  	s25 =	simm.s32 $0x100;
	s7 =	simm.s32 $0x1;
	s29 =	sadd.s32 s1, s6  }
.Ltmp0:
0x10: {  	s30 =	sadd.s32 s11, s6;
	s10 =	sadd.s32 $0x1BC00, s5;
	(pc) =	sbr.rel .LBB2_1-.Ltmp0, $4  }
0x11: {  	s11 =	sadd.s32 $0xBC00, s5;
	s12 =	sadd.s32 $0x52E00, s0;
	[dreg:$0x5] =	wrdreg s29  }
0x12: {  	s14 =	smax.u32 s24, $0x1;
	s31 =	sshrl.u32 s8, $0x3;
	[dreg:$0x6] =	wrdreg s30  }
0x13: {  	s16 =	sshrl.u32 s26, $0x3;
	s5 =	simm.s32 $0x3;
	[dreg:$0x7] =	wrdreg s31  }
0x14: {  	s20 =	sadd.s32 $0x10, s10;
	s22 =	sadd.s32 $0x10, s11;
	s24 =	sadd.s32 $0x20, s10  }
.LBB2_11:
0x15: {  	_ =	swait.ge [sflag:s5], $0x2800  }
0x16: {  	[sflag:s5] =	ssyncset.done $0x0  }
0x17: {  	[sflag:s5] =	ssyncadd.s32 $0xFFFFD800  }
0x18: {  	s0 =	sadd.s32 s6, s12;
	s18 =	sor.u32 $0x1C04, s13;
	[bflag:$0x0] =	sbarrier.arrive $0xFFFF  }
0x19: {  	[hbm:s0], [sflag:s18] =	dma.local [spmem:s16], $0x2700  }
0x1a: {  	_ =	swait.ge [sflag:s17], $0x2700  }
0x1b: {  	s23 =	sshrl.u32 @!p1 s8, $0x3;
	s4 =	sadd.s32 $0x1, s4;
	[sflag:s17] =	ssyncset.done $0x0  }
0x1c: {  	p3 =	sne.s32 s4, s14;
	s0 =	sadd.s32 @!p1 $0x27000, s12;
	[sflag:s17] =	ssyncadd.s32 $0xFFFFD900  }
0x1d: {  	[hbm:s0], [sflag:s18] =	dma.local @!p1 [spmem:s23], $0x100  }
.Ltmp1:
0x1e: {  	_ = 	snop;
	(pc) =	sbr.rel @!p3 .LBB2_12-.Ltmp1, $4  }
0x1f: {  	s0 =	simm.s32 @!p1 $0x4  }
0x20: {  	_ =	swait.ge @!p1 [sflag:s0], $0x100  }
0x21: {  	[sflag:s0] =	ssyncset.done @!p1 $0x0  }
0x22: {  	[sflag:s0] =	ssyncadd.s32 @!p1 $0xFFFFFF00  }
.LBB2_1:
.Ltmp2:
0x23: {  	(pc) =	sbr.rel @!p0 .LBB2_2-.Ltmp2, $1  }
0x24: {  	_ =	sdelay $0x3  }
0x25: {  	s0 =	rddreg [dreg:$0x6]  }
0x26: {  	[spmem:s16], [sflag:s15] =	dma.local [hbm:s0], $0x2700  }
.Ltmp3:
0x27: {  	_ = 	snop;
	(pc) =	sbr.rel @p1 .LBB2_5-.Ltmp3, $4  }
.Ltmp4:
0x28: {  	_ = 	snop;
	(pc) =	sbr.rel @!p1 .LBB2_4-.Ltmp4, $4  }
0x29: {  	_ =	swait.ge [sflag:s17], $0x2700  }
0x2a: {  	[sflag:s17] =	ssyncset.done $0x0  }
0x2b: {  	s18 =	smov.u32 s15;
	s23 =	rddreg [dreg:$0x4];
	[sflag:s17] =	ssyncadd.s32 $0xFFFFD900  }
0x2c: {  	_ = 	snop  }
.LBB2_2:
.Ltmp5:
0x2d: {  	s18 =	sor.u32 $0x1C04, s13;
	s0 =	rddreg [dreg:$0x5];
	(pc) =	sbr.rel @!p2 .LBB2_5-.Ltmp5, $4  }
0x2e: {  	[spmem:s16], [sflag:s18] =	dma.local [hbm:s0], $0x2700  }
0x2f: {  	_ =	swait.ge [sflag:s17], $0x2700  }
0x30: {  	[sflag:s17] =	ssyncset.done $0x0  }
0x31: {  	s23 =	smov.u32 s1;
	[sflag:s17] =	ssyncadd.s32 $0xFFFFD900  }
.LBB2_4:
0x32: {  	s23 =	sadd.s32 $0x27000, s23;
	s0 =	rddreg [dreg:$0x7]  }
0x33: {  	[spmem:s0], [sflag:s18] =	dma.local [hbm:s23], $0x100  }
0x34: {  	_ =	swait.ge [sflag:s17], $0x100  }
0x35: {  	[sflag:s17] =	ssyncset.done $0x0  }
0x36: {  	[sflag:s17] =	ssyncadd.s32 $0xFFFFFF00  }
.LBB2_5:
0x37: {  	[bflag:$0x0] =	sbarrier.arrive $0xFFFF;
	s23 =	simm.s32 $0x0  }
0x38: {  	[tilespmem:s23], [sflag:$0x4] =	stream.linear.gather [hbm4b:s10+s23], $0x80, $0x38;
	[tilespmem:$0x1E080] =	vst v63  }
0x39: {  	_ =	swait.ge [sflag:s17], $0x80  }
0x3a: {  	[sflag:s17] =	ssyncset.done $0x0  }
0x3b: {  	[sflag:s17] =	ssyncadd.s32 $0xFFFFFF80  }
0x3c: {  	[tilespmem:s19], [sflag:$0x4] =	stream.linear.gather [hbm4b:s11+s23], $0x80, $0x38;
	[tilespmem:$0x1E080] =	vst v63  }
0x3d: {  	_ =	swait.ge [sflag:s17], $0x80  }
0x3e: {  	[sflag:s17] =	ssyncset.done $0x0  }
0x3f: {  	[sflag:s17] =	ssyncadd.s32 $0xFFFFFF80  }
0x40: {  	[tilespmem:s21], [sflag:$0x4] =	stream.linear.gather [hbm4b:s20+s23], $0x80, $0x38;
	[tilespmem:$0x1E080] =	vst v63  }
0x41: {  	_ =	swait.ge [sflag:s17], $0x80  }
0x42: {  	[sflag:s17] =	ssyncset.done $0x0  }
0x43: {  	s0 =	simm.s32 $0x480;
	[sflag:s17] =	ssyncadd.s32 $0xFFFFFF80  }
0x44: {  	[tilespmem:s0], [sflag:$0x4] =	stream.linear.gather [hbm4b:s22+s23], $0x80, $0x38;
	[tilespmem:$0x1E080] =	vst v63  }
0x45: {  	_ =	swait.ge [sflag:s17], $0x80  }
0x46: {  	[sflag:s17] =	ssyncset.done $0x0  }
0x47: {  	[sflag:s17] =	ssyncadd.s32 $0xFFFFFF80  }
0x48: {  	[tilespmem:s25], [sflag:$0x4] =	stream.linear.gather [hbm4b:s24+s23], $0x80, $0x38;
	[tilespmem:$0x1E080] =	vst v63  }
0x49: {  	_ =	swait.ge [sflag:s17], $0x80  }
0x4a: {  	[sflag:s17] =	ssyncset.done $0x0  }
0x4b: {  	s18 =	sadd.s32 $0x20, s11;
	s30 =	simm.s32 $0x500;
	[sflag:s17] =	ssyncadd.s32 $0xFFFFFF80  }
0x4c: {  	[tilespmem:s30], [sflag:$0x4] =	stream.linear.gather [hbm4b:s18+s23], $0x80, $0x38;
	[tilespmem:$0x1E080] =	vst v63  }
0x4d: {  	_ =	swait.ge [sflag:s17], $0x80  }
0x4e: {  	[sflag:s17] =	ssyncset.done $0x0  }
0x4f: {  	s31 =	simm.s32 $0x800;
	[sflag:s17] =	ssyncadd.s32 $0xFFFFFF80  }
0x50: {  	[tilespmem:s31], [sflag:$0x1] =	stream.indirect.gather [hbm4b:s1+s28], $0x80, s23, s28, $0xb8;
	[tilespmem:$0x1E080] =	vst v63  }
0x51: {  	s18 =	simm.s32 $0x3000  }
0x52: {  	[tilespmem:s18], [sflag:$0x1] =	stream.indirect.gather [hbm4b:s1+s28], $0x80, s21, s28, $0xb8;
	[tilespmem:$0x1E080] =	vst v63  }
0x53: {  	s26 =	simm.s32 $0x5800  }
0x54: {  	[tilespmem:s26], [sflag:$0x1] =	stream.indirect.gather [hbm4b:s1+s28], $0x80, s25, s28, $0xb8;
	[tilespmem:$0x1E080] =	vst v63  }
.Ltmp6:
0x55: {  	_ = 	snop;
	(pc) =	sbr.rel .LBB2_6-.Ltmp6, $4  }
0x56: {  	s29 =	sadd.s32 $0x30, s10;
	s30 =	simm.s32 $0x180  }
0x57: {  	[tilespmem:s30], [sflag:$0x2] =	stream.linear.gather [hbm4b:s29+s23], $0x80, $0x38;
	[tilespmem:$0x1E080] =	vst v63  }
0x58: {  	s31 =	sadd.s32 $0x30, s11;
	s18 =	sadd.s32 $0x40, s10;
	s26 =	sadd.s32 $0x40, s11  }
0x59: {  	[tilespmem:s2], [sflag:$0x2] =	stream.linear.gather [hbm4b:s31+s23], $0x80, $0x38;
	[tilespmem:$0x1E080] =	vst v63  }
.LBB2_7:
0x5a: {  	[spmem:s3] =	stream.indirect.scatter.add.f32 [tilespmem:s29], [sflag:$0x3], $0x80, s19, s28, $0xb8;
	[tilespmem:$0x1E080] =	vst v63  }
.LBB2_9:
0x5b: {  	s29 =	sadd.s32 $0x3, s23  }
0x5c: {  	p3 =	sgt.u32 s23, $0x78;
	s30 =	smul.u32 $0xAB, s29  }
0x5d: {  	s31 =	sadd.s32 @!p3 $0x4, s23  }
0x5e: {  	_ =	swait.ge [sflag:s9], $0x80;
	s0 =	smul.u32 @!p3 $0xAB, s31;
	s30 =	sshrl.u32 s30, $0xA  }
0x5f: {  	[sflag:s9] =	ssyncset.done $0x0;
	s30 =	sand.u32 $0x3F, s30  }
0x60: {  	[sflag:s9] =	ssyncadd.s32 $0xFFFFFF80;
	s0 =	sshrl.u32 @!p3 s0, $0xA;
	s30 =	smul.u32 $0x6, s30  }
0x61: {  	_ =	swait.ge [sflag:s9], $0x80;
	s0 =	sand.u32 @!p3 $0x3F, s0  }
0x62: {  	s0 =	smul.u32 @!p3 $0x6, s0;
	s30 =	ssub.s32 s29, s30;
	s29 =	sand.u32 $0x3, s29  }
0x63: {  	[sflag:s9] =	ssyncset.done $0x0;
	s29 =	smul.u32 $0xA000, s29  }
0x64: {  	[sflag:s9] =	ssyncadd.s32 $0xFFFFFF80  }
0x65: {  	s30 =	sand.u32 $0xFF, s30;
	s0 =	ssub.s32 @!p3 s31, s0;
	s29 =	sshrl.u32 s29, $0x2  }
0x66: {  	s30 =	sshll.u32 s30, $0x7;
	s0 =	sand.u32 @!p3 $0xFF, s0;
	s29 =	sadd.s32 $0x800, s29  }
0x67: {  	[tilespmem:s29], [sflag:$0x1] =	stream.indirect.gather [hbm4b:s1+s28], $0x80, s30, s28, $0xb8;
	[tilespmem:$0x1E080] =	vst v63  }
0x68: {  	s0 =	sshll.u32 @!p3 s0, $0x7;
	s29 =	simm.s32 @!p3 $0x0  }
0x69: {  	[tilespmem:s0], [sflag:$0x2] =	stream.linear.gather @!p3 [hbm4b:s18+s29], $0x80, $0x38;
	[tilespmem:$0x1E080] =	vst v63  }
0x6a: {  	s0 =	sor.u32 @!p3 $0x400, s0  }
0x6b: {  	[tilespmem:s0], [sflag:$0x2] =	stream.linear.gather @!p3 [hbm4b:s26+s29], $0x80, $0x38;
	[tilespmem:$0x1E080] =	vst v63  }
.LBB2_10:
0x6c: {  	s23 =	sadd.s32 $0x1, s23  }
0x6d: {  	p3 =	sne.s32 s23, $0x7D  }
.Ltmp7:
0x6e: {  	_ = 	snop;
	(pc) =	sbr.rel @!p3 .LBB2_11-.Ltmp7, $2  }
0x6f: {  	_ =	sdelay $0x2  }
0x70: {  	s18 =	sadd.s32 $0x10, s18;
	s26 =	sadd.s32 $0x10, s26  }
.LBB2_6:
0x71: {  	p3 =	sne.s32 s23, $0x0  }
.Ltmp8:
0x72: {  	s29 =	sand.u32 $0x3, s23;
	(pc) =	sbr.rel @!p3 .LBB2_7-.Ltmp8, $4  }
0x73: {  	s29 =	smul.u32 $0xA000, s29  }
0x74: {  	_ =	swait.ge [sflag:s7], $0x2800  }
0x75: {  	[sflag:s7] =	ssyncset.done $0x0;
	s29 =	sshrl.u32 s29, $0x2  }
0x76: {  	[sflag:s7] =	ssyncadd.s32 $0xFFFFD800;
	s29 =	sadd.s32 $0x800, s29  }
0x77: {  	s30 =	smul.u32 $0xAB, s23;
	_ =	sdelay $0x1  }
0x78: {  	s30 =	sshrl.u32 s30, $0xA  }
0x79: {  	s30 =	sand.u32 $0x3F, s30  }
0x7a: {  	s30 =	smul.u32 $0x6, s30  }
0x7b: {  	p3 =	sgt.u32 s23, $0x79  }
.Ltmp9:
0x7c: {  	s30 =	ssub.s32 s23, s30;
	(pc) =	sbr.rel @p3 .LBB2_10-.Ltmp9, $4  }
.Ltmp10:
0x7d: {  	_ =	swait.ge [sflag:s5], $0x2800;
	s30 =	sand.u32 $0xF7, s30;
	(pc) =	sbr.rel @!p3 .LBB2_9-.Ltmp10, $4  }
0x7e: {  	[sflag:s5] =	ssyncset.done $0x0;
	s30 =	sshll.u32 s30, $0x7  }
0x7f: {  	[sflag:s5] =	ssyncadd.s32 $0xFFFFD800;
	s30 =	sor.u32 $0x400, s30  }
0x80: {  	[spmem:s3] =	stream.indirect.scatter.add.f32 [tilespmem:s29], [sflag:$0x3], $0x80, s30, s28, $0xb8;
	[tilespmem:$0x1E080] =	vst v63  }
0x81: {  	_ = 	snop  }
.LBB2_12:
0x82: {  	_ =	sfence.sel $0x180000  }
0x83: {  	[bflag:$0x0] =	sbarrier.arrive $0xFFFF  }
0x84: {  	_ =	strace $0x9000004D  }
0x85: {  	s0 =	stileid.u32;
	[bflag:$0x2] =	sbarrier.arrive $0xFFFF  }
0x86: {  	p0 =	sne.s32 s0, $0x0;
	s0 =	rddreg [dreg:$0x3]  }
0x87: {  	s0 =	sadd.s32 @!p0 $0x100000, s0  }
0x88: {  	[sflag:s0] =	ssyncadd.tile.s32 @!p0 $0x1;
	_ =	shalt  }
.Lfunc_end2:
_tile_overlayer_lowered:
.L_overlay_start_2:
0x89: {  	(tag) =	ssettag $0x2  }
0x8a: {  	s0 =	rddreg [dreg:$0x0];
	s2 =	stileid.u32  }
0x8b: {  	s1 =	rddreg [dreg:$0x1];
	p0 =	sne.s32 s2, $0x0  }
0x8c: {  	s3 =	rddreg [dreg:$0x2];
	[bflag:$0x3] =	sbarrier.arrive $0xFFFF;
	s2 =	simm.s32 @!p0 $0x1C04  }
0x8d: {  	[timem:s3], [sflag:s2] =	dma.local @!p0 [hbm:s0], s1  }
0x8e: {  	s0 =	simm.s32 @!p0 $0x4  }
0x8f: {  	_ =	swait.ge @!p0 [sflag:s0], s1  }
0x90: {  	s1 =	ssub.s32 @!p0 $0x0, s1;
	[sflag:s0] =	ssyncset.done @!p0 $0x0  }
0x91: {  	[sflag:s0] =	ssyncadd.s32 @!p0 s1  }
0x92: {  	[bflag:$0x3] =	sbarrier.arrive $0xFFFF  }
0x93: {  	_ =	shalt  }

// kernel: kernel.8.cloned.1.call-start
scs
__scs_entry_jumppad:
0x0: {  	(pc) =	sbr.rel $0x88, $3  }
0x1: {  	(tag) =	ssettag $0x0;
	lr =	simm.s32 $0x1  }
0x2: {  	[smem:$0x3F9B] =	sst lr;
	_ =	strace $0xD0000000  }
0x3: {  	_ = 	snop  }
0x4: {  	_ = 	snop  }
0x5: {  	_ = 	snop  }
0x6: {  	_ = 	snop  }
0x7: {  	_ = 	snop  }
__scs_overlays_trampoline_lowered:
0x8: {  	[smem:$0x3FAA] =	sst s0  }
0x9: {  	[smem:$0x3FAB] =	sst s1  }
0xa: {  	[smem:$0x3FAC] =	sst s2  }
0xb: {  	[smem:$0x3FAD] =	sst s3  }
0xc: {  	[smem:$0x3FAE] =	sst s4  }
0xd: {  	[smem:$0x3FAF] =	sst s5  }
0xe: {  	[smem:$0x3FB0] =	sst s6  }
0xf: {  	[smem:$0x3FB1] =	sst s7  }
0x10: {  	[smem:$0x3FB2] =	sst s8  }
0x11: {  	[smem:$0x3FB3] =	sst s9;
	s0 =	simm.s32 @!p0 $0x0  }
0x12: {  	s1 =	sld [smem:$0x3F99];
	s0 =	simm.s32 @p0 $0x1  }
0x13: {  	[smem:$0x3FB4] =	sst s0;
	s0 =	simm.s32 @!p1 $0x0  }
0x14: {  	s2 =	sld [smem:$0x3F98];
	s0 =	simm.s32 @p1 $0x1  }
0x15: {  	[smem:$0x3FB5] =	sst s0;
	s0 =	simm.s32 @!p2 $0x0  }
0x16: {  	s3 =	sld [smem:$0x3FDB];
	s0 =	simm.s32 @p2 $0x1  }
0x17: {  	s4 =	simm.s32 $0x1BF5;
	[smem:$0x3FB7] =	sst s0  }
0x18: {  	s0 =	sld [smem:$0x3F9A];
	_ =	swait.ge [sflag:s4], $0x0  }
0x19: {  	s7 =	sld [smem:$0x3F9B]  }
0x1a: {  	s8 =	sadd.s32 $0xFFFFE003, lr  }
0x1b: {  	s9 =	sadd.s32 $0xFFFFFEF7, lr;
	s5 =	simm.s32 $0xFFFFFFFF;
	p2 =	slt.u32 s8, $0xFFFFF086  }
0x1c: {  	p1 =	slt.u32 s9, $0xF7A;
	s5 =	simm.s32 @!p2 $0x0  }
0x1d: {  	s5 =	simm.s32 @p1 $0x1;
	p0 =	seq.s32 s7, s2  }
0x1e: {  	s7 =	smul.u32 @!p0 $0xF7A, s2;
	p2 =	seq.s32 @!p0 s5, $0x0  }
0x1f: {  	s9 =	smul.u32 $0xF7A, s1;
	s8 =	simm.s32 @!p0 $0x1BF5;
	p2 =	por !p2, p0  }
0x20: {  	[sflag:s8] =	ssyncset.s32 @!p0 $0xFFFFF086;
	s6 =	sadd.s32 @!p0 s3, s7;
	s7 =	simm.s32 @!p0 $0x108  }
0x21: {  	s3 =	sadd.s32 s3, s9;
	s6 =	sadd.s32 @!p0 $0x88, s6;
	s7 =	simm.s32 @p2 $0x1082  }
0x22: {  	[simem:s7], [sflag:s8] =	dma.local @!p0 [hbm:s6], $0xF7A  }
0x23: {  	s9 =	sor.u32 $0xD0000000, s2;
	s6 =	simm.s32 $0x108;
	_ =	swait.ge @!p0 [sflag:s8], $0x0  }
0x24: {  	s3 =	sadd.s32 $0x88, s3;
	s6 =	simm.s32 @!p1 $0x1082;
	[sflag:s4] =	ssyncset.s32 $0xFFFFF086  }
0x25: {  	[simem:s6], [sflag:s4] =	dma.local [hbm:s3], $0xF7A  }
0x26: {  	[smem:$0x3F9B] =	sst s1;
	(tag) =	ssettag s2;
	_ =	strace s9  }
0x27: {  	s1 =	sld [smem:$0x3FAB]  }
0x28: {  	s2 =	sld [smem:$0x3FAC]  }
0x29: {  	s4 =	sld [smem:$0x3FAE]  }
0x2a: {  	p0 =	seq.s32 s5, $0x0;
	s5 =	sld [smem:$0x3FAF]  }
0x2b: {  	s6 =	sld [smem:$0x3FB0]  }
0x2c: {  	s7 =	sld [smem:$0x3FB1]  }
0x2d: {  	s3 =	simm.s32 $0x108;
	s8 =	sld [smem:$0x3FB2]  }
0x2e: {  	s3 =	simm.s32 @!p0 $0x1082;
	s9 =	sld [smem:$0x3FB3]  }
0x2f: {  	lr =	sadd.s32 s0, s3;
	s0 =	sld [smem:$0x3FAA]  }
0x30: {  	s3 =	sld [smem:$0x3FAD]  }
0x31: {  	[smem:$0x3FB6] =	sst s10  }
0x32: {  	s10 =	sld [smem:$0x3FB4];
	_ =	sdelay $0x3  }
0x33: {  	p0 =	seq.s32 s10, $0x1;
	s10 =	sld [smem:$0x3FB6];
	_ =	sdelay $0x3  }
0x34: {  	[smem:$0x3FB6] =	sst s10  }
0x35: {  	s10 =	sld [smem:$0x3FB5];
	_ =	sdelay $0x3  }
0x36: {  	p1 =	seq.s32 s10, $0x1;
	s10 =	sld [smem:$0x3FB6];
	_ =	sdelay $0x3  }
0x37: {  	[smem:$0x3FB6] =	sst s10  }
0x38: {  	s10 =	sld [smem:$0x3FB7]  }
0x39: {  	_ = 	snop;
	(pc) =	sbr.ind lr, $3  }
0x3a: {  	_ = 	snop  }
0x3b: {  	_ = 	snop  }
0x3c: {  	p2 =	seq.s32 s10, $0x1;
	s10 =	sld [smem:$0x3FB6]  }
0x3d: {  	_ =	shalt  }
0x3e: {  	_ =	shalt  }
0x3f: {  	_ =	shalt  }
0x40: {  	_ =	shalt  }
0x41: {  	_ =	shalt  }
0x42: {  	_ =	shalt  }
0x43: {  	_ =	shalt  }
0x44: {  	_ =	shalt  }
0x45: {  	_ =	shalt  }
0x46: {  	_ =	shalt  }
0x47: {  	_ =	shalt  }
0x48: {  	_ =	shalt  }
0x49: {  	_ =	shalt  }
0x4a: {  	_ =	shalt  }
0x4b: {  	_ =	shalt  }
0x4c: {  	_ =	shalt  }
0x4d: {  	_ =	shalt  }
0x4e: {  	_ =	shalt  }
0x4f: {  	_ =	shalt  }
0x50: {  	_ =	shalt  }
0x51: {  	_ =	shalt  }
0x52: {  	_ =	shalt  }
0x53: {  	_ =	shalt  }
0x54: {  	_ =	shalt  }
0x55: {  	_ =	shalt  }
0x56: {  	_ =	shalt  }
0x57: {  	_ =	shalt  }
0x58: {  	_ =	shalt  }
0x59: {  	_ =	shalt  }
0x5a: {  	_ =	shalt  }
0x5b: {  	_ =	shalt  }
0x5c: {  	_ =	shalt  }
0x5d: {  	_ =	shalt  }
0x5e: {  	_ =	shalt  }
0x5f: {  	_ =	shalt  }
0x60: {  	_ =	shalt  }
0x61: {  	_ =	shalt  }
0x62: {  	_ =	shalt  }
0x63: {  	_ =	shalt  }
0x64: {  	_ =	shalt  }
0x65: {  	_ =	shalt  }
0x66: {  	_ =	shalt  }
0x67: {  	_ =	shalt  }
0x68: {  	_ =	shalt  }
0x69: {  	_ =	shalt  }
0x6a: {  	_ =	shalt  }
0x6b: {  	_ =	shalt  }
0x6c: {  	_ =	shalt  }
0x6d: {  	_ =	shalt  }
0x6e: {  	_ =	shalt  }
0x6f: {  	_ =	shalt  }
0x70: {  	_ =	shalt  }
0x71: {  	_ =	shalt  }
0x72: {  	_ =	shalt  }
0x73: {  	_ =	shalt  }
0x74: {  	_ =	shalt  }
0x75: {  	_ =	shalt  }
0x76: {  	_ =	shalt  }
0x77: {  	_ =	shalt  }
0x78: {  	_ =	shalt  }
0x79: {  	_ =	shalt  }
0x7a: {  	_ =	shalt  }
0x7b: {  	_ =	shalt  }
0x7c: {  	_ =	shalt  }
0x7d: {  	_ =	shalt  }
0x7e: {  	_ =	shalt  }
0x7f: {  	_ =	shalt  }
0x80: {  	_ =	shalt  }
0x81: {  	_ =	shalt  }
0x82: {  	_ =	shalt  }
0x83: {  	_ =	shalt  }
0x84: {  	_ =	shalt  }
0x85: {  	_ =	shalt  }
0x86: {  	_ =	shalt  }
0x87: {  	_ =	shalt  }
.Lfunc_end0:
.L_simem_size_0:
called_computation_lowered:
.L_overlay_start_0:
0x88: {  	s2 =	sld [smem:$0x3FD9]  }
0x89: {  	s3 =	sld [smem:$0x3FFE];
	_ =	sdelay $0x1  }
0x8a: {  	s1 =	srdreg.scid  }
0x8b: {  	s0 =	sand.u32 $0x1, s1  }
0x8c: {  	s17 =	sshll.u32 s0, $0xA;
	s2 =	sadd.s32 s3, s2  }
0x8d: {  	s2 =	sadd.s32 s2, s17  }
0x8e: {  	[smem:$0x3FC2] =	sst s2  }
0x8f: {  	_ = 	snop  }
0x90: {  	s2 =	sld [smem:$0x3FD0];
	(tm) =	ssettm $0x1  }
0x91: {  	s18 =	sld [smem:$0x3FFB];
	_ =	sdelay $0x3  }
0x92: {  	_ =	strace s18  }
0x93: {  	s3 =	sld [smem:$0x3FFC];
	_ =	sdelay $0x3  }
0x94: {  	_ =	strace s3  }
0x95: {  	s3 =	sld [smem:$0x3FFD];
	_ =	sdelay $0x3  }
0x96: {  	_ =	strace s3  }
0x97: {  	_ =	strace $0x8FFFFFFF  }
0x98: {  	s19 =	sld [smem:$0x3FDB];
	_ =	sdelay $0x1  }
0x99: {  	s4 =	simm.s32 $_scs_section_size  }
0x9a: {  	s5 =	simm.s32 $_size__tile_overlayer_lowered;
	s6 =	simm.s32 $_tile_overlayer_lowered  }
0x9b: {  	s22 =	simm.s32 $0x1BFF;
	s21 =	sshll.u32 s6, $0x1;
	s3 =	sadd.s32 s4, s19  }
0x9c: {  	s7 =	simm.s32 $0x0;
	s20 =	sshll.u32 s5, $0x1;
	s5 =	sadd.s32 s21, s3  }
0x9d: {  	[timem:s7], [sflag:s22] =	dma.local [hbm:s5], s20  }
0x9e: {  	_ =	swait.ge [sflag:s22], s20  }
0x9f: {  	s4 =	ssub.s32 $0x0, s20;
	[sflag:s22] =	ssyncset.done $0x0  }
0xa0: {  	[sflag:s22] =	ssyncadd.s32 s4;
	_ =	sdelay $0x1  }
0xa1: {  	s23 =	simm.s32 $0x1B8B  }
0xa2: {  	_ =	swait.ge [sflag:s23], $0x1  }
0xa3: {  	[sflag:s23] =	ssyncset.done $0x0  }
0xa4: {  	s25 =	simm.s32 $0x1B8E;
	s24 =	sld [smem:$0x3FFE];
	[sflag:s23] =	ssyncadd.s32 $0xFFFFFFFF  }
0xa5: {  	s26 =	simm.s32 $execute0_lowered;
	[smem:$0x3FD2] =	sst s25  }
0xa6: {  	s5 =	sshll.u32 s26, $0x1;
	_ =	strace $0x80000046;
	[dreg:$0x1] =	wrdreg $0xFFFFFFFF  }
0xa7: {  	s28 =	simm.s32 $_size_execute0_lowered;
	s3 =	sadd.s32 s3, s5;
	[dreg:$0x0] =	wrdreg $0x0  }
0xa8: {  	s5 =	sshll.u32 s28, $0x1;
	[dreg:$0x2] =	wrdreg s3  }
0xa9: {  	[dreg:$0x3] =	wrdreg s5  }
0xaa: {  	[dreg:$0x4] =	wrdreg $0xC0  }
0xab: {  	_ =	task [dreg:s7], $0x5FFFF  }
0xac: {  	[dreg:$0x1] =	wrdreg $0xFFFFFFFF  }
0xad: {  	[dreg:$0x0] =	wrdreg $0x60  }
0xae: {  	[dreg:$0x2] =	wrdreg s2  }
0xaf: {  	[dreg:$0x3] =	wrdreg s24  }
0xb0: {  	[dreg:$0x4] =	wrdreg $0x9  }
0xb1: {  	_ =	task.clear_ibuf [dreg:s7], $0x5FFFF;
	_ =	strace $0x90000046  }
0xb2: {  	s29 =	simm.s32 $0x9;
	_ =	strace $0x80000048  }
0xb3: {  	_ =	swait.ge [sflag:s29], $0x1  }
0xb4: {  	[sflag:s29] =	ssyncadd.s32 $0xFFFFFFFF  }
0xb5: {  	_ =	strace $0x90000048  }
0xb6: {  	_ =	sfence  }
0xb7: {  	s30 =	sld [smem:$0x0];
	_ =	sdelay $0x2  }
0xb8: {  	s31 =	sshll.u32 s1, $0xD;
	s1 =	sshrl.u32 s1, $0x2  }
0xb9: {  	s3 =	sand.u32 $0x4000, s31;
	s1 =	sadd.s32 s1, s30  }
0xba: {  	s0 =	sor.u32 s3, s0;
	s1 =	sshll.u32 s1, $0x11  }
0xbb: {  	s0 =	sor.u32 s1, s0  }
0xbc: {  	s0 =	sadd.s32 $0x8F2B, s0  }
0xbd: {  	[sflag:s0] =	ssyncadd.remote.s32 $0x1  }
0xbe: {  	_ =	sfence.sel $0xFFFF  }
0xbf: {  	[dreg:$0x0] =	wrdreg $0xFFFFFFFF;
	(pc) =	sbr.abs _section_cstart, $3  }
0xc0: {  	[dreg:$0x1] =	wrdreg $0xFFFFFFFF  }
0xc1: {  	_ =	task.clear_ibuf [dreg:s7], $0x2FFFF;
	_ =	strace $0x9FFFFFFF  }
0xc2: {  	(tm) =	ssettm $0x7FFFFFFF  }
0xc3: {  	_ =	shalt  }
tec
execute0_lowered:
.L_overlay_start_1:
0x0: {  	(tag) =	ssettag $0x1  }
0x1: {  	s3 =	rddreg [dreg:$0x0]  }
0x2: {  	s4 =	rddreg [dreg:$0x1]  }
0x3: {  	s2 =	srdreg.scid;
	s1 =	stileid.u32  }
0x4: {  	s0 =	rddreg [dreg:$0x2];
	v0 =	vimm.s32 $0xFFEDCBA9;
	v1 =	vimm.s32 $0x87654321;
	s10 =	simm.s32 $0x2780;
	s11 =	simm.s32 $0x0  }
0x5: {  	s5 =	sand.u32 $0x1, s2;
	s6 =	sshll.u32 s1, $0x1;
	s2 =	simm.s32 $0x0;
	v0 =	vunpack.c.l.s4.s8 v0;
	v1 =	vunpack.c.l.s4.s8 v1  }
0x6: {  	v2 =	vimm.s32 $0xEDCBA987;
	v3 =	vimm.s32 $0x65432100;
	s7 =	sshrl.u32 s1, $0x2;
	s6 =	sor.u32 s5, s6;
	[smem:$0x7FF] =	sst s2  }
0x7: {  	v2 =	vunpack.c.l.s4.s8 v2;
	s7 =	smul.u32 $0x13C00, s7;
	s5 =	ssub.s32 $0x2, s5;
	s8 =	sshll.u32 s6, $0x7;
	v0 =	vunpack.c.0.s8.s32 v0;
	v1 =	vunpack.c.0.s8.s32 v1  }
0x8: {  	v3 =	vunpack.c.l.s4.s8 v3;
	s6 =	smul.u32 $0x4E2, s6;
	_ =	strace $0x80000047;
	s9 =	sshrl.u32 s5, $0x1  }
0x9: {  	v2 =	vunpack.c.0.s8.s32 v2;
	s8 =	sand.u32 $0x380, s8;
	s5 =	ssub.s32 s5, s9;
	s9 =	simm.s32 $0x4F00;
	v4 =	vcombine.low v1, v0  }
0xa: {  	vm0 =	vcmask $0x3F3C;
	v3 =	vunpack.c.0.s8.s32 v3;
	s7 =	sor.u32 s7, s8;
	s4 =	sadd.s32 s6, s4;
	s5 =	smax.u32 s5, $0x1;
	v0 =	vimm.f32 $0.0e+00  }
0xb: {  	v1 =	vand.u32 $0xF, v2;
	s6 =	simm.s32 $0x80;
	s8 =	simm.s32 $0x1;
	s31 =	sshrl.u32 s7, $0x3;
	v2 =	vand.u32 $0xF, v4;
	v4 =	vlaneseq.u32  }
0xc: {  	s4 =	sadd.s32 $0x1E00, s4;
	s7 =	simm.s32 $0x400;
	v1 =	vcombine.low v3, v1;
	s3 =	sadd.s32 s3, s31;
	v3 =	vor.u32 $0x80000000, v4;
	v4 =	vadd.s32 $0x1, v4  }
.LBB2_1:
0xd: {  	[tilespmem:s2], [sflag:$0x1] =	stream.strided.gather [hbm4b:s3+s6], $0x2780, s7, s6, $0x38;
	[tilespmem:$0x4F80] =	vst v63  }
0xe: {  	_ =	swait.ge [sflag:s8], $0x2780  }
0xf: {  	[sflag:s8] =	ssyncset.done $0x0  }
0x10: {  	s12 =	simm.s32 $0x0;
	[sflag:s8] =	ssyncadd.s32 $0xFFFFD880  }
.LBB2_2:
0x11: {  	p0 =	sne.s32 s12, $0x9C00  }
.Ltmp0:
0x12: {  	_ = 	snop;
	(pc) =	sbr.rel @p0 .LBB2_2-.Ltmp0, $3  }
0x13: {  	_ =	sdelay $0x1  }
0x14: {  	s13 =	sshra.s32 s12, $0x2  }
0x15: {  	s12 =	sadd.s32 $0x40, s12;
	[tilespmem:s13+$0x2780] =	vst v0  }
0x16: {  	s12 =	simm.s32 $0x0  }
0x17: {  	v5 =	vld [tilespmem:s12+$0x0];
	_ =	sdelay $0x4  }
0x18: {  	(xrf1) =	vsort.ascd.msk.u32 $0xffff, v5, v5;
	_ =	sdelay $0xd  }
0x19: {  	v5, _, _ =	vpop (xrf1)  }
0x1a: {  	[tilespmem:$0x4F00] =	vst v5  }
0x1b: {  	v6 =	vld.idx.msk [tilespmem:v1+s9+$0x0], $0xffff;
	_ =	sdelay $0x4  }
0x1c: {  	vm1 =	veq.s32 v5, v6  }
0x1d: {  	v6 =	vsel vm1, $0x80000000, v3  }
0x1e: {  	(xrf0) =	vmax.scan.msk.u32 $0xffff, v6  }
0x1f: {  	v6 =	vld.idx.msk [tilespmem:v2+s9+$0x0], $0xffff;
	_ =	sdelay $0x4  }
0x20: {  	v7 =	vld.idx.msk [tilespmem:v5+s10+$0x0], $0xffff;
	vm1 =	vne.s32 v5, v6;
	v8, _, _ =	vpop (xrf0)  }
0x21: {  	vm1 =	vmor vm1, vm0;
	v8 =	vxor.u32 $0x80000000, v8  }
0x22: {  	v8 =	vsub.s32 v4, v8  }
0x23: {  	v8 =	vcvt.s32.f32 v8;
	_ =	sdelay $0x1  }
0x24: {  	s13 =	simm.s32 $0x80;
	s12 =	simm.s32 $0x40;
	v6 =	vadd.f32 v8, v7  }
.LBB2_4:
0x25: {  	p0 =	sne.s32 s13, $0x9C00  }
0x26: {  	s14 =	sshra.s32 s12, $0x2;
	s12 =	smov.u32 s13;
	s13 =	sadd.s32 $0x40, s13;
	[tilespmem:v5+s10+$0x0] =	vst.idx.msk vm1, v6  }
0x27: {  	v5 =	vld [tilespmem:s14+$0x0];
	_ =	sdelay $0x4  }
0x28: {  	(xrf1) =	vsort.ascd.msk.u32 $0xffff, v5, v5;
	_ =	sdelay $0xd  }
0x29: {  	v5, _, _ =	vpop (xrf1)  }
0x2a: {  	[tilespmem:$0x4F00] =	vst v5  }
0x2b: {  	v6 =	vld.idx.msk [tilespmem:v1+s9+$0x0], $0xffff;
	_ =	sdelay $0x5  }
0x2c: {  	vm1 =	veq.s32 v5, v6  }
0x2d: {  	v6 =	vsel vm1, $0x80000000, v3  }
0x2e: {  	v7 =	vld.idx.msk [tilespmem:v2+s9+$0x0], $0xffff;
	(xrf0) =	vmax.scan.msk.u32 $0xffff, v6;
	_ =	sdelay $0x4  }
0x2f: {  	v6 =	vld.idx.msk [tilespmem:v5+s10+$0x0], $0xffff  }
0x30: {  	vm1 =	vne.s32 v5, v7;
	v7, _, _ =	vpop (xrf0)  }
.Ltmp1:
0x31: {  	vm1 =	vmor vm1, vm0;
	v7 =	vxor.u32 $0x80000000, v7;
	(pc) =	sbr.rel @p0 .LBB2_4-.Ltmp1, $3  }
0x32: {  	v7 =	vsub.s32 v4, v7  }
0x33: {  	v7 =	vcvt.s32.f32 v7;
	_ =	sdelay $0x1  }
0x34: {  	v6 =	vadd.f32 v7, v6  }
0x35: {  	_ =	sdelay $0x4  }
0x36: {  	s12 =	sshra.s32 s12, $0x2;
	[tilespmem:v5+s10+$0x0] =	vst.idx.msk vm1, v6  }
0x37: {  	v5 =	vld [tilespmem:s12+$0x0];
	_ =	sdelay $0x4  }
0x38: {  	(xrf1) =	vsort.ascd.msk.u32 $0xffff, v5, v5;
	_ =	sdelay $0xd  }
0x39: {  	v5, _, _ =	vpop (xrf1)  }
0x3a: {  	[tilespmem:$0x4F00] =	vst v5  }
0x3b: {  	v6 =	vld.idx.msk [tilespmem:v1+s9+$0x0], $0xffff;
	_ =	sdelay $0x4  }
0x3c: {  	vm1 =	veq.s32 v5, v6  }
0x3d: {  	v6 =	vsel vm1, $0x80000000, v3  }
0x3e: {  	(xrf0) =	vmax.scan.msk.u32 $0xffff, v6  }
0x3f: {  	v6 =	vld.idx.msk [tilespmem:v2+s9+$0x0], $0xffff;
	_ =	sdelay $0x4  }
0x40: {  	v7 =	vld.idx.msk [tilespmem:v5+s10+$0x0], $0xffff;
	vm1 =	vne.s32 v5, v6;
	v6, _, _ =	vpop (xrf0)  }
0x41: {  	vm1 =	vmor vm1, vm0;
	v6 =	vxor.u32 $0x80000000, v6  }
0x42: {  	v6 =	vsub.s32 v4, v6  }
0x43: {  	v6 =	vcvt.s32.f32 v6;
	_ =	sdelay $0x1  }
0x44: {  	s11 =	sadd.s32 $0x1, s11;
	v6 =	vadd.f32 v6, v7  }
0x45: {  	p0 =	sne.s32 s11, s5  }
.Ltmp2:
0x46: {  	[tilespmem:v5+s10+$0x0] =	vst.idx.msk vm1, v6;
	(pc) =	sbr.rel @p0 .LBB2_1-.Ltmp2, $4  }
0x47: {  	[hbm4b:s4+s2] =	stream.linear.scatter [tilespmem:s10], [sflag:$0x1], $0x2710, $0x38;
	[tilespmem:$0x4F80] =	vst v63  }
0x48: {  	_ =	swait.ge [sflag:s8], $0x2710  }
0x49: {  	[sflag:s8] =	ssyncset.done $0x0  }
0x4a: {  	[sflag:s8] =	ssyncadd.s32 $0xFFFFD8F0  }
0x4b: {  	_ =	sfence.sel $0x180000  }
0x4c: {  	[bflag:$0x0] =	sbarrier.arrive $0xFFFF  }
0x4d: {  	p0 =	sne.s32 s1, $0x0;
	_ =	strace $0x90000047  }
0x4e: {  	s0 =	sadd.s32 @!p0 $0x100000, s0;
	[bflag:$0x2] =	sbarrier.arrive $0xFFFF  }
0x4f: {  	[sflag:s0] =	ssyncadd.tile.s32 @!p0 $0x1;
	_ =	shalt  }
.Lfunc_end2:
_tile_overlayer_lowered:
.L_overlay_start_2:
0x50: {  	(tag) =	ssettag $0x2  }
0x51: {  	s0 =	rddreg [dreg:$0x0];
	s2 =	stileid.u32  }
0x52: {  	s1 =	rddreg [dreg:$0x1];
	p0 =	sne.s32 s2, $0x0  }
0x53: {  	s3 =	rddreg [dreg:$0x2];
	[bflag:$0x3] =	sbarrier.arrive $0xFFFF;
	s2 =	simm.s32 @!p0 $0x1C01  }
0x54: {  	[timem:s3], [sflag:s2] =	dma.local @!p0 [hbm:s0], s1  }
0x55: {  	s0 =	simm.s32 @!p0 $0x1  }
0x56: {  	_ =	swait.ge @!p0 [sflag:s0], s1  }
0x57: {  	s1 =	ssub.s32 @!p0 $0x0, s1;
	[sflag:s0] =	ssyncset.done @!p0 $0x0  }
0x58: {  	[sflag:s0] =	ssyncadd.s32 @!p0 s1  }
0x59: {  	[bflag:$0x3] =	sbarrier.arrive $0xFFFF  }
0x5a: {  	_ =	shalt  }

</sc_bundles>
